<compile_context>
chip_gen: v7x
topology: tpu7x:2x2x1
jax: 0.10.2.dev20260603
libtpu: 0.0.44.dev20260713+nightly
codegen_flags: <defaults>
</compile_context>

<pallas_src>
import functools

import jax
import jax.numpy as jnp
from jax import lax
from jax.experimental import pallas as pl
from jax.experimental.pallas import tpu as pltpu
from jax.experimental.pallas import tpu_sc as plsc

_NC = 2
_NS = 16
_NW = _NC * _NS

_N_ATOMS = 10000
_N_PAIRS = 320000
_N_PAD = 10240
_ROWS_PER_TILE = _N_PAD // _NS
_PAIRS_PER_W = _N_PAIRS // _NW
_CHUNK = 1000
_N_CHUNKS = _PAIRS_PER_W // _CHUNK

_PAIR_BLOCK = 8000
_D = 16


def _f32(*shape):
    return jax.ShapeDtypeStruct(shape, jnp.float32)


def _pp_pre_body(p1, w1, b1, w2, b2, out):
    x = jnp.tanh(jnp.dot(p1[...], w1[...],
                         preferred_element_type=jnp.float32) + b1[...])
    out[...] = jnp.tanh(jnp.dot(x, w2[...],
                                preferred_element_type=jnp.float32) + b2[...])


def _pp_pre(p1, w1, b1, w2, b2):
    return pl.pallas_call(
        _pp_pre_body,
        out_shape=_f32(_N_ATOMS, _D),
    )(p1, w1, b1, w2, b2)


def _sc_gather_body(tbl, ind_i, ind_j, out_i, out_j,
                    idx_i, idx_j, rows_i, rows_j, sem_g, sem_w):
    wid = lax.axis_index("s") * _NC + lax.axis_index("c")
    base_w = wid * _PAIRS_PER_W
    gathers = [None] * _N_CHUNKS
    writes = [None] * _N_CHUNKS

    def drain(t):
        b = t % 2
        base = base_w + t * _CHUNK
        gathers[t][0].wait()
        gathers[t][1].wait()
        writes[t] = (
            pltpu.async_copy(rows_i[b], out_i.at[pl.ds(base, _CHUNK)], sem_w),
            pltpu.async_copy(rows_j[b], out_j.at[pl.ds(base, _CHUNK)], sem_w))

    for t in range(_N_CHUNKS):
        b = t % 2
        base = base_w + t * _CHUNK
        if t >= 2:
            writes[t - 2][0].wait()
            writes[t - 2][1].wait()
        pltpu.sync_copy(ind_i.at[pl.ds(base, _CHUNK)], idx_i[b])
        pltpu.sync_copy(ind_j.at[pl.ds(base, _CHUNK)], idx_j[b])
        gathers[t] = (pltpu.async_copy(tbl.at[idx_i[b]], rows_i[b], sem_g),
                      pltpu.async_copy(tbl.at[idx_j[b]], rows_j[b], sem_g))
        if t >= 1:
            drain(t - 1)
    drain(_N_CHUNKS - 1)
    for t in (_N_CHUNKS - 2, _N_CHUNKS - 1):
        writes[t][0].wait()
        writes[t][1].wait()


@functools.cache
def _sc_gather():
    return functools.partial(
        pl.kernel,
        out_type=[_f32(_N_PAIRS, _D), _f32(_N_PAIRS, _D)],
        mesh=plsc.VectorSubcoreMesh(core_axis_name="c", subcore_axis_name="s",
                                    num_cores=_NC, num_subcores=_NS),
        scratch_types=[
            [pltpu.VMEM((_CHUNK,), jnp.int32)] * 2,
            [pltpu.VMEM((_CHUNK,), jnp.int32)] * 2,
            [pltpu.VMEM((_CHUNK, _D), jnp.float32)] * 2,
            [pltpu.VMEM((_CHUNK, _D), jnp.float32)] * 2,
            pltpu.SemaphoreType.DMA,
            pltpu.SemaphoreType.DMA,
        ],
        compiler_params=pltpu.CompilerParams(use_tc_tiling_on_sc=False),
    )(_sc_gather_body)


_PACK_ROWS = _N_PAIRS // 8
_PACK_BLOCK = 1600
_GRP = _PACK_BLOCK


def _pair_body(pi, pj, bs_t, wbig, bpi8, tmat, sbig, wii1b, wii2b,
               wii2bt, out_pk, out_t):
    cat = jnp.concatenate([pi[...], pj[...]], axis=1)
    u = jnp.dot(cat, wbig[...], preferred_element_type=jnp.float32) + bpi8[...]
    u = jnp.tanh(u)
    b_all = bs_t[...].T
    tiled = jnp.concatenate(
        [jnp.dot(b_all[_GRP * k:_GRP * (k + 1)], tmat[...],
                 preferred_element_type=jnp.float32) for k in range(8)],
        axis=1)
    w = jnp.dot(u * tiled, sbig[...], preferred_element_type=jnp.float32)
    w = jnp.tanh(jnp.dot(w, wii1b[...], preferred_element_type=jnp.float32))
    y = jnp.tanh(jnp.dot(w, wii2b[...], preferred_element_type=jnp.float32))
    out_pk[...] = y
    yt = jnp.tanh(jnp.dot(wii2bt[...], w.T,
                          preferred_element_type=jnp.float32))
    out_t[...] = jnp.concatenate(
        [yt[16 * k:16 * (k + 1), :] for k in range(8)], axis=1)


def _pair_stage(pi_p, pj_p, basis_t, wbig, bpi8, tmat, sbig, wii1b, wii2b,
                wii2bt):
    nblk = _PACK_ROWS // _PACK_BLOCK
    blk = lambda: pl.BlockSpec((_PACK_BLOCK, 128), lambda i: (i, 0))
    tblk = lambda: pl.BlockSpec((16, 8 * _GRP), lambda i: (0, i))
    full = lambda r, c: pl.BlockSpec((r, c), lambda i: (0, 0))
    return pl.pallas_call(
        _pair_body,
        grid=(nblk,),
        in_specs=[
            blk(), blk(), tblk(),
            full(256, 2048), full(1, 2048),
            full(16, 256), full(2048, 128),
            full(128, 128), full(128, 128), full(128, 128),
        ],
        out_specs=[blk(), tblk()],
        out_shape=[_f32(_PACK_ROWS, 128), _f32(16, _N_PAIRS)],
        compiler_params=pltpu.CompilerParams(fuse_transposed_lhs_in_matmul=True),
    )(pi_p, pj_p, basis_t, wbig, bpi8, tmat, sbig, wii1b, wii2b, wii2bt)


def _sc_scatter_body(ipair, ind_i, zeros, out, idx_v, rows_v, agg, sem):
    cid = lax.axis_index("c")
    sid = lax.axis_index("s")
    wid = sid * _NC + cid
    r0 = sid * _ROWS_PER_TILE
    pltpu.sync_copy(zeros.at[pl.ds(r0, _ROWS_PER_TILE)],
                    agg.at[pl.ds(r0, _ROWS_PER_TILE)])
    plsc.subcore_barrier()
    base_w = wid * _PAIRS_PER_W

    def load(t):
        b = t % 2
        base = base_w + t * _CHUNK
        return (
            pltpu.async_copy(ind_i.at[pl.ds(base, _CHUNK)], idx_v[b], sem),
            pltpu.async_copy(ipair.at[pl.ds(base, _CHUNK)], rows_v[b], sem))

    pend = load(0)
    for t in range(_N_CHUNKS):
        b = t % 2
        pend[0].wait()
        pend[1].wait()
        if t + 1 < _N_CHUNKS:
            pend = load(t + 1)
        pltpu.sync_copy(rows_v[b], agg.at[idx_v[b]], add=True)
    plsc.subcore_barrier()
    pltpu.sync_copy(agg.at[pl.ds(r0, _ROWS_PER_TILE)],
                    out.at[cid, pl.ds(r0, _ROWS_PER_TILE)])


@functools.cache
def _sc_scatter():
    return functools.partial(
        pl.kernel,
        out_type=_f32(_NC, _N_PAD, _D),
        mesh=plsc.VectorSubcoreMesh(core_axis_name="c", subcore_axis_name="s",
                                    num_cores=_NC, num_subcores=_NS),
        scratch_types=[
            [pltpu.VMEM((_CHUNK,), jnp.int32)] * 2,
            [pltpu.VMEM((_CHUNK, _D), jnp.float32)] * 2,
            pltpu.VMEM_SHARED((_N_PAD, _D), jnp.float32),
            pltpu.SemaphoreType.DMA,
        ],
        compiler_params=pltpu.CompilerParams(use_tc_tiling_on_sc=False),
    )(_sc_scatter_body)


def _pp_post_body(a0, a1, w1, w2, out):
    agg = a0[...] + a1[...]
    x = jnp.tanh(jnp.dot(agg, w1[...], preferred_element_type=jnp.float32))
    out[...] = jnp.tanh(jnp.dot(x, w2[...], preferred_element_type=jnp.float32))


def _pp_post(a0, a1, w1, w2):
    return pl.pallas_call(
        _pp_post_body,
        out_shape=_f32(_N_ATOMS, _D),
    )(a0, a1, w1, w2)


def _perm(x):
    nblk = _PACK_ROWS // _PACK_BLOCK
    return x.reshape(nblk, 8, _GRP).transpose(0, 2, 1).reshape(-1)


def kernel(ind_2, p1, basis, W_pre1, b_pre1, W_pre2, b_pre2, W_pi, b_pi,
           W_ii1, W_ii2, W_po1, W_po2):
    ind_i = _perm(ind_2[:, 0])
    ind_j = _perm(ind_2[:, 1])

    p1_in = _pp_pre(p1, W_pre1, b_pre1.reshape(1, -1),
                    W_pre2, b_pre2.reshape(1, -1))

    prop_i, prop_j = _sc_gather()(p1_in, ind_i, ind_j)

    eye16 = jnp.eye(16, dtype=jnp.float32)
    eye8 = jnp.eye(8, dtype=jnp.float32)
    tmat = jnp.tile(eye16, (1, 16))
    smat = jnp.repeat(eye16, 16, axis=0)
    wbig = jnp.concatenate([jnp.kron(eye8, W_pi[:16]),
                            jnp.kron(eye8, W_pi[16:])], axis=0)
    bpi8 = jnp.tile(b_pi, 8).reshape(1, -1)
    sbig = jnp.kron(eye8, smat)
    wii1b = jnp.kron(eye8, W_ii1)
    wii2b = jnp.kron(eye8, W_ii2)
    wii2bt = jnp.kron(eye8, W_ii2.T)
    i_pair_pk, i_pair_t = _pair_stage(
        prop_i.reshape(_PACK_ROWS, 128), prop_j.reshape(_PACK_ROWS, 128),
        basis.T, wbig, bpi8, tmat, sbig, wii1b, wii2b, wii2bt)

    zeros = jnp.zeros((_N_PAD, _D), jnp.float32)
    partials = _sc_scatter()(i_pair_pk.reshape(_N_PAIRS, _D), ind_i, zeros)

    p1_new = _pp_post(partials[0, :_N_ATOMS], partials[1, :_N_ATOMS],
                      W_po1, W_po2)
    return (p1_new, i_pair_t.T)

# --- scband reference (transcript-rebuilt; emitter-appended) ---
"""Pipeline reference for scband-invar-layer-torch-5196910428399 (READ-ONLY COPY).

The authoritative reference and input builder live on the scoring server;
editing this copy changes nothing except your own understanding.
"""

import jax, jax.numpy as jnp
import numpy as np

N_ATOMS = 10000
N_PAIRS = 320000
D_FEAT = 128
N_BASIS = 16
PP = [32, 16]
PI_OUT = 16
II = [16, 16]


def setup_inputs(seed: int = 0) -> dict:
    key = jax.random.key(seed)
    ks = jax.random.split(key, 12)
    ind_2 = jax.random.randint(ks[0], (N_PAIRS, 2), 0, N_ATOMS, dtype=jnp.int32)
    p1 = jax.random.normal(ks[1], (N_ATOMS, D_FEAT), dtype=jnp.float32)
    basis = jax.random.uniform(ks[2], (N_PAIRS, N_BASIS), dtype=jnp.float32)

    def glorot(k, shape):
        fan_in, fan_out = shape
        s = jnp.sqrt(2.0 / (fan_in + fan_out))
        return jax.random.normal(k, shape, dtype=jnp.float32) * s

    W_pre1 = glorot(ks[3], (D_FEAT, PP[0]))
    b_pre1 = jnp.zeros((PP[0],), jnp.float32)
    W_pre2 = glorot(ks[4], (PP[0], PP[1]))
    b_pre2 = jnp.zeros((PP[1],), jnp.float32)
    W_pi = glorot(ks[5], (2 * PP[1], PI_OUT * N_BASIS))
    b_pi = jnp.zeros((PI_OUT * N_BASIS,), jnp.float32)
    W_ii1 = glorot(ks[6], (PI_OUT, II[0]))
    W_ii2 = glorot(ks[7], (II[0], II[1]))
    W_po1 = glorot(ks[8], (II[1], PP[0]))
    W_po2 = glorot(ks[9], (PP[0], PP[1]))
    return {
        'ind_2': ind_2, 'p1': p1, 'basis': basis,
        'W_pre1': W_pre1, 'b_pre1': b_pre1, 'W_pre2': W_pre2, 'b_pre2': b_pre2,
        'W_pi': W_pi, 'b_pi': b_pi,
        'W_ii1': W_ii1, 'W_ii2': W_ii2,
        'W_po1': W_po1, 'W_po2': W_po2,
    }


def reference(ind_2, p1, basis, W_pre1, b_pre1, W_pre2, b_pre2, W_pi, b_pi, W_ii1, W_ii2, W_po1, W_po2):
    act = jnp.tanh
    # pp_pre: FFLayer with bias, activation on every dense layer
    p1_in = act(p1 @ W_pre1 + b_pre1)
    p1_in = act(p1_in @ W_pre2 + b_pre2)
    # PILayer: gather endpoints, concat, dense to PI_OUT*N_BASIS, contract with basis
    prop_i = jnp.take(p1_in, ind_2[:, 0], axis=0)
    prop_j = jnp.take(p1_in, ind_2[:, 1], axis=0)
    inter = jnp.concatenate([prop_i, prop_j], axis=-1)
    inter = act(inter @ W_pi + b_pi)
    inter = inter.reshape(-1, PI_OUT, N_BASIS)
    i_pair = jnp.sum(inter * basis[:, None, :], axis=-1)
    # ii: FFLayer without bias
    i_pair = act(i_pair @ W_ii1)
    i_pair = act(i_pair @ W_ii2)
    # IPLayer: scatter-add pair interactions onto destination atoms
    p1_agg = jax.ops.segment_sum(i_pair, ind_2[:, 0], num_segments=N_ATOMS)
    # pp_post: FFLayer without bias
    p1_new = act(p1_agg @ W_po1)
    p1_new = act(p1_new @ W_po2)
    return (p1_new, i_pair)

if __name__ == "__main__":
    import jax
    _d = setup_inputs()
    print(jax.jit(kernel)(*tuple(_d.values())))

</pallas_src>

<mosaic_0001>
#map = affine_map<(d0, d1) -> (0, 0)>
#map1 = affine_map<(d0, d1) -> (0)>
module attributes {stable_mosaic.version = 14 : i64} {
  func.func @_sc_gather_body(%arg0: i32, %arg1: i32, %arg2: memref<10000x16xf32, #tpu.memory_space<hbm>>, %arg3: memref<320000xi32, #tpu.memory_space<hbm>>, %arg4: memref<320000xi32, #tpu.memory_space<hbm>>, %arg5: memref<320000x16xf32, #tpu.memory_space<hbm>>, %arg6: memref<320000x16xf32, #tpu.memory_space<hbm>>, %arg7: memref<1000xi32, #tpu.memory_space<vmem>>, %arg8: memref<1000xi32, #tpu.memory_space<vmem>>, %arg9: memref<1000xi32, #tpu.memory_space<vmem>>, %arg10: memref<1000xi32, #tpu.memory_space<vmem>>, %arg11: memref<1000x16xf32, #tpu.memory_space<vmem>>, %arg12: memref<1000x16xf32, #tpu.memory_space<vmem>>, %arg13: memref<1000x16xf32, #tpu.memory_space<vmem>>, %arg14: memref<1000x16xf32, #tpu.memory_space<vmem>>, %arg15: memref<!tpu.dma_semaphore, #tpu.memory_space<semaphore_mem>>, %arg16: memref<!tpu.dma_semaphore, #tpu.memory_space<semaphore_mem>>) attributes {dimension_semantics = [#tpu.dimension_semantics<core_parallel>, #tpu.dimension_semantics<subcore_parallel>], iteration_bounds = array<i64: 2, 16>, scalar_prefetch = 0 : i64, scratch_operands = 10 : i64, tpu.core_type = #tpu.core_type<sc_vector_subcore>, window_params = [{transform_indices = #map}, {transform_indices = #map1}, {transform_indices = #map1}, {transform_indices = #map}, {transform_indices = #map}]} {
    %mul3A = arith.constant 2 : i32
    %mul3A_0 = arith.muli %arg1, %mul3A : i32
    %add3A = arith.addi %mul3A_0, %arg0 : i32
    %mul3A_1 = arith.constant 10000 : i32
    %mul3A_2 = arith.muli %add3A, %mul3A_1 : i32
    %add3A_3 = arith.constant 0 : i32
    %add3A_4 = arith.addi %mul3A_2, %add3A_3 : i32
    "tpu.region"() ({
      %run_scoped3A = tpu.sem_alloc : memref<!tpu.dma_semaphore, #tpu.memory_space<semaphore_mem>>
      %dma_start3A_321 = tpu.memref_slice %arg3[%add3A_4] : memref<320000xi32, #tpu.memory_space<hbm>> -> memref<1000xi32, #tpu.memory_space<hbm>>
      %dma_start3A_322 = tpu.memref_slice %arg3[%add3A_4] : memref<320000xi32, #tpu.memory_space<hbm>> -> memref<1000xi32, #tpu.memory_space<hbm>>
      tpu.enqueue_dma source(%dma_start3A_322 : memref<1000xi32, #tpu.memory_space<hbm>>) target(%arg7 : memref<1000xi32, #tpu.memory_space<vmem>>) target_semaphore(%run_scoped3A : memref<!tpu.dma_semaphore, #tpu.memory_space<semaphore_mem>>)
      %dma_wait3A_323 = tpu.memref_slice %arg3[%add3A_4] : memref<320000xi32, #tpu.memory_space<hbm>> -> memref<1000xi32, #tpu.memory_space<hbm>>
      %dma_wait3A_324 = tpu.memref_slice %arg3[%add3A_4] : memref<320000xi32, #tpu.memory_space<hbm>> -> memref<1000xi32, #tpu.memory_space<hbm>>
      tpu.wait_dma2 semaphore(%run_scoped3A : memref<!tpu.dma_semaphore, #tpu.memory_space<semaphore_mem>>) src(%dma_wait3A_324 : memref<1000xi32, #tpu.memory_space<hbm>>) dst(%arg7 : memref<1000xi32, #tpu.memory_space<vmem>>)
      tpu.yield
    }) : () -> ()
    "tpu.region"() ({
      %run_scoped3A = tpu.sem_alloc : memref<!tpu.dma_semaphore, #tpu.memory_space<semaphore_mem>>
      %dma_start3A_321 = tpu.memref_slice %arg4[%add3A_4] : memref<320000xi32, #tpu.memory_space<hbm>> -> memref<1000xi32, #tpu.memory_space<hbm>>
      %dma_start3A_322 = tpu.memref_slice %arg4[%add3A_4] : memref<320000xi32, #tpu.memory_space<hbm>> -> memref<1000xi32, #tpu.memory_space<hbm>>
      tpu.enqueue_dma source(%dma_start3A_322 : memref<1000xi32, #tpu.memory_space<hbm>>) target(%arg9 : memref<1000xi32, #tpu.memory_space<vmem>>) target_semaphore(%run_scoped3A : memref<!tpu.dma_semaphore, #tpu.memory_space<semaphore_mem>>)
      %dma_wait3A_323 = tpu.memref_slice %arg4[%add3A_4] : memref<320000xi32, #tpu.memory_space<hbm>> -> memref<1000xi32, #tpu.memory_space<hbm>>
      %dma_wait3A_324 = tpu.memref_slice %arg4[%add3A_4] : memref<320000xi32, #tpu.memory_space<hbm>> -> memref<1000xi32, #tpu.memory_space<hbm>>
      tpu.wait_dma2 semaphore(%run_scoped3A : memref<!tpu.dma_semaphore, #tpu.memory_space<semaphore_mem>>) src(%dma_wait3A_324 : memref<1000xi32, #tpu.memory_space<hbm>>) dst(%arg9 : memref<1000xi32, #tpu.memory_space<vmem>>)
      tpu.yield
    }) : () -> ()
    %dma_start3A = arith.constant 0 : i32
    %dma_start3A_5 = arith.constant 0 : i32
    %dma_start3A_6 = tpu.memref_slice %arg2[%dma_start3A, %dma_start3A_5] : memref<10000x16xf32, #tpu.memory_space<hbm>> -> memref<10000x16xf32, #tpu.memory_space<hbm>>
    tpu.enqueue_indirect_dma source(%dma_start3A_6 : memref<10000x16xf32, #tpu.memory_space<hbm>>) target(%arg11 : memref<1000x16xf32, #tpu.memory_space<vmem>>) offsets(%arg7 : memref<1000xi32, #tpu.memory_space<vmem>>) semaphore(%arg15 : memref<!tpu.dma_semaphore, #tpu.memory_space<semaphore_mem>>)
    %dma_start3A_7 = arith.constant 0 : i32
    %dma_start3A_8 = arith.constant 0 : i32
    %dma_start3A_9 = tpu.memref_slice %arg2[%dma_start3A_7, %dma_start3A_8] : memref<10000x16xf32, #tpu.memory_space<hbm>> -> memref<10000x16xf32, #tpu.memory_space<hbm>>
    tpu.enqueue_indirect_dma source(%dma_start3A_9 : memref<10000x16xf32, #tpu.memory_space<hbm>>) target(%arg13 : memref<1000x16xf32, #tpu.memory_space<vmem>>) offsets(%arg9 : memref<1000xi32, #tpu.memory_space<vmem>>) semaphore(%arg15 : memref<!tpu.dma_semaphore, #tpu.memory_space<semaphore_mem>>)
    %add3A_10 = arith.constant 1000 : i32
    %add3A_11 = arith.addi %mul3A_2, %add3A_10 : i32
    "tpu.region"() ({
      %run_scoped3A = tpu.sem_alloc : memref<!tpu.dma_semaphore, #tpu.memory_space<semaphore_mem>>
      %dma_start3A_321 = tpu.memref_slice %arg3[%add3A_11] : memref<320000xi32, #tpu.memory_space<hbm>> -> memref<1000xi32, #tpu.memory_space<hbm>>
      %dma_start3A_322 = tpu.memref_slice %arg3[%add3A_11] : memref<320000xi32, #tpu.memory_space<hbm>> -> memref<1000xi32, #tpu.memory_space<hbm>>
      tpu.enqueue_dma source(%dma_start3A_322 : memref<1000xi32, #tpu.memory_space<hbm>>) target(%arg8 : memref<1000xi32, #tpu.memory_space<vmem>>) target_semaphore(%run_scoped3A : memref<!tpu.dma_semaphore, #tpu.memory_space<semaphore_mem>>)
      %dma_wait3A_323 = tpu.memref_slice %arg3[%add3A_11] : memref<320000xi32, #tpu.memory_space<hbm>> -> memref<1000xi32, #tpu.memory_space<hbm>>
      %dma_wait3A_324 = tpu.memref_slice %arg3[%add3A_11] : memref<320000xi32, #tpu.memory_space<hbm>> -> memref<1000xi32, #tpu.memory_space<hbm>>
      tpu.wait_dma2 semaphore(%run_scoped3A : memref<!tpu.dma_semaphore, #tpu.memory_space<semaphore_mem>>) src(%dma_wait3A_324 : memref<1000xi32, #tpu.memory_space<hbm>>) dst(%arg8 : memref<1000xi32, #tpu.memory_space<vmem>>)
      tpu.yield
    }) : () -> ()
    "tpu.region"() ({
      %run_scoped3A = tpu.sem_alloc : memref<!tpu.dma_semaphore, #tpu.memory_space<semaphore_mem>>
      %dma_start3A_321 = tpu.memref_slice %arg4[%add3A_11] : memref<320000xi32, #tpu.memory_space<hbm>> -> memref<1000xi32, #tpu.memory_space<hbm>>
      %dma_start3A_322 = tpu.memref_slice %arg4[%add3A_11] : memref<320000xi32, #tpu.memory_space<hbm>> -> memref<1000xi32, #tpu.memory_space<hbm>>
      tpu.enqueue_dma source(%dma_start3A_322 : memref<1000xi32, #tpu.memory_space<hbm>>) target(%arg10 : memref<1000xi32, #tpu.memory_space<vmem>>) target_semaphore(%run_scoped3A : memref<!tpu.dma_semaphore, #tpu.memory_space<semaphore_mem>>)
      %dma_wait3A_323 = tpu.memref_slice %arg4[%add3A_11] : memref<320000xi32, #tpu.memory_space<hbm>> -> memref<1000xi32, #tpu.memory_space<hbm>>
      %dma_wait3A_324 = tpu.memref_slice %arg4[%add3A_11] : memref<320000xi32, #tpu.memory_space<hbm>> -> memref<1000xi32, #tpu.memory_space<hbm>>
      tpu.wait_dma2 semaphore(%run_scoped3A : memref<!tpu.dma_semaphore, #tpu.memory_space<semaphore_mem>>) src(%dma_wait3A_324 : memref<1000xi32, #tpu.memory_space<hbm>>) dst(%arg10 : memref<1000xi32, #tpu.memory_space<vmem>>)
      tpu.yield
    }) : () -> ()
    %dma_start3A_12 = arith.constant 0 : i32
    %dma_start3A_13 = arith.constant 0 : i32
    %dma_start3A_14 = tpu.memref_slice %arg2[%dma_start3A_12, %dma_start3A_13] : memref<10000x16xf32, #tpu.memory_space<hbm>> -> memref<10000x16xf32, #tpu.memory_space<hbm>>
    tpu.enqueue_indirect_dma source(%dma_start3A_14 : memref<10000x16xf32, #tpu.memory_space<hbm>>) target(%arg12 : memref<1000x16xf32, #tpu.memory_space<vmem>>) offsets(%arg8 : memref<1000xi32, #tpu.memory_space<vmem>>) semaphore(%arg15 : memref<!tpu.dma_semaphore, #tpu.memory_space<semaphore_mem>>)
    %dma_start3A_15 = arith.constant 0 : i32
    %dma_start3A_16 = arith.constant 0 : i32
    %dma_start3A_17 = tpu.memref_slice %arg2[%dma_start3A_15, %dma_start3A_16] : memref<10000x16xf32, #tpu.memory_space<hbm>> -> memref<10000x16xf32, #tpu.memory_space<hbm>>
    tpu.enqueue_indirect_dma source(%dma_start3A_17 : memref<10000x16xf32, #tpu.memory_space<hbm>>) target(%arg14 : memref<1000x16xf32, #tpu.memory_space<vmem>>) offsets(%arg10 : memref<1000xi32, #tpu.memory_space<vmem>>) semaphore(%arg15 : memref<!tpu.dma_semaphore, #tpu.memory_space<semaphore_mem>>)
    %add3A_18 = arith.constant 0 : i32
    %add3A_19 = arith.addi %mul3A_2, %add3A_18 : i32
    %dma_wait3A = arith.constant 0 : i32
    %dma_wait3A_20 = arith.constant 0 : i32
    %dma_wait3A_21 = tpu.memref_slice %arg2[%dma_wait3A, %dma_wait3A_20] : memref<10000x16xf32, #tpu.memory_space<hbm>> -> memref<10000x16xf32, #tpu.memory_space<hbm>>
    tpu.wait_indirect_dma semaphore(%arg15 : memref<!tpu.dma_semaphore, #tpu.memory_space<semaphore_mem>>) src(%dma_wait3A_21 : memref<10000x16xf32, #tpu.memory_space<hbm>>) dst(%arg11 : memref<1000x16xf32, #tpu.memory_space<vmem>>)
    %dma_wait3A_22 = arith.constant 0 : i32
    %dma_wait3A_23 = arith.constant 0 : i32
    %dma_wait3A_24 = tpu.memref_slice %arg2[%dma_wait3A_22, %dma_wait3A_23] : memref<10000x16xf32, #tpu.memory_space<hbm>> -> memref<10000x16xf32, #tpu.memory_space<hbm>>
    tpu.wait_indirect_dma semaphore(%arg15 : memref<!tpu.dma_semaphore, #tpu.memory_space<semaphore_mem>>) src(%dma_wait3A_24 : memref<10000x16xf32, #tpu.memory_space<hbm>>) dst(%arg13 : memref<1000x16xf32, #tpu.memory_space<vmem>>)
    %dma_start3A_25 = arith.constant 0 : i32
    %dma_start3A_26 = tpu.memref_slice %arg5[%add3A_19, %dma_start3A_25] : memref<320000x16xf32, #tpu.memory_space<hbm>> -> memref<1000x16xf32, #tpu.memory_space<hbm>>
    %dma_start3A_27 = arith.constant 0 : i32
    %dma_start3A_28 = tpu.memref_slice %arg5[%add3A_19, %dma_start3A_27] : memref<320000x16xf32, #tpu.memory_space<hbm>> -> memref<1000x16xf32, #tpu.memory_space<hbm>>
    tpu.enqueue_dma source(%arg11 : memref<1000x16xf32, #tpu.memory_space<vmem>>) target(%dma_start3A_28 : memref<1000x16xf32, #tpu.memory_space<hbm>>) target_semaphore(%arg16 : memref<!tpu.dma_semaphore, #tpu.memory_space<semaphore_mem>>)
    %dma_start3A_29 = arith.constant 0 : i32
    %dma_start3A_30 = tpu.memref_slice %arg6[%add3A_19, %dma_start3A_29] : memref<320000x16xf32, #tpu.memory_space<hbm>> -> memref<1000x16xf32, #tpu.memory_space<hbm>>
    %dma_start3A_31 = arith.constant 0 : i32
    %dma_start3A_32 = tpu.memref_slice %arg6[%add3A_19, %dma_start3A_31] : memref<320000x16xf32, #tpu.memory_space<hbm>> -> memref<1000x16xf32, #tpu.memory_space<hbm>>
    tpu.enqueue_dma source(%arg13 : memref<1000x16xf32, #tpu.memory_space<vmem>>) target(%dma_start3A_32 : memref<1000x16xf32, #tpu.memory_space<hbm>>) target_semaphore(%arg16 : memref<!tpu.dma_semaphore, #tpu.memory_space<semaphore_mem>>)
    %add3A_33 = arith.constant 2000 : i32
    %add3A_34 = arith.addi %mul3A_2, %add3A_33 : i32
    %dma_wait3A_35 = arith.constant 0 : i32
    %dma_wait3A_36 = tpu.memref_slice %arg5[%add3A_19, %dma_wait3A_35] : memref<320000x16xf32, #tpu.memory_space<hbm>> -> memref<1000x16xf32, #tpu.memory_space<hbm>>
    %dma_wait3A_37 = arith.constant 0 : i32
    %dma_wait3A_38 = tpu.memref_slice %arg5[%add3A_19, %dma_wait3A_37] : memref<320000x16xf32, #tpu.memory_space<hbm>> -> memref<1000x16xf32, #tpu.memory_space<hbm>>
    tpu.wait_dma2 semaphore(%arg16 : memref<!tpu.dma_semaphore, #tpu.memory_space<semaphore_mem>>) src(%arg11 : memref<1000x16xf32, #tpu.memory_space<vmem>>) dst(%dma_wait3A_38 : memref<1000x16xf32, #tpu.memory_space<hbm>>)
    %dma_wait3A_39 = arith.constant 0 : i32
    %dma_wait3A_40 = tpu.memref_slice %arg6[%add3A_19, %dma_wait3A_39] : memref<320000x16xf32, #tpu.memory_space<hbm>> -> memref<1000x16xf32, #tpu.memory_space<hbm>>
    %dma_wait3A_41 = arith.constant 0 : i32
    %dma_wait3A_42 = tpu.memref_slice %arg6[%add3A_19, %dma_wait3A_41] : memref<320000x16xf32, #tpu.memory_space<hbm>> -> memref<1000x16xf32, #tpu.memory_space<hbm>>
    tpu.wait_dma2 semaphore(%arg16 : memref<!tpu.dma_semaphore, #tpu.memory_space<semaphore_mem>>) src(%arg13 : memref<1000x16xf32, #tpu.memory_space<vmem>>) dst(%dma_wait3A_42 : memref<1000x16xf32, #tpu.memory_space<hbm>>)
    "tpu.region"() ({
      %run_scoped3A = tpu.sem_alloc : memref<!tpu.dma_semaphore, #tpu.memory_space<semaphore_mem>>
      %dma_start3A_321 = tpu.memref_slice %arg3[%add3A_34] : memref<320000xi32, #tpu.memory_space<hbm>> -> memref<1000xi32, #tpu.memory_space<hbm>>
      %dma_start3A_322 = tpu.memref_slice %arg3[%add3A_34] : memref<320000xi32, #tpu.memory_space<hbm>> -> memref<1000xi32, #tpu.memory_space<hbm>>
      tpu.enqueue_dma source(%dma_start3A_322 : memref<1000xi32, #tpu.memory_space<hbm>>) target(%arg7 : memref<1000xi32, #tpu.memory_space<vmem>>) target_semaphore(%run_scoped3A : memref<!tpu.dma_semaphore, #tpu.memory_space<semaphore_mem>>)
      %dma_wait3A_323 = tpu.memref_slice %arg3[%add3A_34] : memref<320000xi32, #tpu.memory_space<hbm>> -> memref<1000xi32, #tpu.memory_space<hbm>>
      %dma_wait3A_324 = tpu.memref_slice %arg3[%add3A_34] : memref<320000xi32, #tpu.memory_space<hbm>> -> memref<1000xi32, #tpu.memory_space<hbm>>
      tpu.wait_dma2 semaphore(%run_scoped3A : memref<!tpu.dma_semaphore, #tpu.memory_space<semaphore_mem>>) src(%dma_wait3A_324 : memref<1000xi32, #tpu.memory_space<hbm>>) dst(%arg7 : memref<1000xi32, #tpu.memory_space<vmem>>)
      tpu.yield
    }) : () -> ()
    "tpu.region"() ({
      %run_scoped3A = tpu.sem_alloc : memref<!tpu.dma_semaphore, #tpu.memory_space<semaphore_mem>>
      %dma_start3A_321 = tpu.memref_slice %arg4[%add3A_34] : memref<320000xi32, #tpu.memory_space<hbm>> -> memref<1000xi32, #tpu.memory_space<hbm>>
      %dma_start3A_322 = tpu.memref_slice %arg4[%add3A_34] : memref<320000xi32, #tpu.memory_space<hbm>> -> memref<1000xi32, #tpu.memory_space<hbm>>
      tpu.enqueue_dma source(%dma_start3A_322 : memref<1000xi32, #tpu.memory_space<hbm>>) target(%arg9 : memref<1000xi32, #tpu.memory_space<vmem>>) target_semaphore(%run_scoped3A : memref<!tpu.dma_semaphore, #tpu.memory_space<semaphore_mem>>)
      %dma_wait3A_323 = tpu.memref_slice %arg4[%add3A_34] : memref<320000xi32, #tpu.memory_space<hbm>> -> memref<1000xi32, #tpu.memory_space<hbm>>
      %dma_wait3A_324 = tpu.memref_slice %arg4[%add3A_34] : memref<320000xi32, #tpu.memory_space<hbm>> -> memref<1000xi32, #tpu.memory_space<hbm>>
      tpu.wait_dma2 semaphore(%run_scoped3A : memref<!tpu.dma_semaphore, #tpu.memory_space<semaphore_mem>>) src(%dma_wait3A_324 : memref<1000xi32, #tpu.memory_space<hbm>>) dst(%arg9 : memref<1000xi32, #tpu.memory_space<vmem>>)
      tpu.yield
    }) : () -> ()
    %dma_start3A_43 = arith.constant 0 : i32
    %dma_start3A_44 = arith.constant 0 : i32
    %dma_start3A_45 = tpu.memref_slice %arg2[%dma_start3A_43, %dma_start3A_44] : memref<10000x16xf32, #tpu.memory_space<hbm>> -> memref<10000x16xf32, #tpu.memory_space<hbm>>
    tpu.enqueue_indirect_dma source(%dma_start3A_45 : memref<10000x16xf32, #tpu.memory_space<hbm>>) target(%arg11 : memref<1000x16xf32, #tpu.memory_space<vmem>>) offsets(%arg7 : memref<1000xi32, #tpu.memory_space<vmem>>) semaphore(%arg15 : memref<!tpu.dma_semaphore, #tpu.memory_space<semaphore_mem>>)
    %dma_start3A_46 = arith.constant 0 : i32
    %dma_start3A_47 = arith.constant 0 : i32
    %dma_start3A_48 = tpu.memref_slice %arg2[%dma_start3A_46, %dma_start3A_47] : memref<10000x16xf32, #tpu.memory_space<hbm>> -> memref<10000x16xf32, #tpu.memory_space<hbm>>
    tpu.enqueue_indirect_dma source(%dma_start3A_48 : memref<10000x16xf32, #tpu.memory_space<hbm>>) target(%arg13 : memref<1000x16xf32, #tpu.memory_space<vmem>>) offsets(%arg9 : memref<1000xi32, #tpu.memory_space<vmem>>) semaphore(%arg15 : memref<!tpu.dma_semaphore, #tpu.memory_space<semaphore_mem>>)
    %add3A_49 = arith.constant 1000 : i32
    %add3A_50 = arith.addi %mul3A_2, %add3A_49 : i32
    %dma_wait3A_51 = arith.constant 0 : i32
    %dma_wait3A_52 = arith.constant 0 : i32
    %dma_wait3A_53 = tpu.memref_slice %arg2[%dma_wait3A_51, %dma_wait3A_52] : memref<10000x16xf32, #tpu.memory_space<hbm>> -> memref<10000x16xf32, #tpu.memory_space<hbm>>
    tpu.wait_indirect_dma semaphore(%arg15 : memref<!tpu.dma_semaphore, #tpu.memory_space<semaphore_mem>>) src(%dma_wait3A_53 : memref<10000x16xf32, #tpu.memory_space<hbm>>) dst(%arg12 : memref<1000x16xf32, #tpu.memory_space<vmem>>)
    %dma_wait3A_54 = arith.constant 0 : i32
    %dma_wait3A_55 = arith.constant 0 : i32
    %dma_wait3A_56 = tpu.memref_slice %arg2[%dma_wait3A_54, %dma_wait3A_55] : memref<10000x16xf32, #tpu.memory_space<hbm>> -> memref<10000x16xf32, #tpu.memory_space<hbm>>
    tpu.wait_indirect_dma semaphore(%arg15 : memref<!tpu.dma_semaphore, #tpu.memory_space<semaphore_mem>>) src(%dma_wait3A_56 : memref<10000x16xf32, #tpu.memory_space<hbm>>) dst(%arg14 : memref<1000x16xf32, #tpu.memory_space<vmem>>)
    %dma_start3A_57 = arith.constant 0 : i32
    %dma_start3A_58 = tpu.memref_slice %arg5[%add3A_50, %dma_start3A_57] : memref<320000x16xf32, #tpu.memory_space<hbm>> -> memref<1000x16xf32, #tpu.memory_space<hbm>>
    %dma_start3A_59 = arith.constant 0 : i32
    %dma_start3A_60 = tpu.memref_slice %arg5[%add3A_50, %dma_start3A_59] : memref<320000x16xf32, #tpu.memory_space<hbm>> -> memref<1000x16xf32, #tpu.memory_space<hbm>>
    tpu.enqueue_dma source(%arg12 : memref<1000x16xf32, #tpu.memory_space<vmem>>) target(%dma_start3A_60 : memref<1000x16xf32, #tpu.memory_space<hbm>>) target_semaphore(%arg16 : memref<!tpu.dma_semaphore, #tpu.memory_space<semaphore_mem>>)
    %dma_start3A_61 = arith.constant 0 : i32
    %dma_start3A_62 = tpu.memref_slice %arg6[%add3A_50, %dma_start3A_61] : memref<320000x16xf32, #tpu.memory_space<hbm>> -> memref<1000x16xf32, #tpu.memory_space<hbm>>
    %dma_start3A_63 = arith.constant 0 : i32
    %dma_start3A_64 = tpu.memref_slice %arg6[%add3A_50, %dma_start3A_63] : memref<320000x16xf32, #tpu.memory_space<hbm>> -> memref<1000x16xf32, #tpu.memory_space<hbm>>
    tpu.enqueue_dma source(%arg14 : memref<1000x16xf32, #tpu.memory_space<vmem>>) target(%dma_start3A_64 : memref<1000x16xf32, #tpu.memory_space<hbm>>) target_semaphore(%arg16 : memref<!tpu.dma_semaphore, #tpu.memory_space<semaphore_mem>>)
    %add3A_65 = arith.constant 3000 : i32
    %add3A_66 = arith.addi %mul3A_2, %add3A_65 : i32
    %dma_wait3A_67 = arith.constant 0 : i32
    %dma_wait3A_68 = tpu.memref_slice %arg5[%add3A_50, %dma_wait3A_67] : memref<320000x16xf32, #tpu.memory_space<hbm>> -> memref<1000x16xf32, #tpu.memory_space<hbm>>
    %dma_wait3A_69 = arith.constant 0 : i32
    %dma_wait3A_70 = tpu.memref_slice %arg5[%add3A_50, %dma_wait3A_69] : memref<320000x16xf32, #tpu.memory_space<hbm>> -> memref<1000x16xf32, #tpu.memory_space<hbm>>
    tpu.wait_dma2 semaphore(%arg16 : memref<!tpu.dma_semaphore, #tpu.memory_space<semaphore_mem>>) src(%arg12 : memref<1000x16xf32, #tpu.memory_space<vmem>>) dst(%dma_wait3A_70 : memref<1000x16xf32, #tpu.memory_space<hbm>>)
    %dma_wait3A_71 = arith.constant 0 : i32
    %dma_wait3A_72 = tpu.memref_slice %arg6[%add3A_50, %dma_wait3A_71] : memref<320000x16xf32, #tpu.memory_space<hbm>> -> memref<1000x16xf32, #tpu.memory_space<hbm>>
    %dma_wait3A_73 = arith.constant 0 : i32
    %dma_wait3A_74 = tpu.memref_slice %arg6[%add3A_50, %dma_wait3A_73] : memref<320000x16xf32, #tpu.memory_space<hbm>> -> memref<1000x16xf32, #tpu.memory_space<hbm>>
    tpu.wait_dma2 semaphore(%arg16 : memref<!tpu.dma_semaphore, #tpu.memory_space<semaphore_mem>>) src(%arg14 : memref<1000x16xf32, #tpu.memory_space<vmem>>) dst(%dma_wait3A_74 : memref<1000x16xf32, #tpu.memory_space<hbm>>)
    "tpu.region"() ({
      %run_scoped3A = tpu.sem_alloc : memref<!tpu.dma_semaphore, #tpu.memory_space<semaphore_mem>>
      %dma_start3A_321 = tpu.memref_slice %arg3[%add3A_66] : memref<320000xi32, #tpu.memory_space<hbm>> -> memref<1000xi32, #tpu.memory_space<hbm>>
      %dma_start3A_322 = tpu.memref_slice %arg3[%add3A_66] : memref<320000xi32, #tpu.memory_space<hbm>> -> memref<1000xi32, #tpu.memory_space<hbm>>
      tpu.enqueue_dma source(%dma_start3A_322 : memref<1000xi32, #tpu.memory_space<hbm>>) target(%arg8 : memref<1000xi32, #tpu.memory_space<vmem>>) target_semaphore(%run_scoped3A : memref<!tpu.dma_semaphore, #tpu.memory_space<semaphore_mem>>)
      %dma_wait3A_323 = tpu.memref_slice %arg3[%add3A_66] : memref<320000xi32, #tpu.memory_space<hbm>> -> memref<1000xi32, #tpu.memory_space<hbm>>
      %dma_wait3A_324 = tpu.memref_slice %arg3[%add3A_66] : memref<320000xi32, #tpu.memory_space<hbm>> -> memref<1000xi32, #tpu.memory_space<hbm>>
      tpu.wait_dma2 semaphore(%run_scoped3A : memref<!tpu.dma_semaphore, #tpu.memory_space<semaphore_mem>>) src(%dma_wait3A_324 : memref<1000xi32, #tpu.memory_space<hbm>>) dst(%arg8 : memref<1000xi32, #tpu.memory_space<vmem>>)
      tpu.yield
    }) : () -> ()
    "tpu.region"() ({
      %run_scoped3A = tpu.sem_alloc : memref<!tpu.dma_semaphore, #tpu.memory_space<semaphore_mem>>
      %dma_start3A_321 = tpu.memref_slice %arg4[%add3A_66] : memref<320000xi32, #tpu.memory_space<hbm>> -> memref<1000xi32, #tpu.memory_space<hbm>>
      %dma_start3A_322 = tpu.memref_slice %arg4[%add3A_66] : memref<320000xi32, #tpu.memory_space<hbm>> -> memref<1000xi32, #tpu.memory_space<hbm>>
      tpu.enqueue_dma source(%dma_start3A_322 : memref<1000xi32, #tpu.memory_space<hbm>>) target(%arg10 : memref<1000xi32, #tpu.memory_space<vmem>>) target_semaphore(%run_scoped3A : memref<!tpu.dma_semaphore, #tpu.memory_space<semaphore_mem>>)
      %dma_wait3A_323 = tpu.memref_slice %arg4[%add3A_66] : memref<320000xi32, #tpu.memory_space<hbm>> -> memref<1000xi32, #tpu.memory_space<hbm>>
      %dma_wait3A_324 = tpu.memref_slice %arg4[%add3A_66] : memref<320000xi32, #tpu.memory_space<hbm>> -> memref<1000xi32, #tpu.memory_space<hbm>>
      tpu.wait_dma2 semaphore(%run_scoped3A : memref<!tpu.dma_semaphore, #tpu.memory_space<semaphore_mem>>) src(%dma_wait3A_324 : memref<1000xi32, #tpu.memory_space<hbm>>) dst(%arg10 : memref<1000xi32, #tpu.memory_space<vmem>>)
      tpu.yield
    }) : () -> ()
    %dma_start3A_75 = arith.constant 0 : i32
    %dma_start3A_76 = arith.constant 0 : i32
    %dma_start3A_77 = tpu.memref_slice %arg2[%dma_start3A_75, %dma_start3A_76] : memref<10000x16xf32, #tpu.memory_space<hbm>> -> memref<10000x16xf32, #tpu.memory_space<hbm>>
    tpu.enqueue_indirect_dma source(%dma_start3A_77 : memref<10000x16xf32, #tpu.memory_space<hbm>>) target(%arg12 : memref<1000x16xf32, #tpu.memory_space<vmem>>) offsets(%arg8 : memref<1000xi32, #tpu.memory_space<vmem>>) semaphore(%arg15 : memref<!tpu.dma_semaphore, #tpu.memory_space<semaphore_mem>>)
    %dma_start3A_78 = arith.constant 0 : i32
    %dma_start3A_79 = arith.constant 0 : i32
    %dma_start3A_80 = tpu.memref_slice %arg2[%dma_start3A_78, %dma_start3A_79] : memref<10000x16xf32, #tpu.memory_space<hbm>> -> memref<10000x16xf32, #tpu.memory_space<hbm>>
    tpu.enqueue_indirect_dma source(%dma_start3A_80 : memref<10000x16xf32, #tpu.memory_space<hbm>>) target(%arg14 : memref<1000x16xf32, #tpu.memory_space<vmem>>) offsets(%arg10 : memref<1000xi32, #tpu.memory_space<vmem>>) semaphore(%arg15 : memref<!tpu.dma_semaphore, #tpu.memory_space<semaphore_mem>>)
    %add3A_81 = arith.constant 2000 : i32
    %add3A_82 = arith.addi %mul3A_2, %add3A_81 : i32
    %dma_wait3A_83 = arith.constant 0 : i32
    %dma_wait3A_84 = arith.constant 0 : i32
    %dma_wait3A_85 = tpu.memref_slice %arg2[%dma_wait3A_83, %dma_wait3A_84] : memref<10000x16xf32, #tpu.memory_space<hbm>> -> memref<10000x16xf32, #tpu.memory_space<hbm>>
    tpu.wait_indirect_dma semaphore(%arg15 : memref<!tpu.dma_semaphore, #tpu.memory_space<semaphore_mem>>) src(%dma_wait3A_85 : memref<10000x16xf32, #tpu.memory_space<hbm>>) dst(%arg11 : memref<1000x16xf32, #tpu.memory_space<vmem>>)
    %dma_wait3A_86 = arith.constant 0 : i32
    %dma_wait3A_87 = arith.constant 0 : i32
    %dma_wait3A_88 = tpu.memref_slice %arg2[%dma_wait3A_86, %dma_wait3A_87] : memref<10000x16xf32, #tpu.memory_space<hbm>> -> memref<10000x16xf32, #tpu.memory_space<hbm>>
    tpu.wait_indirect_dma semaphore(%arg15 : memref<!tpu.dma_semaphore, #tpu.memory_space<semaphore_mem>>) src(%dma_wait3A_88 : memref<10000x16xf32, #tpu.memory_space<hbm>>) dst(%arg13 : memref<1000x16xf32, #tpu.memory_space<vmem>>)
    %dma_start3A_89 = arith.constant 0 : i32
    %dma_start3A_90 = tpu.memref_slice %arg5[%add3A_82, %dma_start3A_89] : memref<320000x16xf32, #tpu.memory_space<hbm>> -> memref<1000x16xf32, #tpu.memory_space<hbm>>
    %dma_start3A_91 = arith.constant 0 : i32
    %dma_start3A_92 = tpu.memref_slice %arg5[%add3A_82, %dma_start3A_91] : memref<320000x16xf32, #tpu.memory_space<hbm>> -> memref<1000x16xf32, #tpu.memory_space<hbm>>
    tpu.enqueue_dma source(%arg11 : memref<1000x16xf32, #tpu.memory_space<vmem>>) target(%dma_start3A_92 : memref<1000x16xf32, #tpu.memory_space<hbm>>) target_semaphore(%arg16 : memref<!tpu.dma_semaphore, #tpu.memory_space<semaphore_mem>>)
    %dma_start3A_93 = arith.constant 0 : i32
    %dma_start3A_94 = tpu.memref_slice %arg6[%add3A_82, %dma_start3A_93] : memref<320000x16xf32, #tpu.memory_space<hbm>> -> memref<1000x16xf32, #tpu.memory_space<hbm>>
    %dma_start3A_95 = arith.constant 0 : i32
    %dma_start3A_96 = tpu.memref_slice %arg6[%add3A_82, %dma_start3A_95] : memref<320000x16xf32, #tpu.memory_space<hbm>> -> memref<1000x16xf32, #tpu.memory_space<hbm>>
    tpu.enqueue_dma source(%arg13 : memref<1000x16xf32, #tpu.memory_space<vmem>>) target(%dma_start3A_96 : memref<1000x16xf32, #tpu.memory_space<hbm>>) target_semaphore(%arg16 : memref<!tpu.dma_semaphore, #tpu.memory_space<semaphore_mem>>)
    %add3A_97 = arith.constant 4000 : i32
    %add3A_98 = arith.addi %mul3A_2, %add3A_97 : i32
    %dma_wait3A_99 = arith.constant 0 : i32
    %dma_wait3A_100 = tpu.memref_slice %arg5[%add3A_82, %dma_wait3A_99] : memref<320000x16xf32, #tpu.memory_space<hbm>> -> memref<1000x16xf32, #tpu.memory_space<hbm>>
    %dma_wait3A_101 = arith.constant 0 : i32
    %dma_wait3A_102 = tpu.memref_slice %arg5[%add3A_82, %dma_wait3A_101] : memref<320000x16xf32, #tpu.memory_space<hbm>> -> memref<1000x16xf32, #tpu.memory_space<hbm>>
    tpu.wait_dma2 semaphore(%arg16 : memref<!tpu.dma_semaphore, #tpu.memory_space<semaphore_mem>>) src(%arg11 : memref<1000x16xf32, #tpu.memory_space<vmem>>) dst(%dma_wait3A_102 : memref<1000x16xf32, #tpu.memory_space<hbm>>)
    %dma_wait3A_103 = arith.constant 0 : i32
    %dma_wait3A_104 = tpu.memref_slice %arg6[%add3A_82, %dma_wait3A_103] : memref<320000x16xf32, #tpu.memory_space<hbm>> -> memref<1000x16xf32, #tpu.memory_space<hbm>>
    %dma_wait3A_105 = arith.constant 0 : i32
    %dma_wait3A_106 = tpu.memref_slice %arg6[%add3A_82, %dma_wait3A_105] : memref<320000x16xf32, #tpu.memory_space<hbm>> -> memref<1000x16xf32, #tpu.memory_space<hbm>>
    tpu.wait_dma2 semaphore(%arg16 : memref<!tpu.dma_semaphore, #tpu.memory_space<semaphore_mem>>) src(%arg13 : memref<1000x16xf32, #tpu.memory_space<vmem>>) dst(%dma_wait3A_106 : memref<1000x16xf32, #tpu.memory_space<hbm>>)
    "tpu.region"() ({
      %run_scoped3A = tpu.sem_alloc : memref<!tpu.dma_semaphore, #tpu.memory_space<semaphore_mem>>
      %dma_start3A_321 = tpu.memref_slice %arg3[%add3A_98] : memref<320000xi32, #tpu.memory_space<hbm>> -> memref<1000xi32, #tpu.memory_space<hbm>>
      %dma_start3A_322 = tpu.memref_slice %arg3[%add3A_98] : memref<320000xi32, #tpu.memory_space<hbm>> -> memref<1000xi32, #tpu.memory_space<hbm>>
      tpu.enqueue_dma source(%dma_start3A_322 : memref<1000xi32, #tpu.memory_space<hbm>>) target(%arg7 : memref<1000xi32, #tpu.memory_space<vmem>>) target_semaphore(%run_scoped3A : memref<!tpu.dma_semaphore, #tpu.memory_space<semaphore_mem>>)
      %dma_wait3A_323 = tpu.memref_slice %arg3[%add3A_98] : memref<320000xi32, #tpu.memory_space<hbm>> -> memref<1000xi32, #tpu.memory_space<hbm>>
      %dma_wait3A_324 = tpu.memref_slice %arg3[%add3A_98] : memref<320000xi32, #tpu.memory_space<hbm>> -> memref<1000xi32, #tpu.memory_space<hbm>>
      tpu.wait_dma2 semaphore(%run_scoped3A : memref<!tpu.dma_semaphore, #tpu.memory_space<semaphore_mem>>) src(%dma_wait3A_324 : memref<1000xi32, #tpu.memory_space<hbm>>) dst(%arg7 : memref<1000xi32, #tpu.memory_space<vmem>>)
      tpu.yield
    }) : () -> ()
    "tpu.region"() ({
      %run_scoped3A = tpu.sem_alloc : memref<!tpu.dma_semaphore, #tpu.memory_space<semaphore_mem>>
      %dma_start3A_321 = tpu.memref_slice %arg4[%add3A_98] : memref<320000xi32, #tpu.memory_space<hbm>> -> memref<1000xi32, #tpu.memory_space<hbm>>
      %dma_start3A_322 = tpu.memref_slice %arg4[%add3A_98] : memref<320000xi32, #tpu.memory_space<hbm>> -> memref<1000xi32, #tpu.memory_space<hbm>>
      tpu.enqueue_dma source(%dma_start3A_322 : memref<1000xi32, #tpu.memory_space<hbm>>) target(%arg9 : memref<1000xi32, #tpu.memory_space<vmem>>) target_semaphore(%run_scoped3A : memref<!tpu.dma_semaphore, #tpu.memory_space<semaphore_mem>>)
      %dma_wait3A_323 = tpu.memref_slice %arg4[%add3A_98] : memref<320000xi32, #tpu.memory_space<hbm>> -> memref<1000xi32, #tpu.memory_space<hbm>>
      %dma_wait3A_324 = tpu.memref_slice %arg4[%add3A_98] : memref<320000xi32, #tpu.memory_space<hbm>> -> memref<1000xi32, #tpu.memory_space<hbm>>
      tpu.wait_dma2 semaphore(%run_scoped3A : memref<!tpu.dma_semaphore, #tpu.memory_space<semaphore_mem>>) src(%dma_wait3A_324 : memref<1000xi32, #tpu.memory_space<hbm>>) dst(%arg9 : memref<1000xi32, #tpu.memory_space<vmem>>)
      tpu.yield
    }) : () -> ()
    %dma_start3A_107 = arith.constant 0 : i32
    %dma_start3A_108 = arith.constant 0 : i32
    %dma_start3A_109 = tpu.memref_slice %arg2[%dma_start3A_107, %dma_start3A_108] : memref<10000x16xf32, #tpu.memory_space<hbm>> -> memref<10000x16xf32, #tpu.memory_space<hbm>>
    tpu.enqueue_indirect_dma source(%dma_start3A_109 : memref<10000x16xf32, #tpu.memory_space<hbm>>) target(%arg11 : memref<1000x16xf32, #tpu.memory_space<vmem>>) offsets(%arg7 : memref<1000xi32, #tpu.memory_space<vmem>>) semaphore(%arg15 : memref<!tpu.dma_semaphore, #tpu.memory_space<semaphore_mem>>)
    %dma_start3A_110 = arith.constant 0 : i32
    %dma_start3A_111 = arith.constant 0 : i32
    %dma_start3A_112 = tpu.memref_slice %arg2[%dma_start3A_110, %dma_start3A_111] : memref<10000x16xf32, #tpu.memory_space<hbm>> -> memref<10000x16xf32, #tpu.memory_space<hbm>>
    tpu.enqueue_indirect_dma source(%dma_start3A_112 : memref<10000x16xf32, #tpu.memory_space<hbm>>) target(%arg13 : memref<1000x16xf32, #tpu.memory_space<vmem>>) offsets(%arg9 : memref<1000xi32, #tpu.memory_space<vmem>>) semaphore(%arg15 : memref<!tpu.dma_semaphore, #tpu.memory_space<semaphore_mem>>)
    %add3A_113 = arith.constant 3000 : i32
    %add3A_114 = arith.addi %mul3A_2, %add3A_113 : i32
    %dma_wait3A_115 = arith.constant 0 : i32
    %dma_wait3A_116 = arith.constant 0 : i32
    %dma_wait3A_117 = tpu.memref_slice %arg2[%dma_wait3A_115, %dma_wait3A_116] : memref<10000x16xf32, #tpu.memory_space<hbm>> -> memref<10000x16xf32, #tpu.memory_space<hbm>>
    tpu.wait_indirect_dma semaphore(%arg15 : memref<!tpu.dma_semaphore, #tpu.memory_space<semaphore_mem>>) src(%dma_wait3A_117 : memref<10000x16xf32, #tpu.memory_space<hbm>>) dst(%arg12 : memref<1000x16xf32, #tpu.memory_space<vmem>>)
    %dma_wait3A_118 = arith.constant 0 : i32
    %dma_wait3A_119 = arith.constant 0 : i32
    %dma_wait3A_120 = tpu.memref_slice %arg2[%dma_wait3A_118, %dma_wait3A_119] : memref<10000x16xf32, #tpu.memory_space<hbm>> -> memref<10000x16xf32, #tpu.memory_space<hbm>>
    tpu.wait_indirect_dma semaphore(%arg15 : memref<!tpu.dma_semaphore, #tpu.memory_space<semaphore_mem>>) src(%dma_wait3A_120 : memref<10000x16xf32, #tpu.memory_space<hbm>>) dst(%arg14 : memref<1000x16xf32, #tpu.memory_space<vmem>>)
    %dma_start3A_121 = arith.constant 0 : i32
    %dma_start3A_122 = tpu.memref_slice %arg5[%add3A_114, %dma_start3A_121] : memref<320000x16xf32, #tpu.memory_space<hbm>> -> memref<1000x16xf32, #tpu.memory_space<hbm>>
    %dma_start3A_123 = arith.constant 0 : i32
    %dma_start3A_124 = tpu.memref_slice %arg5[%add3A_114, %dma_start3A_123] : memref<320000x16xf32, #tpu.memory_space<hbm>> -> memref<1000x16xf32, #tpu.memory_space<hbm>>
    tpu.enqueue_dma source(%arg12 : memref<1000x16xf32, #tpu.memory_space<vmem>>) target(%dma_start3A_124 : memref<1000x16xf32, #tpu.memory_space<hbm>>) target_semaphore(%arg16 : memref<!tpu.dma_semaphore, #tpu.memory_space<semaphore_mem>>)
    %dma_start3A_125 = arith.constant 0 : i32
    %dma_start3A_126 = tpu.memref_slice %arg6[%add3A_114, %dma_start3A_125] : memref<320000x16xf32, #tpu.memory_space<hbm>> -> memref<1000x16xf32, #tpu.memory_space<hbm>>
    %dma_start3A_127 = arith.constant 0 : i32
    %dma_start3A_128 = tpu.memref_slice %arg6[%add3A_114, %dma_start3A_127] : memref<320000x16xf32, #tpu.memory_space<hbm>> -> memref<1000x16xf32, #tpu.memory_space<hbm>>
    tpu.enqueue_dma source(%arg14 : memref<1000x16xf32, #tpu.memory_space<vmem>>) target(%dma_start3A_128 : memref<1000x16xf32, #tpu.memory_space<hbm>>) target_semaphore(%arg16 : memref<!tpu.dma_semaphore, #tpu.memory_space<semaphore_mem>>)
    %add3A_129 = arith.constant 5000 : i32
    %add3A_130 = arith.addi %mul3A_2, %add3A_129 : i32
    %dma_wait3A_131 = arith.constant 0 : i32
    %dma_wait3A_132 = tpu.memref_slice %arg5[%add3A_114, %dma_wait3A_131] : memref<320000x16xf32, #tpu.memory_space<hbm>> -> memref<1000x16xf32, #tpu.memory_space<hbm>>
    %dma_wait3A_133 = arith.constant 0 : i32
    %dma_wait3A_134 = tpu.memref_slice %arg5[%add3A_114, %dma_wait3A_133] : memref<320000x16xf32, #tpu.memory_space<hbm>> -> memref<1000x16xf32, #tpu.memory_space<hbm>>
    tpu.wait_dma2 semaphore(%arg16 : memref<!tpu.dma_semaphore, #tpu.memory_space<semaphore_mem>>) src(%arg12 : memref<1000x16xf32, #tpu.memory_space<vmem>>) dst(%dma_wait3A_134 : memref<1000x16xf32, #tpu.memory_space<hbm>>)
    %dma_wait3A_135 = arith.constant 0 : i32
    %dma_wait3A_136 = tpu.memref_slice %arg6[%add3A_114, %dma_wait3A_135] : memref<320000x16xf32, #tpu.memory_space<hbm>> -> memref<1000x16xf32, #tpu.memory_space<hbm>>
    %dma_wait3A_137 = arith.constant 0 : i32
    %dma_wait3A_138 = tpu.memref_slice %arg6[%add3A_114, %dma_wait3A_137] : memref<320000x16xf32, #tpu.memory_space<hbm>> -> memref<1000x16xf32, #tpu.memory_space<hbm>>
    tpu.wait_dma2 semaphore(%arg16 : memref<!tpu.dma_semaphore, #tpu.memory_space<semaphore_mem>>) src(%arg14 : memref<1000x16xf32, #tpu.memory_space<vmem>>) dst(%dma_wait3A_138 : memref<1000x16xf32, #tpu.memory_space<hbm>>)
    "tpu.region"() ({
      %run_scoped3A = tpu.sem_alloc : memref<!tpu.dma_semaphore, #tpu.memory_space<semaphore_mem>>
      %dma_start3A_321 = tpu.memref_slice %arg3[%add3A_130] : memref<320000xi32, #tpu.memory_space<hbm>> -> memref<1000xi32, #tpu.memory_space<hbm>>
      %dma_start3A_322 = tpu.memref_slice %arg3[%add3A_130] : memref<320000xi32, #tpu.memory_space<hbm>> -> memref<1000xi32, #tpu.memory_space<hbm>>
      tpu.enqueue_dma source(%dma_start3A_322 : memref<1000xi32, #tpu.memory_space<hbm>>) target(%arg8 : memref<1000xi32, #tpu.memory_space<vmem>>) target_semaphore(%run_scoped3A : memref<!tpu.dma_semaphore, #tpu.memory_space<semaphore_mem>>)
      %dma_wait3A_323 = tpu.memref_slice %arg3[%add3A_130] : memref<320000xi32, #tpu.memory_space<hbm>> -> memref<1000xi32, #tpu.memory_space<hbm>>
      %dma_wait3A_324 = tpu.memref_slice %arg3[%add3A_130] : memref<320000xi32, #tpu.memory_space<hbm>> -> memref<1000xi32, #tpu.memory_space<hbm>>
      tpu.wait_dma2 semaphore(%run_scoped3A : memref<!tpu.dma_semaphore, #tpu.memory_space<semaphore_mem>>) src(%dma_wait3A_324 : memref<1000xi32, #tpu.memory_space<hbm>>) dst(%arg8 : memref<1000xi32, #tpu.memory_space<vmem>>)
      tpu.yield
    }) : () -> ()
    "tpu.region"() ({
      %run_scoped3A = tpu.sem_alloc : memref<!tpu.dma_semaphore, #tpu.memory_space<semaphore_mem>>
      %dma_start3A_321 = tpu.memref_slice %arg4[%add3A_130] : memref<320000xi32, #tpu.memory_space<hbm>> -> memref<1000xi32, #tpu.memory_space<hbm>>
      %dma_start3A_322 = tpu.memref_slice %arg4[%add3A_130] : memref<320000xi32, #tpu.memory_space<hbm>> -> memref<1000xi32, #tpu.memory_space<hbm>>
      tpu.enqueue_dma source(%dma_start3A_322 : memref<1000xi32, #tpu.memory_space<hbm>>) target(%arg10 : memref<1000xi32, #tpu.memory_space<vmem>>) target_semaphore(%run_scoped3A : memref<!tpu.dma_semaphore, #tpu.memory_space<semaphore_mem>>)
      %dma_wait3A_323 = tpu.memref_slice %arg4[%add3A_130] : memref<320000xi32, #tpu.memory_space<hbm>> -> memref<1000xi32, #tpu.memory_space<hbm>>
      %dma_wait3A_324 = tpu.memref_slice %arg4[%add3A_130] : memref<320000xi32, #tpu.memory_space<hbm>> -> memref<1000xi32, #tpu.memory_space<hbm>>
      tpu.wait_dma2 semaphore(%run_scoped3A : memref<!tpu.dma_semaphore, #tpu.memory_space<semaphore_mem>>) src(%dma_wait3A_324 : memref<1000xi32, #tpu.memory_space<hbm>>) dst(%arg10 : memref<1000xi32, #tpu.memory_space<vmem>>)
      tpu.yield
    }) : () -> ()
    %dma_start3A_139 = arith.constant 0 : i32
    %dma_start3A_140 = arith.constant 0 : i32
    %dma_start3A_141 = tpu.memref_slice %arg2[%dma_start3A_139, %dma_start3A_140] : memref<10000x16xf32, #tpu.memory_space<hbm>> -> memref<10000x16xf32, #tpu.memory_space<hbm>>
    tpu.enqueue_indirect_dma source(%dma_start3A_141 : memref<10000x16xf32, #tpu.memory_space<hbm>>) target(%arg12 : memref<1000x16xf32, #tpu.memory_space<vmem>>) offsets(%arg8 : memref<1000xi32, #tpu.memory_space<vmem>>) semaphore(%arg15 : memref<!tpu.dma_semaphore, #tpu.memory_space<semaphore_mem>>)
    %dma_start3A_142 = arith.constant 0 : i32
    %dma_start3A_143 = arith.constant 0 : i32
    %dma_start3A_144 = tpu.memref_slice %arg2[%dma_start3A_142, %dma_start3A_143] : memref<10000x16xf32, #tpu.memory_space<hbm>> -> memref<10000x16xf32, #tpu.memory_space<hbm>>
    tpu.enqueue_indirect_dma source(%dma_start3A_144 : memref<10000x16xf32, #tpu.memory_space<hbm>>) target(%arg14 : memref<1000x16xf32, #tpu.memory_space<vmem>>) offsets(%arg10 : memref<1000xi32, #tpu.memory_space<vmem>>) semaphore(%arg15 : memref<!tpu.dma_semaphore, #tpu.memory_space<semaphore_mem>>)
    %add3A_145 = arith.constant 4000 : i32
    %add3A_146 = arith.addi %mul3A_2, %add3A_145 : i32
    %dma_wait3A_147 = arith.constant 0 : i32
    %dma_wait3A_148 = arith.constant 0 : i32
    %dma_wait3A_149 = tpu.memref_slice %arg2[%dma_wait3A_147, %dma_wait3A_148] : memref<10000x16xf32, #tpu.memory_space<hbm>> -> memref<10000x16xf32, #tpu.memory_space<hbm>>
    tpu.wait_indirect_dma semaphore(%arg15 : memref<!tpu.dma_semaphore, #tpu.memory_space<semaphore_mem>>) src(%dma_wait3A_149 : memref<10000x16xf32, #tpu.memory_space<hbm>>) dst(%arg11 : memref<1000x16xf32, #tpu.memory_space<vmem>>)
    %dma_wait3A_150 = arith.constant 0 : i32
    %dma_wait3A_151 = arith.constant 0 : i32
    %dma_wait3A_152 = tpu.memref_slice %arg2[%dma_wait3A_150, %dma_wait3A_151] : memref<10000x16xf32, #tpu.memory_space<hbm>> -> memref<10000x16xf32, #tpu.memory_space<hbm>>
    tpu.wait_indirect_dma semaphore(%arg15 : memref<!tpu.dma_semaphore, #tpu.memory_space<semaphore_mem>>) src(%dma_wait3A_152 : memref<10000x16xf32, #tpu.memory_space<hbm>>) dst(%arg13 : memref<1000x16xf32, #tpu.memory_space<vmem>>)
    %dma_start3A_153 = arith.constant 0 : i32
    %dma_start3A_154 = tpu.memref_slice %arg5[%add3A_146, %dma_start3A_153] : memref<320000x16xf32, #tpu.memory_space<hbm>> -> memref<1000x16xf32, #tpu.memory_space<hbm>>
    %dma_start3A_155 = arith.constant 0 : i32
    %dma_start3A_156 = tpu.memref_slice %arg5[%add3A_146, %dma_start3A_155] : memref<320000x16xf32, #tpu.memory_space<hbm>> -> memref<1000x16xf32, #tpu.memory_space<hbm>>
    tpu.enqueue_dma source(%arg11 : memref<1000x16xf32, #tpu.memory_space<vmem>>) target(%dma_start3A_156 : memref<1000x16xf32, #tpu.memory_space<hbm>>) target_semaphore(%arg16 : memref<!tpu.dma_semaphore, #tpu.memory_space<semaphore_mem>>)
    %dma_start3A_157 = arith.constant 0 : i32
    %dma_start3A_158 = tpu.memref_slice %arg6[%add3A_146, %dma_start3A_157] : memref<320000x16xf32, #tpu.memory_space<hbm>> -> memref<1000x16xf32, #tpu.memory_space<hbm>>
    %dma_start3A_159 = arith.constant 0 : i32
    %dma_start3A_160 = tpu.memref_slice %arg6[%add3A_146, %dma_start3A_159] : memref<320000x16xf32, #tpu.memory_space<hbm>> -> memref<1000x16xf32, #tpu.memory_space<hbm>>
    tpu.enqueue_dma source(%arg13 : memref<1000x16xf32, #tpu.memory_space<vmem>>) target(%dma_start3A_160 : memref<1000x16xf32, #tpu.memory_space<hbm>>) target_semaphore(%arg16 : memref<!tpu.dma_semaphore, #tpu.memory_space<semaphore_mem>>)
    %add3A_161 = arith.constant 6000 : i32
    %add3A_162 = arith.addi %mul3A_2, %add3A_161 : i32
    %dma_wait3A_163 = arith.constant 0 : i32
    %dma_wait3A_164 = tpu.memref_slice %arg5[%add3A_146, %dma_wait3A_163] : memref<320000x16xf32, #tpu.memory_space<hbm>> -> memref<1000x16xf32, #tpu.memory_space<hbm>>
    %dma_wait3A_165 = arith.constant 0 : i32
    %dma_wait3A_166 = tpu.memref_slice %arg5[%add3A_146, %dma_wait3A_165] : memref<320000x16xf32, #tpu.memory_space<hbm>> -> memref<1000x16xf32, #tpu.memory_space<hbm>>
    tpu.wait_dma2 semaphore(%arg16 : memref<!tpu.dma_semaphore, #tpu.memory_space<semaphore_mem>>) src(%arg11 : memref<1000x16xf32, #tpu.memory_space<vmem>>) dst(%dma_wait3A_166 : memref<1000x16xf32, #tpu.memory_space<hbm>>)
    %dma_wait3A_167 = arith.constant 0 : i32
    %dma_wait3A_168 = tpu.memref_slice %arg6[%add3A_146, %dma_wait3A_167] : memref<320000x16xf32, #tpu.memory_space<hbm>> -> memref<1000x16xf32, #tpu.memory_space<hbm>>
    %dma_wait3A_169 = arith.constant 0 : i32
    %dma_wait3A_170 = tpu.memref_slice %arg6[%add3A_146, %dma_wait3A_169] : memref<320000x16xf32, #tpu.memory_space<hbm>> -> memref<1000x16xf32, #tpu.memory_space<hbm>>
    tpu.wait_dma2 semaphore(%arg16 : memref<!tpu.dma_semaphore, #tpu.memory_space<semaphore_mem>>) src(%arg13 : memref<1000x16xf32, #tpu.memory_space<vmem>>) dst(%dma_wait3A_170 : memref<1000x16xf32, #tpu.memory_space<hbm>>)
    "tpu.region"() ({
      %run_scoped3A = tpu.sem_alloc : memref<!tpu.dma_semaphore, #tpu.memory_space<semaphore_mem>>
      %dma_start3A_321 = tpu.memref_slice %arg3[%add3A_162] : memref<320000xi32, #tpu.memory_space<hbm>> -> memref<1000xi32, #tpu.memory_space<hbm>>
      %dma_start3A_322 = tpu.memref_slice %arg3[%add3A_162] : memref<320000xi32, #tpu.memory_space<hbm>> -> memref<1000xi32, #tpu.memory_space<hbm>>
      tpu.enqueue_dma source(%dma_start3A_322 : memref<1000xi32, #tpu.memory_space<hbm>>) target(%arg7 : memref<1000xi32, #tpu.memory_space<vmem>>) target_semaphore(%run_scoped3A : memref<!tpu.dma_semaphore, #tpu.memory_space<semaphore_mem>>)
      %dma_wait3A_323 = tpu.memref_slice %arg3[%add3A_162] : memref<320000xi32, #tpu.memory_space<hbm>> -> memref<1000xi32, #tpu.memory_space<hbm>>
      %dma_wait3A_324 = tpu.memref_slice %arg3[%add3A_162] : memref<320000xi32, #tpu.memory_space<hbm>> -> memref<1000xi32, #tpu.memory_space<hbm>>
      tpu.wait_dma2 semaphore(%run_scoped3A : memref<!tpu.dma_semaphore, #tpu.memory_space<semaphore_mem>>) src(%dma_wait3A_324 : memref<1000xi32, #tpu.memory_space<hbm>>) dst(%arg7 : memref<1000xi32, #tpu.memory_space<vmem>>)
      tpu.yield
    }) : () -> ()
    "tpu.region"() ({
      %run_scoped3A = tpu.sem_alloc : memref<!tpu.dma_semaphore, #tpu.memory_space<semaphore_mem>>
      %dma_start3A_321 = tpu.memref_slice %arg4[%add3A_162] : memref<320000xi32, #tpu.memory_space<hbm>> -> memref<1000xi32, #tpu.memory_space<hbm>>
      %dma_start3A_322 = tpu.memref_slice %arg4[%add3A_162] : memref<320000xi32, #tpu.memory_space<hbm>> -> memref<1000xi32, #tpu.memory_space<hbm>>
      tpu.enqueue_dma source(%dma_start3A_322 : memref<1000xi32, #tpu.memory_space<hbm>>) target(%arg9 : memref<1000xi32, #tpu.memory_space<vmem>>) target_semaphore(%run_scoped3A : memref<!tpu.dma_semaphore, #tpu.memory_space<semaphore_mem>>)
      %dma_wait3A_323 = tpu.memref_slice %arg4[%add3A_162] : memref<320000xi32, #tpu.memory_space<hbm>> -> memref<1000xi32, #tpu.memory_space<hbm>>
      %dma_wait3A_324 = tpu.memref_slice %arg4[%add3A_162] : memref<320000xi32, #tpu.memory_space<hbm>> -> memref<1000xi32, #tpu.memory_space<hbm>>
      tpu.wait_dma2 semaphore(%run_scoped3A : memref<!tpu.dma_semaphore, #tpu.memory_space<semaphore_mem>>) src(%dma_wait3A_324 : memref<1000xi32, #tpu.memory_space<hbm>>) dst(%arg9 : memref<1000xi32, #tpu.memory_space<vmem>>)
      tpu.yield
    }) : () -> ()
    %dma_start3A_171 = arith.constant 0 : i32
    %dma_start3A_172 = arith.constant 0 : i32
    %dma_start3A_173 = tpu.memref_slice %arg2[%dma_start3A_171, %dma_start3A_172] : memref<10000x16xf32, #tpu.memory_space<hbm>> -> memref<10000x16xf32, #tpu.memory_space<hbm>>
    tpu.enqueue_indirect_dma source(%dma_start3A_173 : memref<10000x16xf32, #tpu.memory_space<hbm>>) target(%arg11 : memref<1000x16xf32, #tpu.memory_space<vmem>>) offsets(%arg7 : memref<1000xi32, #tpu.memory_space<vmem>>) semaphore(%arg15 : memref<!tpu.dma_semaphore, #tpu.memory_space<semaphore_mem>>)
    %dma_start3A_174 = arith.constant 0 : i32
    %dma_start3A_175 = arith.constant 0 : i32
    %dma_start3A_176 = tpu.memref_slice %arg2[%dma_start3A_174, %dma_start3A_175] : memref<10000x16xf32, #tpu.memory_space<hbm>> -> memref<10000x16xf32, #tpu.memory_space<hbm>>
    tpu.enqueue_indirect_dma source(%dma_start3A_176 : memref<10000x16xf32, #tpu.memory_space<hbm>>) target(%arg13 : memref<1000x16xf32, #tpu.memory_space<vmem>>) offsets(%arg9 : memref<1000xi32, #tpu.memory_space<vmem>>) semaphore(%arg15 : memref<!tpu.dma_semaphore, #tpu.memory_space<semaphore_mem>>)
    %add3A_177 = arith.constant 5000 : i32
    %add3A_178 = arith.addi %mul3A_2, %add3A_177 : i32
    %dma_wait3A_179 = arith.constant 0 : i32
    %dma_wait3A_180 = arith.constant 0 : i32
    %dma_wait3A_181 = tpu.memref_slice %arg2[%dma_wait3A_179, %dma_wait3A_180] : memref<10000x16xf32, #tpu.memory_space<hbm>> -> memref<10000x16xf32, #tpu.memory_space<hbm>>
    tpu.wait_indirect_dma semaphore(%arg15 : memref<!tpu.dma_semaphore, #tpu.memory_space<semaphore_mem>>) src(%dma_wait3A_181 : memref<10000x16xf32, #tpu.memory_space<hbm>>) dst(%arg12 : memref<1000x16xf32, #tpu.memory_space<vmem>>)
    %dma_wait3A_182 = arith.constant 0 : i32
    %dma_wait3A_183 = arith.constant 0 : i32
    %dma_wait3A_184 = tpu.memref_slice %arg2[%dma_wait3A_182, %dma_wait3A_183] : memref<10000x16xf32, #tpu.memory_space<hbm>> -> memref<10000x16xf32, #tpu.memory_space<hbm>>
    tpu.wait_indirect_dma semaphore(%arg15 : memref<!tpu.dma_semaphore, #tpu.memory_space<semaphore_mem>>) src(%dma_wait3A_184 : memref<10000x16xf32, #tpu.memory_space<hbm>>) dst(%arg14 : memref<1000x16xf32, #tpu.memory_space<vmem>>)
    %dma_start3A_185 = arith.constant 0 : i32
    %dma_start3A_186 = tpu.memref_slice %arg5[%add3A_178, %dma_start3A_185] : memref<320000x16xf32, #tpu.memory_space<hbm>> -> memref<1000x16xf32, #tpu.memory_space<hbm>>
    %dma_start3A_187 = arith.constant 0 : i32
    %dma_start3A_188 = tpu.memref_slice %arg5[%add3A_178, %dma_start3A_187] : memref<320000x16xf32, #tpu.memory_space<hbm>> -> memref<1000x16xf32, #tpu.memory_space<hbm>>
    tpu.enqueue_dma source(%arg12 : memref<1000x16xf32, #tpu.memory_space<vmem>>) target(%dma_start3A_188 : memref<1000x16xf32, #tpu.memory_space<hbm>>) target_semaphore(%arg16 : memref<!tpu.dma_semaphore, #tpu.memory_space<semaphore_mem>>)
    %dma_start3A_189 = arith.constant 0 : i32
    %dma_start3A_190 = tpu.memref_slice %arg6[%add3A_178, %dma_start3A_189] : memref<320000x16xf32, #tpu.memory_space<hbm>> -> memref<1000x16xf32, #tpu.memory_space<hbm>>
    %dma_start3A_191 = arith.constant 0 : i32
    %dma_start3A_192 = tpu.memref_slice %arg6[%add3A_178, %dma_start3A_191] : memref<320000x16xf32, #tpu.memory_space<hbm>> -> memref<1000x16xf32, #tpu.memory_space<hbm>>
    tpu.enqueue_dma source(%arg14 : memref<1000x16xf32, #tpu.memory_space<vmem>>) target(%dma_start3A_192 : memref<1000x16xf32, #tpu.memory_space<hbm>>) target_semaphore(%arg16 : memref<!tpu.dma_semaphore, #tpu.memory_space<semaphore_mem>>)
    %add3A_193 = arith.constant 7000 : i32
    %add3A_194 = arith.addi %mul3A_2, %add3A_193 : i32
    %dma_wait3A_195 = arith.constant 0 : i32
    %dma_wait3A_196 = tpu.memref_slice %arg5[%add3A_178, %dma_wait3A_195] : memref<320000x16xf32, #tpu.memory_space<hbm>> -> memref<1000x16xf32, #tpu.memory_space<hbm>>
    %dma_wait3A_197 = arith.constant 0 : i32
    %dma_wait3A_198 = tpu.memref_slice %arg5[%add3A_178, %dma_wait3A_197] : memref<320000x16xf32, #tpu.memory_space<hbm>> -> memref<1000x16xf32, #tpu.memory_space<hbm>>
    tpu.wait_dma2 semaphore(%arg16 : memref<!tpu.dma_semaphore, #tpu.memory_space<semaphore_mem>>) src(%arg12 : memref<1000x16xf32, #tpu.memory_space<vmem>>) dst(%dma_wait3A_198 : memref<1000x16xf32, #tpu.memory_space<hbm>>)
    %dma_wait3A_199 = arith.constant 0 : i32
    %dma_wait3A_200 = tpu.memref_slice %arg6[%add3A_178, %dma_wait3A_199] : memref<320000x16xf32, #tpu.memory_space<hbm>> -> memref<1000x16xf32, #tpu.memory_space<hbm>>
    %dma_wait3A_201 = arith.constant 0 : i32
    %dma_wait3A_202 = tpu.memref_slice %arg6[%add3A_178, %dma_wait3A_201] : memref<320000x16xf32, #tpu.memory_space<hbm>> -> memref<1000x16xf32, #tpu.memory_space<hbm>>
    tpu.wait_dma2 semaphore(%arg16 : memref<!tpu.dma_semaphore, #tpu.memory_space<semaphore_mem>>) src(%arg14 : memref<1000x16xf32, #tpu.memory_space<vmem>>) dst(%dma_wait3A_202 : memref<1000x16xf32, #tpu.memory_space<hbm>>)
    "tpu.region"() ({
      %run_scoped3A = tpu.sem_alloc : memref<!tpu.dma_semaphore, #tpu.memory_space<semaphore_mem>>
      %dma_start3A_321 = tpu.memref_slice %arg3[%add3A_194] : memref<320000xi32, #tpu.memory_space<hbm>> -> memref<1000xi32, #tpu.memory_space<hbm>>
      %dma_start3A_322 = tpu.memref_slice %arg3[%add3A_194] : memref<320000xi32, #tpu.memory_space<hbm>> -> memref<1000xi32, #tpu.memory_space<hbm>>
      tpu.enqueue_dma source(%dma_start3A_322 : memref<1000xi32, #tpu.memory_space<hbm>>) target(%arg8 : memref<1000xi32, #tpu.memory_space<vmem>>) target_semaphore(%run_scoped3A : memref<!tpu.dma_semaphore, #tpu.memory_space<semaphore_mem>>)
      %dma_wait3A_323 = tpu.memref_slice %arg3[%add3A_194] : memref<320000xi32, #tpu.memory_space<hbm>> -> memref<1000xi32, #tpu.memory_space<hbm>>
      %dma_wait3A_324 = tpu.memref_slice %arg3[%add3A_194] : memref<320000xi32, #tpu.memory_space<hbm>> -> memref<1000xi32, #tpu.memory_space<hbm>>
      tpu.wait_dma2 semaphore(%run_scoped3A : memref<!tpu.dma_semaphore, #tpu.memory_space<semaphore_mem>>) src(%dma_wait3A_324 : memref<1000xi32, #tpu.memory_space<hbm>>) dst(%arg8 : memref<1000xi32, #tpu.memory_space<vmem>>)
      tpu.yield
    }) : () -> ()
    "tpu.region"() ({
      %run_scoped3A = tpu.sem_alloc : memref<!tpu.dma_semaphore, #tpu.memory_space<semaphore_mem>>
      %dma_start3A_321 = tpu.memref_slice %arg4[%add3A_194] : memref<320000xi32, #tpu.memory_space<hbm>> -> memref<1000xi32, #tpu.memory_space<hbm>>
      %dma_start3A_322 = tpu.memref_slice %arg4[%add3A_194] : memref<320000xi32, #tpu.memory_space<hbm>> -> memref<1000xi32, #tpu.memory_space<hbm>>
      tpu.enqueue_dma source(%dma_start3A_322 : memref<1000xi32, #tpu.memory_space<hbm>>) target(%arg10 : memref<1000xi32, #tpu.memory_space<vmem>>) target_semaphore(%run_scoped3A : memref<!tpu.dma_semaphore, #tpu.memory_space<semaphore_mem>>)
      %dma_wait3A_323 = tpu.memref_slice %arg4[%add3A_194] : memref<320000xi32, #tpu.memory_space<hbm>> -> memref<1000xi32, #tpu.memory_space<hbm>>
      %dma_wait3A_324 = tpu.memref_slice %arg4[%add3A_194] : memref<320000xi32, #tpu.memory_space<hbm>> -> memref<1000xi32, #tpu.memory_space<hbm>>
      tpu.wait_dma2 semaphore(%run_scoped3A : memref<!tpu.dma_semaphore, #tpu.memory_space<semaphore_mem>>) src(%dma_wait3A_324 : memref<1000xi32, #tpu.memory_space<hbm>>) dst(%arg10 : memref<1000xi32, #tpu.memory_space<vmem>>)
      tpu.yield
    }) : () -> ()
    %dma_start3A_203 = arith.constant 0 : i32
    %dma_start3A_204 = arith.constant 0 : i32
    %dma_start3A_205 = tpu.memref_slice %arg2[%dma_start3A_203, %dma_start3A_204] : memref<10000x16xf32, #tpu.memory_space<hbm>> -> memref<10000x16xf32, #tpu.memory_space<hbm>>
    tpu.enqueue_indirect_dma source(%dma_start3A_205 : memref<10000x16xf32, #tpu.memory_space<hbm>>) target(%arg12 : memref<1000x16xf32, #tpu.memory_space<vmem>>) offsets(%arg8 : memref<1000xi32, #tpu.memory_space<vmem>>) semaphore(%arg15 : memref<!tpu.dma_semaphore, #tpu.memory_space<semaphore_mem>>)
    %dma_start3A_206 = arith.constant 0 : i32
    %dma_start3A_207 = arith.constant 0 : i32
    %dma_start3A_208 = tpu.memref_slice %arg2[%dma_start3A_206, %dma_start3A_207] : memref<10000x16xf32, #tpu.memory_space<hbm>> -> memref<10000x16xf32, #tpu.memory_space<hbm>>
    tpu.enqueue_indirect_dma source(%dma_start3A_208 : memref<10000x16xf32, #tpu.memory_space<hbm>>) target(%arg14 : memref<1000x16xf32, #tpu.memory_space<vmem>>) offsets(%arg10 : memref<1000xi32, #tpu.memory_space<vmem>>) semaphore(%arg15 : memref<!tpu.dma_semaphore, #tpu.memory_space<semaphore_mem>>)
    %add3A_209 = arith.constant 6000 : i32
    %add3A_210 = arith.addi %mul3A_2, %add3A_209 : i32
    %dma_wait3A_211 = arith.constant 0 : i32
    %dma_wait3A_212 = arith.constant 0 : i32
    %dma_wait3A_213 = tpu.memref_slice %arg2[%dma_wait3A_211, %dma_wait3A_212] : memref<10000x16xf32, #tpu.memory_space<hbm>> -> memref<10000x16xf32, #tpu.memory_space<hbm>>
    tpu.wait_indirect_dma semaphore(%arg15 : memref<!tpu.dma_semaphore, #tpu.memory_space<semaphore_mem>>) src(%dma_wait3A_213 : memref<10000x16xf32, #tpu.memory_space<hbm>>) dst(%arg11 : memref<1000x16xf32, #tpu.memory_space<vmem>>)
    %dma_wait3A_214 = arith.constant 0 : i32
    %dma_wait3A_215 = arith.constant 0 : i32
    %dma_wait3A_216 = tpu.memref_slice %arg2[%dma_wait3A_214, %dma_wait3A_215] : memref<10000x16xf32, #tpu.memory_space<hbm>> -> memref<10000x16xf32, #tpu.memory_space<hbm>>
    tpu.wait_indirect_dma semaphore(%arg15 : memref<!tpu.dma_semaphore, #tpu.memory_space<semaphore_mem>>) src(%dma_wait3A_216 : memref<10000x16xf32, #tpu.memory_space<hbm>>) dst(%arg13 : memref<1000x16xf32, #tpu.memory_space<vmem>>)
    %dma_start3A_217 = arith.constant 0 : i32
    %dma_start3A_218 = tpu.memref_slice %arg5[%add3A_210, %dma_start3A_217] : memref<320000x16xf32, #tpu.memory_space<hbm>> -> memref<1000x16xf32, #tpu.memory_space<hbm>>
    %dma_start3A_219 = arith.constant 0 : i32
    %dma_start3A_220 = tpu.memref_slice %arg5[%add3A_210, %dma_start3A_219] : memref<320000x16xf32, #tpu.memory_space<hbm>> -> memref<1000x16xf32, #tpu.memory_space<hbm>>
    tpu.enqueue_dma source(%arg11 : memref<1000x16xf32, #tpu.memory_space<vmem>>) target(%dma_start3A_220 : memref<1000x16xf32, #tpu.memory_space<hbm>>) target_semaphore(%arg16 : memref<!tpu.dma_semaphore, #tpu.memory_space<semaphore_mem>>)
    %dma_start3A_221 = arith.constant 0 : i32
    %dma_start3A_222 = tpu.memref_slice %arg6[%add3A_210, %dma_start3A_221] : memref<320000x16xf32, #tpu.memory_space<hbm>> -> memref<1000x16xf32, #tpu.memory_space<hbm>>
    %dma_start3A_223 = arith.constant 0 : i32
    %dma_start3A_224 = tpu.memref_slice %arg6[%add3A_210, %dma_start3A_223] : memref<320000x16xf32, #tpu.memory_space<hbm>> -> memref<1000x16xf32, #tpu.memory_space<hbm>>
    tpu.enqueue_dma source(%arg13 : memref<1000x16xf32, #tpu.memory_space<vmem>>) target(%dma_start3A_224 : memref<1000x16xf32, #tpu.memory_space<hbm>>) target_semaphore(%arg16 : memref<!tpu.dma_semaphore, #tpu.memory_space<semaphore_mem>>)
    %add3A_225 = arith.constant 8000 : i32
    %add3A_226 = arith.addi %mul3A_2, %add3A_225 : i32
    %dma_wait3A_227 = arith.constant 0 : i32
    %dma_wait3A_228 = tpu.memref_slice %arg5[%add3A_210, %dma_wait3A_227] : memref<320000x16xf32, #tpu.memory_space<hbm>> -> memref<1000x16xf32, #tpu.memory_space<hbm>>
    %dma_wait3A_229 = arith.constant 0 : i32
    %dma_wait3A_230 = tpu.memref_slice %arg5[%add3A_210, %dma_wait3A_229] : memref<320000x16xf32, #tpu.memory_space<hbm>> -> memref<1000x16xf32, #tpu.memory_space<hbm>>
    tpu.wait_dma2 semaphore(%arg16 : memref<!tpu.dma_semaphore, #tpu.memory_space<semaphore_mem>>) src(%arg11 : memref<1000x16xf32, #tpu.memory_space<vmem>>) dst(%dma_wait3A_230 : memref<1000x16xf32, #tpu.memory_space<hbm>>)
    %dma_wait3A_231 = arith.constant 0 : i32
    %dma_wait3A_232 = tpu.memref_slice %arg6[%add3A_210, %dma_wait3A_231] : memref<320000x16xf32, #tpu.memory_space<hbm>> -> memref<1000x16xf32, #tpu.memory_space<hbm>>
    %dma_wait3A_233 = arith.constant 0 : i32
    %dma_wait3A_234 = tpu.memref_slice %arg6[%add3A_210, %dma_wait3A_233] : memref<320000x16xf32, #tpu.memory_space<hbm>> -> memref<1000x16xf32, #tpu.memory_space<hbm>>
    tpu.wait_dma2 semaphore(%arg16 : memref<!tpu.dma_semaphore, #tpu.memory_space<semaphore_mem>>) src(%arg13 : memref<1000x16xf32, #tpu.memory_space<vmem>>) dst(%dma_wait3A_234 : memref<1000x16xf32, #tpu.memory_space<hbm>>)
    "tpu.region"() ({
      %run_scoped3A = tpu.sem_alloc : memref<!tpu.dma_semaphore, #tpu.memory_space<semaphore_mem>>
      %dma_start3A_321 = tpu.memref_slice %arg3[%add3A_226] : memref<320000xi32, #tpu.memory_space<hbm>> -> memref<1000xi32, #tpu.memory_space<hbm>>
      %dma_start3A_322 = tpu.memref_slice %arg3[%add3A_226] : memref<320000xi32, #tpu.memory_space<hbm>> -> memref<1000xi32, #tpu.memory_space<hbm>>
      tpu.enqueue_dma source(%dma_start3A_322 : memref<1000xi32, #tpu.memory_space<hbm>>) target(%arg7 : memref<1000xi32, #tpu.memory_space<vmem>>) target_semaphore(%run_scoped3A : memref<!tpu.dma_semaphore, #tpu.memory_space<semaphore_mem>>)
      %dma_wait3A_323 = tpu.memref_slice %arg3[%add3A_226] : memref<320000xi32, #tpu.memory_space<hbm>> -> memref<1000xi32, #tpu.memory_space<hbm>>
      %dma_wait3A_324 = tpu.memref_slice %arg3[%add3A_226] : memref<320000xi32, #tpu.memory_space<hbm>> -> memref<1000xi32, #tpu.memory_space<hbm>>
      tpu.wait_dma2 semaphore(%run_scoped3A : memref<!tpu.dma_semaphore, #tpu.memory_space<semaphore_mem>>) src(%dma_wait3A_324 : memref<1000xi32, #tpu.memory_space<hbm>>) dst(%arg7 : memref<1000xi32, #tpu.memory_space<vmem>>)
      tpu.yield
    }) : () -> ()
    "tpu.region"() ({
      %run_scoped3A = tpu.sem_alloc : memref<!tpu.dma_semaphore, #tpu.memory_space<semaphore_mem>>
      %dma_start3A_321 = tpu.memref_slice %arg4[%add3A_226] : memref<320000xi32, #tpu.memory_space<hbm>> -> memref<1000xi32, #tpu.memory_space<hbm>>
      %dma_start3A_322 = tpu.memref_slice %arg4[%add3A_226] : memref<320000xi32, #tpu.memory_space<hbm>> -> memref<1000xi32, #tpu.memory_space<hbm>>
      tpu.enqueue_dma source(%dma_start3A_322 : memref<1000xi32, #tpu.memory_space<hbm>>) target(%arg9 : memref<1000xi32, #tpu.memory_space<vmem>>) target_semaphore(%run_scoped3A : memref<!tpu.dma_semaphore, #tpu.memory_space<semaphore_mem>>)
      %dma_wait3A_323 = tpu.memref_slice %arg4[%add3A_226] : memref<320000xi32, #tpu.memory_space<hbm>> -> memref<1000xi32, #tpu.memory_space<hbm>>
      %dma_wait3A_324 = tpu.memref_slice %arg4[%add3A_226] : memref<320000xi32, #tpu.memory_space<hbm>> -> memref<1000xi32, #tpu.memory_space<hbm>>
      tpu.wait_dma2 semaphore(%run_scoped3A : memref<!tpu.dma_semaphore, #tpu.memory_space<semaphore_mem>>) src(%dma_wait3A_324 : memref<1000xi32, #tpu.memory_space<hbm>>) dst(%arg9 : memref<1000xi32, #tpu.memory_space<vmem>>)
      tpu.yield
    }) : () -> ()
    %dma_start3A_235 = arith.constant 0 : i32
    %dma_start3A_236 = arith.constant 0 : i32
    %dma_start3A_237 = tpu.memref_slice %arg2[%dma_start3A_235, %dma_start3A_236] : memref<10000x16xf32, #tpu.memory_space<hbm>> -> memref<10000x16xf32, #tpu.memory_space<hbm>>
    tpu.enqueue_indirect_dma source(%dma_start3A_237 : memref<10000x16xf32, #tpu.memory_space<hbm>>) target(%arg11 : memref<1000x16xf32, #tpu.memory_space<vmem>>) offsets(%arg7 : memref<1000xi32, #tpu.memory_space<vmem>>) semaphore(%arg15 : memref<!tpu.dma_semaphore, #tpu.memory_space<semaphore_mem>>)
    %dma_start3A_238 = arith.constant 0 : i32
    %dma_start3A_239 = arith.constant 0 : i32
    %dma_start3A_240 = tpu.memref_slice %arg2[%dma_start3A_238, %dma_start3A_239] : memref<10000x16xf32, #tpu.memory_space<hbm>> -> memref<10000x16xf32, #tpu.memory_space<hbm>>
    tpu.enqueue_indirect_dma source(%dma_start3A_240 : memref<10000x16xf32, #tpu.memory_space<hbm>>) target(%arg13 : memref<1000x16xf32, #tpu.memory_space<vmem>>) offsets(%arg9 : memref<1000xi32, #tpu.memory_space<vmem>>) semaphore(%arg15 : memref<!tpu.dma_semaphore, #tpu.memory_space<semaphore_mem>>)
    %add3A_241 = arith.constant 7000 : i32
    %add3A_242 = arith.addi %mul3A_2, %add3A_241 : i32
    %dma_wait3A_243 = arith.constant 0 : i32
    %dma_wait3A_244 = arith.constant 0 : i32
    %dma_wait3A_245 = tpu.memref_slice %arg2[%dma_wait3A_243, %dma_wait3A_244] : memref<10000x16xf32, #tpu.memory_space<hbm>> -> memref<10000x16xf32, #tpu.memory_space<hbm>>
    tpu.wait_indirect_dma semaphore(%arg15 : memref<!tpu.dma_semaphore, #tpu.memory_space<semaphore_mem>>) src(%dma_wait3A_245 : memref<10000x16xf32, #tpu.memory_space<hbm>>) dst(%arg12 : memref<1000x16xf32, #tpu.memory_space<vmem>>)
    %dma_wait3A_246 = arith.constant 0 : i32
    %dma_wait3A_247 = arith.constant 0 : i32
    %dma_wait3A_248 = tpu.memref_slice %arg2[%dma_wait3A_246, %dma_wait3A_247] : memref<10000x16xf32, #tpu.memory_space<hbm>> -> memref<10000x16xf32, #tpu.memory_space<hbm>>
    tpu.wait_indirect_dma semaphore(%arg15 : memref<!tpu.dma_semaphore, #tpu.memory_space<semaphore_mem>>) src(%dma_wait3A_248 : memref<10000x16xf32, #tpu.memory_space<hbm>>) dst(%arg14 : memref<1000x16xf32, #tpu.memory_space<vmem>>)
    %dma_start3A_249 = arith.constant 0 : i32
    %dma_start3A_250 = tpu.memref_slice %arg5[%add3A_242, %dma_start3A_249] : memref<320000x16xf32, #tpu.memory_space<hbm>> -> memref<1000x16xf32, #tpu.memory_space<hbm>>
    %dma_start3A_251 = arith.constant 0 : i32
    %dma_start3A_252 = tpu.memref_slice %arg5[%add3A_242, %dma_start3A_251] : memref<320000x16xf32, #tpu.memory_space<hbm>> -> memref<1000x16xf32, #tpu.memory_space<hbm>>
    tpu.enqueue_dma source(%arg12 : memref<1000x16xf32, #tpu.memory_space<vmem>>) target(%dma_start3A_252 : memref<1000x16xf32, #tpu.memory_space<hbm>>) target_semaphore(%arg16 : memref<!tpu.dma_semaphore, #tpu.memory_space<semaphore_mem>>)
    %dma_start3A_253 = arith.constant 0 : i32
    %dma_start3A_254 = tpu.memref_slice %arg6[%add3A_242, %dma_start3A_253] : memref<320000x16xf32, #tpu.memory_space<hbm>> -> memref<1000x16xf32, #tpu.memory_space<hbm>>
    %dma_start3A_255 = arith.constant 0 : i32
    %dma_start3A_256 = tpu.memref_slice %arg6[%add3A_242, %dma_start3A_255] : memref<320000x16xf32, #tpu.memory_space<hbm>> -> memref<1000x16xf32, #tpu.memory_space<hbm>>
    tpu.enqueue_dma source(%arg14 : memref<1000x16xf32, #tpu.memory_space<vmem>>) target(%dma_start3A_256 : memref<1000x16xf32, #tpu.memory_space<hbm>>) target_semaphore(%arg16 : memref<!tpu.dma_semaphore, #tpu.memory_space<semaphore_mem>>)
    %add3A_257 = arith.constant 9000 : i32
    %add3A_258 = arith.addi %mul3A_2, %add3A_257 : i32
    %dma_wait3A_259 = arith.constant 0 : i32
    %dma_wait3A_260 = tpu.memref_slice %arg5[%add3A_242, %dma_wait3A_259] : memref<320000x16xf32, #tpu.memory_space<hbm>> -> memref<1000x16xf32, #tpu.memory_space<hbm>>
    %dma_wait3A_261 = arith.constant 0 : i32
    %dma_wait3A_262 = tpu.memref_slice %arg5[%add3A_242, %dma_wait3A_261] : memref<320000x16xf32, #tpu.memory_space<hbm>> -> memref<1000x16xf32, #tpu.memory_space<hbm>>
    tpu.wait_dma2 semaphore(%arg16 : memref<!tpu.dma_semaphore, #tpu.memory_space<semaphore_mem>>) src(%arg12 : memref<1000x16xf32, #tpu.memory_space<vmem>>) dst(%dma_wait3A_262 : memref<1000x16xf32, #tpu.memory_space<hbm>>)
    %dma_wait3A_263 = arith.constant 0 : i32
    %dma_wait3A_264 = tpu.memref_slice %arg6[%add3A_242, %dma_wait3A_263] : memref<320000x16xf32, #tpu.memory_space<hbm>> -> memref<1000x16xf32, #tpu.memory_space<hbm>>
    %dma_wait3A_265 = arith.constant 0 : i32
    %dma_wait3A_266 = tpu.memref_slice %arg6[%add3A_242, %dma_wait3A_265] : memref<320000x16xf32, #tpu.memory_space<hbm>> -> memref<1000x16xf32, #tpu.memory_space<hbm>>
    tpu.wait_dma2 semaphore(%arg16 : memref<!tpu.dma_semaphore, #tpu.memory_space<semaphore_mem>>) src(%arg14 : memref<1000x16xf32, #tpu.memory_space<vmem>>) dst(%dma_wait3A_266 : memref<1000x16xf32, #tpu.memory_space<hbm>>)
    "tpu.region"() ({
      %run_scoped3A = tpu.sem_alloc : memref<!tpu.dma_semaphore, #tpu.memory_space<semaphore_mem>>
      %dma_start3A_321 = tpu.memref_slice %arg3[%add3A_258] : memref<320000xi32, #tpu.memory_space<hbm>> -> memref<1000xi32, #tpu.memory_space<hbm>>
      %dma_start3A_322 = tpu.memref_slice %arg3[%add3A_258] : memref<320000xi32, #tpu.memory_space<hbm>> -> memref<1000xi32, #tpu.memory_space<hbm>>
      tpu.enqueue_dma source(%dma_start3A_322 : memref<1000xi32, #tpu.memory_space<hbm>>) target(%arg8 : memref<1000xi32, #tpu.memory_space<vmem>>) target_semaphore(%run_scoped3A : memref<!tpu.dma_semaphore, #tpu.memory_space<semaphore_mem>>)
      %dma_wait3A_323 = tpu.memref_slice %arg3[%add3A_258] : memref<320000xi32, #tpu.memory_space<hbm>> -> memref<1000xi32, #tpu.memory_space<hbm>>
      %dma_wait3A_324 = tpu.memref_slice %arg3[%add3A_258] : memref<320000xi32, #tpu.memory_space<hbm>> -> memref<1000xi32, #tpu.memory_space<hbm>>
      tpu.wait_dma2 semaphore(%run_scoped3A : memref<!tpu.dma_semaphore, #tpu.memory_space<semaphore_mem>>) src(%dma_wait3A_324 : memref<1000xi32, #tpu.memory_space<hbm>>) dst(%arg8 : memref<1000xi32, #tpu.memory_space<vmem>>)
      tpu.yield
    }) : () -> ()
    "tpu.region"() ({
      %run_scoped3A = tpu.sem_alloc : memref<!tpu.dma_semaphore, #tpu.memory_space<semaphore_mem>>
      %dma_start3A_321 = tpu.memref_slice %arg4[%add3A_258] : memref<320000xi32, #tpu.memory_space<hbm>> -> memref<1000xi32, #tpu.memory_space<hbm>>
      %dma_start3A_322 = tpu.memref_slice %arg4[%add3A_258] : memref<320000xi32, #tpu.memory_space<hbm>> -> memref<1000xi32, #tpu.memory_space<hbm>>
      tpu.enqueue_dma source(%dma_start3A_322 : memref<1000xi32, #tpu.memory_space<hbm>>) target(%arg10 : memref<1000xi32, #tpu.memory_space<vmem>>) target_semaphore(%run_scoped3A : memref<!tpu.dma_semaphore, #tpu.memory_space<semaphore_mem>>)
      %dma_wait3A_323 = tpu.memref_slice %arg4[%add3A_258] : memref<320000xi32, #tpu.memory_space<hbm>> -> memref<1000xi32, #tpu.memory_space<hbm>>
      %dma_wait3A_324 = tpu.memref_slice %arg4[%add3A_258] : memref<320000xi32, #tpu.memory_space<hbm>> -> memref<1000xi32, #tpu.memory_space<hbm>>
      tpu.wait_dma2 semaphore(%run_scoped3A : memref<!tpu.dma_semaphore, #tpu.memory_space<semaphore_mem>>) src(%dma_wait3A_324 : memref<1000xi32, #tpu.memory_space<hbm>>) dst(%arg10 : memref<1000xi32, #tpu.memory_space<vmem>>)
      tpu.yield
    }) : () -> ()
    %dma_start3A_267 = arith.constant 0 : i32
    %dma_start3A_268 = arith.constant 0 : i32
    %dma_start3A_269 = tpu.memref_slice %arg2[%dma_start3A_267, %dma_start3A_268] : memref<10000x16xf32, #tpu.memory_space<hbm>> -> memref<10000x16xf32, #tpu.memory_space<hbm>>
    tpu.enqueue_indirect_dma source(%dma_start3A_269 : memref<10000x16xf32, #tpu.memory_space<hbm>>) target(%arg12 : memref<1000x16xf32, #tpu.memory_space<vmem>>) offsets(%arg8 : memref<1000xi32, #tpu.memory_space<vmem>>) semaphore(%arg15 : memref<!tpu.dma_semaphore, #tpu.memory_space<semaphore_mem>>)
    %dma_start3A_270 = arith.constant 0 : i32
    %dma_start3A_271 = arith.constant 0 : i32
    %dma_start3A_272 = tpu.memref_slice %arg2[%dma_start3A_270, %dma_start3A_271] : memref<10000x16xf32, #tpu.memory_space<hbm>> -> memref<10000x16xf32, #tpu.memory_space<hbm>>
    tpu.enqueue_indirect_dma source(%dma_start3A_272 : memref<10000x16xf32, #tpu.memory_space<hbm>>) target(%arg14 : memref<1000x16xf32, #tpu.memory_space<vmem>>) offsets(%arg10 : memref<1000xi32, #tpu.memory_space<vmem>>) semaphore(%arg15 : memref<!tpu.dma_semaphore, #tpu.memory_space<semaphore_mem>>)
    %add3A_273 = arith.constant 8000 : i32
    %add3A_274 = arith.addi %mul3A_2, %add3A_273 : i32
    %dma_wait3A_275 = arith.constant 0 : i32
    %dma_wait3A_276 = arith.constant 0 : i32
    %dma_wait3A_277 = tpu.memref_slice %arg2[%dma_wait3A_275, %dma_wait3A_276] : memref<10000x16xf32, #tpu.memory_space<hbm>> -> memref<10000x16xf32, #tpu.memory_space<hbm>>
    tpu.wait_indirect_dma semaphore(%arg15 : memref<!tpu.dma_semaphore, #tpu.memory_space<semaphore_mem>>) src(%dma_wait3A_277 : memref<10000x16xf32, #tpu.memory_space<hbm>>) dst(%arg11 : memref<1000x16xf32, #tpu.memory_space<vmem>>)
    %dma_wait3A_278 = arith.constant 0 : i32
    %dma_wait3A_279 = arith.constant 0 : i32
    %dma_wait3A_280 = tpu.memref_slice %arg2[%dma_wait3A_278, %dma_wait3A_279] : memref<10000x16xf32, #tpu.memory_space<hbm>> -> memref<10000x16xf32, #tpu.memory_space<hbm>>
    tpu.wait_indirect_dma semaphore(%arg15 : memref<!tpu.dma_semaphore, #tpu.memory_space<semaphore_mem>>) src(%dma_wait3A_280 : memref<10000x16xf32, #tpu.memory_space<hbm>>) dst(%arg13 : memref<1000x16xf32, #tpu.memory_space<vmem>>)
    %dma_start3A_281 = arith.constant 0 : i32
    %dma_start3A_282 = tpu.memref_slice %arg5[%add3A_274, %dma_start3A_281] : memref<320000x16xf32, #tpu.memory_space<hbm>> -> memref<1000x16xf32, #tpu.memory_space<hbm>>
    %dma_start3A_283 = arith.constant 0 : i32
    %dma_start3A_284 = tpu.memref_slice %arg5[%add3A_274, %dma_start3A_283] : memref<320000x16xf32, #tpu.memory_space<hbm>> -> memref<1000x16xf32, #tpu.memory_space<hbm>>
    tpu.enqueue_dma source(%arg11 : memref<1000x16xf32, #tpu.memory_space<vmem>>) target(%dma_start3A_284 : memref<1000x16xf32, #tpu.memory_space<hbm>>) target_semaphore(%arg16 : memref<!tpu.dma_semaphore, #tpu.memory_space<semaphore_mem>>)
    %dma_start3A_285 = arith.constant 0 : i32
    %dma_start3A_286 = tpu.memref_slice %arg6[%add3A_274, %dma_start3A_285] : memref<320000x16xf32, #tpu.memory_space<hbm>> -> memref<1000x16xf32, #tpu.memory_space<hbm>>
    %dma_start3A_287 = arith.constant 0 : i32
    %dma_start3A_288 = tpu.memref_slice %arg6[%add3A_274, %dma_start3A_287] : memref<320000x16xf32, #tpu.memory_space<hbm>> -> memref<1000x16xf32, #tpu.memory_space<hbm>>
    tpu.enqueue_dma source(%arg13 : memref<1000x16xf32, #tpu.memory_space<vmem>>) target(%dma_start3A_288 : memref<1000x16xf32, #tpu.memory_space<hbm>>) target_semaphore(%arg16 : memref<!tpu.dma_semaphore, #tpu.memory_space<semaphore_mem>>)
    %add3A_289 = arith.constant 9000 : i32
    %add3A_290 = arith.addi %mul3A_2, %add3A_289 : i32
    %dma_wait3A_291 = arith.constant 0 : i32
    %dma_wait3A_292 = arith.constant 0 : i32
    %dma_wait3A_293 = tpu.memref_slice %arg2[%dma_wait3A_291, %dma_wait3A_292] : memref<10000x16xf32, #tpu.memory_space<hbm>> -> memref<10000x16xf32, #tpu.memory_space<hbm>>
    tpu.wait_indirect_dma semaphore(%arg15 : memref<!tpu.dma_semaphore, #tpu.memory_space<semaphore_mem>>) src(%dma_wait3A_293 : memref<10000x16xf32, #tpu.memory_space<hbm>>) dst(%arg12 : memref<1000x16xf32, #tpu.memory_space<vmem>>)
    %dma_wait3A_294 = arith.constant 0 : i32
    %dma_wait3A_295 = arith.constant 0 : i32
    %dma_wait3A_296 = tpu.memref_slice %arg2[%dma_wait3A_294, %dma_wait3A_295] : memref<10000x16xf32, #tpu.memory_space<hbm>> -> memref<10000x16xf32, #tpu.memory_space<hbm>>
    tpu.wait_indirect_dma semaphore(%arg15 : memref<!tpu.dma_semaphore, #tpu.memory_space<semaphore_mem>>) src(%dma_wait3A_296 : memref<10000x16xf32, #tpu.memory_space<hbm>>) dst(%arg14 : memref<1000x16xf32, #tpu.memory_space<vmem>>)
    %dma_start3A_297 = arith.constant 0 : i32
    %dma_start3A_298 = tpu.memref_slice %arg5[%add3A_290, %dma_start3A_297] : memref<320000x16xf32, #tpu.memory_space<hbm>> -> memref<1000x16xf32, #tpu.memory_space<hbm>>
    %dma_start3A_299 = arith.constant 0 : i32
    %dma_start3A_300 = tpu.memref_slice %arg5[%add3A_290, %dma_start3A_299] : memref<320000x16xf32, #tpu.memory_space<hbm>> -> memref<1000x16xf32, #tpu.memory_space<hbm>>
    tpu.enqueue_dma source(%arg12 : memref<1000x16xf32, #tpu.memory_space<vmem>>) target(%dma_start3A_300 : memref<1000x16xf32, #tpu.memory_space<hbm>>) target_semaphore(%arg16 : memref<!tpu.dma_semaphore, #tpu.memory_space<semaphore_mem>>)
    %dma_start3A_301 = arith.constant 0 : i32
    %dma_start3A_302 = tpu.memref_slice %arg6[%add3A_290, %dma_start3A_301] : memref<320000x16xf32, #tpu.memory_space<hbm>> -> memref<1000x16xf32, #tpu.memory_space<hbm>>
    %dma_start3A_303 = arith.constant 0 : i32
    %dma_start3A_304 = tpu.memref_slice %arg6[%add3A_290, %dma_start3A_303] : memref<320000x16xf32, #tpu.memory_space<hbm>> -> memref<1000x16xf32, #tpu.memory_space<hbm>>
    tpu.enqueue_dma source(%arg14 : memref<1000x16xf32, #tpu.memory_space<vmem>>) target(%dma_start3A_304 : memref<1000x16xf32, #tpu.memory_space<hbm>>) target_semaphore(%arg16 : memref<!tpu.dma_semaphore, #tpu.memory_space<semaphore_mem>>)
    %dma_wait3A_305 = arith.constant 0 : i32
    %dma_wait3A_306 = tpu.memref_slice %arg5[%add3A_274, %dma_wait3A_305] : memref<320000x16xf32, #tpu.memory_space<hbm>> -> memref<1000x16xf32, #tpu.memory_space<hbm>>
    %dma_wait3A_307 = arith.constant 0 : i32
    %dma_wait3A_308 = tpu.memref_slice %arg5[%add3A_274, %dma_wait3A_307] : memref<320000x16xf32, #tpu.memory_space<hbm>> -> memref<1000x16xf32, #tpu.memory_space<hbm>>
    tpu.wait_dma2 semaphore(%arg16 : memref<!tpu.dma_semaphore, #tpu.memory_space<semaphore_mem>>) src(%arg11 : memref<1000x16xf32, #tpu.memory_space<vmem>>) dst(%dma_wait3A_308 : memref<1000x16xf32, #tpu.memory_space<hbm>>)
    %dma_wait3A_309 = arith.constant 0 : i32
    %dma_wait3A_310 = tpu.memref_slice %arg6[%add3A_274, %dma_wait3A_309] : memref<320000x16xf32, #tpu.memory_space<hbm>> -> memref<1000x16xf32, #tpu.memory_space<hbm>>
    %dma_wait3A_311 = arith.constant 0 : i32
    %dma_wait3A_312 = tpu.memref_slice %arg6[%add3A_274, %dma_wait3A_311] : memref<320000x16xf32, #tpu.memory_space<hbm>> -> memref<1000x16xf32, #tpu.memory_space<hbm>>
    tpu.wait_dma2 semaphore(%arg16 : memref<!tpu.dma_semaphore, #tpu.memory_space<semaphore_mem>>) src(%arg13 : memref<1000x16xf32, #tpu.memory_space<vmem>>) dst(%dma_wait3A_312 : memref<1000x16xf32, #tpu.memory_space<hbm>>)
    %dma_wait3A_313 = arith.constant 0 : i32
    %dma_wait3A_314 = tpu.memref_slice %arg5[%add3A_290, %dma_wait3A_313] : memref<320000x16xf32, #tpu.memory_space<hbm>> -> memref<1000x16xf32, #tpu.memory_space<hbm>>
    %dma_wait3A_315 = arith.constant 0 : i32
    %dma_wait3A_316 = tpu.memref_slice %arg5[%add3A_290, %dma_wait3A_315] : memref<320000x16xf32, #tpu.memory_space<hbm>> -> memref<1000x16xf32, #tpu.memory_space<hbm>>
    tpu.wait_dma2 semaphore(%arg16 : memref<!tpu.dma_semaphore, #tpu.memory_space<semaphore_mem>>) src(%arg12 : memref<1000x16xf32, #tpu.memory_space<vmem>>) dst(%dma_wait3A_316 : memref<1000x16xf32, #tpu.memory_space<hbm>>)
    %dma_wait3A_317 = arith.constant 0 : i32
    %dma_wait3A_318 = tpu.memref_slice %arg6[%add3A_290, %dma_wait3A_317] : memref<320000x16xf32, #tpu.memory_space<hbm>> -> memref<1000x16xf32, #tpu.memory_space<hbm>>
    %dma_wait3A_319 = arith.constant 0 : i32
    %dma_wait3A_320 = tpu.memref_slice %arg6[%add3A_290, %dma_wait3A_319] : memref<320000x16xf32, #tpu.memory_space<hbm>> -> memref<1000x16xf32, #tpu.memory_space<hbm>>
    tpu.wait_dma2 semaphore(%arg16 : memref<!tpu.dma_semaphore, #tpu.memory_space<semaphore_mem>>) src(%arg14 : memref<1000x16xf32, #tpu.memory_space<vmem>>) dst(%dma_wait3A_320 : memref<1000x16xf32, #tpu.memory_space<hbm>>)
    return
  }
}

#map = affine_map<(d0, d1) -> (0, 0)>
#map1 = affine_map<(d0, d1) -> (0)>
#map2 = affine_map<(d0, d1) -> (0, 0, 0)>
module attributes {stable_mosaic.version = 14 : i64} {
  func.func @_sc_scatter_body(%arg0: i32, %arg1: i32, %arg2: memref<320000x16xf32, #tpu.memory_space<hbm>>, %arg3: memref<320000xi32, #tpu.memory_space<hbm>>, %arg4: memref<10240x16xf32, #tpu.memory_space<hbm>>, %arg5: memref<2x10240x16xf32, #tpu.memory_space<hbm>>, %arg6: memref<1000xi32, #tpu.memory_space<vmem>>, %arg7: memref<1000xi32, #tpu.memory_space<vmem>>, %arg8: memref<1000x16xf32, #tpu.memory_space<vmem>>, %arg9: memref<1000x16xf32, #tpu.memory_space<vmem>>, %arg10: memref<10240x16xf32, #tpu.memory_space<vmem_shared>>, %arg11: memref<!tpu.dma_semaphore, #tpu.memory_space<semaphore_mem>>) attributes {dimension_semantics = [#tpu.dimension_semantics<core_parallel>, #tpu.dimension_semantics<subcore_parallel>], iteration_bounds = array<i64: 2, 16>, scalar_prefetch = 0 : i64, scratch_operands = 6 : i64, tpu.core_type = #tpu.core_type<sc_vector_subcore>, window_params = [{transform_indices = #map}, {transform_indices = #map1}, {transform_indices = #map}, {transform_indices = #map2}]} {
    %mul3A = arith.constant 2 : i32
    %mul3A_0 = arith.muli %arg1, %mul3A : i32
    %add3A = arith.addi %mul3A_0, %arg0 : i32
    %mul3A_1 = arith.constant 640 : i32
    %mul3A_2 = arith.muli %arg1, %mul3A_1 : i32
    "tpu.region"() ({
      %run_scoped3A = tpu.sem_alloc : memref<!tpu.dma_semaphore, #tpu.memory_space<semaphore_mem>>
      %dma_start3A_144 = arith.constant 0 : i32
      %dma_start3A_145 = tpu.memref_slice %arg10[%mul3A_2, %dma_start3A_144] : memref<10240x16xf32, #tpu.memory_space<vmem_shared>> -> memref<640x16xf32, #tpu.memory_space<vmem_shared>>
      %dma_start3A_146 = arith.constant 0 : i32
      %dma_start3A_147 = tpu.memref_slice %arg4[%mul3A_2, %dma_start3A_146] : memref<10240x16xf32, #tpu.memory_space<hbm>> -> memref<640x16xf32, #tpu.memory_space<hbm>>
      tpu.enqueue_dma source(%dma_start3A_147 : memref<640x16xf32, #tpu.memory_space<hbm>>) target(%dma_start3A_145 : memref<640x16xf32, #tpu.memory_space<vmem_shared>>) target_semaphore(%run_scoped3A : memref<!tpu.dma_semaphore, #tpu.memory_space<semaphore_mem>>)
      %dma_wait3A_148 = arith.constant 0 : i32
      %dma_wait3A_149 = tpu.memref_slice %arg10[%mul3A_2, %dma_wait3A_148] : memref<10240x16xf32, #tpu.memory_space<vmem_shared>> -> memref<640x16xf32, #tpu.memory_space<vmem_shared>>
      %dma_wait3A_150 = arith.constant 0 : i32
      %dma_wait3A_151 = tpu.memref_slice %arg4[%mul3A_2, %dma_wait3A_150] : memref<10240x16xf32, #tpu.memory_space<hbm>> -> memref<640x16xf32, #tpu.memory_space<hbm>>
      tpu.wait_dma2 semaphore(%run_scoped3A : memref<!tpu.dma_semaphore, #tpu.memory_space<semaphore_mem>>) src(%dma_wait3A_151 : memref<640x16xf32, #tpu.memory_space<hbm>>) dst(%dma_wait3A_149 : memref<640x16xf32, #tpu.memory_space<vmem_shared>>)
      tpu.yield
    }) : () -> ()
    %barrier3A = arith.constant 0 : index
    tpu.barrier barrier_id(%barrier3A)
    %mul3A_3 = arith.constant 10000 : i32
    %mul3A_4 = arith.muli %add3A, %mul3A_3 : i32
    %add3A_5 = arith.constant 0 : i32
    %add3A_6 = arith.addi %mul3A_4, %add3A_5 : i32
    %dma_start3A = tpu.memref_slice %arg3[%add3A_6] : memref<320000xi32, #tpu.memory_space<hbm>> -> memref<1000xi32, #tpu.memory_space<hbm>>
    %dma_start3A_7 = tpu.memref_slice %arg3[%add3A_6] : memref<320000xi32, #tpu.memory_space<hbm>> -> memref<1000xi32, #tpu.memory_space<hbm>>
    tpu.enqueue_dma source(%dma_start3A_7 : memref<1000xi32, #tpu.memory_space<hbm>>) target(%arg6 : memref<1000xi32, #tpu.memory_space<vmem>>) target_semaphore(%arg11 : memref<!tpu.dma_semaphore, #tpu.memory_space<semaphore_mem>>)
    %dma_start3A_8 = arith.constant 0 : i32
    %dma_start3A_9 = tpu.memref_slice %arg2[%add3A_6, %dma_start3A_8] : memref<320000x16xf32, #tpu.memory_space<hbm>> -> memref<1000x16xf32, #tpu.memory_space<hbm>>
    %dma_start3A_10 = arith.constant 0 : i32
    %dma_start3A_11 = tpu.memref_slice %arg2[%add3A_6, %dma_start3A_10] : memref<320000x16xf32, #tpu.memory_space<hbm>> -> memref<1000x16xf32, #tpu.memory_space<hbm>>
    tpu.enqueue_dma source(%dma_start3A_11 : memref<1000x16xf32, #tpu.memory_space<hbm>>) target(%arg8 : memref<1000x16xf32, #tpu.memory_space<vmem>>) target_semaphore(%arg11 : memref<!tpu.dma_semaphore, #tpu.memory_space<semaphore_mem>>)
    %dma_wait3A = tpu.memref_slice %arg3[%add3A_6] : memref<320000xi32, #tpu.memory_space<hbm>> -> memref<1000xi32, #tpu.memory_space<hbm>>
    %dma_wait3A_12 = tpu.memref_slice %arg3[%add3A_6] : memref<320000xi32, #tpu.memory_space<hbm>> -> memref<1000xi32, #tpu.memory_space<hbm>>
    tpu.wait_dma2 semaphore(%arg11 : memref<!tpu.dma_semaphore, #tpu.memory_space<semaphore_mem>>) src(%dma_wait3A_12 : memref<1000xi32, #tpu.memory_space<hbm>>) dst(%arg6 : memref<1000xi32, #tpu.memory_space<vmem>>)
    %dma_wait3A_13 = arith.constant 0 : i32
    %dma_wait3A_14 = tpu.memref_slice %arg2[%add3A_6, %dma_wait3A_13] : memref<320000x16xf32, #tpu.memory_space<hbm>> -> memref<1000x16xf32, #tpu.memory_space<hbm>>
    %dma_wait3A_15 = arith.constant 0 : i32
    %dma_wait3A_16 = tpu.memref_slice %arg2[%add3A_6, %dma_wait3A_15] : memref<320000x16xf32, #tpu.memory_space<hbm>> -> memref<1000x16xf32, #tpu.memory_space<hbm>>
    tpu.wait_dma2 semaphore(%arg11 : memref<!tpu.dma_semaphore, #tpu.memory_space<semaphore_mem>>) src(%dma_wait3A_16 : memref<1000x16xf32, #tpu.memory_space<hbm>>) dst(%arg8 : memref<1000x16xf32, #tpu.memory_space<vmem>>)
    %add3A_17 = arith.constant 1000 : i32
    %add3A_18 = arith.addi %mul3A_4, %add3A_17 : i32
    %dma_start3A_19 = tpu.memref_slice %arg3[%add3A_18] : memref<320000xi32, #tpu.memory_space<hbm>> -> memref<1000xi32, #tpu.memory_space<hbm>>
    %dma_start3A_20 = tpu.memref_slice %arg3[%add3A_18] : memref<320000xi32, #tpu.memory_space<hbm>> -> memref<1000xi32, #tpu.memory_space<hbm>>
    tpu.enqueue_dma source(%dma_start3A_20 : memref<1000xi32, #tpu.memory_space<hbm>>) target(%arg7 : memref<1000xi32, #tpu.memory_space<vmem>>) target_semaphore(%arg11 : memref<!tpu.dma_semaphore, #tpu.memory_space<semaphore_mem>>)
    %dma_start3A_21 = arith.constant 0 : i32
    %dma_start3A_22 = tpu.memref_slice %arg2[%add3A_18, %dma_start3A_21] : memref<320000x16xf32, #tpu.memory_space<hbm>> -> memref<1000x16xf32, #tpu.memory_space<hbm>>
    %dma_start3A_23 = arith.constant 0 : i32
    %dma_start3A_24 = tpu.memref_slice %arg2[%add3A_18, %dma_start3A_23] : memref<320000x16xf32, #tpu.memory_space<hbm>> -> memref<1000x16xf32, #tpu.memory_space<hbm>>
    tpu.enqueue_dma source(%dma_start3A_24 : memref<1000x16xf32, #tpu.memory_space<hbm>>) target(%arg9 : memref<1000x16xf32, #tpu.memory_space<vmem>>) target_semaphore(%arg11 : memref<!tpu.dma_semaphore, #tpu.memory_space<semaphore_mem>>)
    "tpu.region"() ({
      %run_scoped3A = tpu.sem_alloc : memref<!tpu.dma_semaphore, #tpu.memory_space<semaphore_mem>>
      %dma_start3A_144 = arith.constant 0 : i32
      %dma_start3A_145 = arith.constant 0 : i32
      %dma_start3A_146 = tpu.memref_slice %arg10[%dma_start3A_144, %dma_start3A_145] : memref<10240x16xf32, #tpu.memory_space<vmem_shared>> -> memref<10240x16xf32, #tpu.memory_space<vmem_shared>>
      tpu.enqueue_indirect_dma source(%arg8 : memref<1000x16xf32, #tpu.memory_space<vmem>>) target(%dma_start3A_146 : memref<10240x16xf32, #tpu.memory_space<vmem_shared>>) offsets(%arg6 : memref<1000xi32, #tpu.memory_space<vmem>>) semaphore(%run_scoped3A : memref<!tpu.dma_semaphore, #tpu.memory_space<semaphore_mem>>) {add = true}
      %dma_wait3A_147 = arith.constant 0 : i32
      %dma_wait3A_148 = arith.constant 0 : i32
      %dma_wait3A_149 = tpu.memref_slice %arg10[%dma_wait3A_147, %dma_wait3A_148] : memref<10240x16xf32, #tpu.memory_space<vmem_shared>> -> memref<10240x16xf32, #tpu.memory_space<vmem_shared>>
      tpu.wait_indirect_dma semaphore(%run_scoped3A : memref<!tpu.dma_semaphore, #tpu.memory_space<semaphore_mem>>) src(%arg8 : memref<1000x16xf32, #tpu.memory_space<vmem>>) dst(%dma_wait3A_149 : memref<10240x16xf32, #tpu.memory_space<vmem_shared>>)
      tpu.yield
    }) : () -> ()
    %dma_wait3A_25 = tpu.memref_slice %arg3[%add3A_18] : memref<320000xi32, #tpu.memory_space<hbm>> -> memref<1000xi32, #tpu.memory_space<hbm>>
    %dma_wait3A_26 = tpu.memref_slice %arg3[%add3A_18] : memref<320000xi32, #tpu.memory_space<hbm>> -> memref<1000xi32, #tpu.memory_space<hbm>>
    tpu.wait_dma2 semaphore(%arg11 : memref<!tpu.dma_semaphore, #tpu.memory_space<semaphore_mem>>) src(%dma_wait3A_26 : memref<1000xi32, #tpu.memory_space<hbm>>) dst(%arg7 : memref<1000xi32, #tpu.memory_space<vmem>>)
    %dma_wait3A_27 = arith.constant 0 : i32
    %dma_wait3A_28 = tpu.memref_slice %arg2[%add3A_18, %dma_wait3A_27] : memref<320000x16xf32, #tpu.memory_space<hbm>> -> memref<1000x16xf32, #tpu.memory_space<hbm>>
    %dma_wait3A_29 = arith.constant 0 : i32
    %dma_wait3A_30 = tpu.memref_slice %arg2[%add3A_18, %dma_wait3A_29] : memref<320000x16xf32, #tpu.memory_space<hbm>> -> memref<1000x16xf32, #tpu.memory_space<hbm>>
    tpu.wait_dma2 semaphore(%arg11 : memref<!tpu.dma_semaphore, #tpu.memory_space<semaphore_mem>>) src(%dma_wait3A_30 : memref<1000x16xf32, #tpu.memory_space<hbm>>) dst(%arg9 : memref<1000x16xf32, #tpu.memory_space<vmem>>)
    %add3A_31 = arith.constant 2000 : i32
    %add3A_32 = arith.addi %mul3A_4, %add3A_31 : i32
    %dma_start3A_33 = tpu.memref_slice %arg3[%add3A_32] : memref<320000xi32, #tpu.memory_space<hbm>> -> memref<1000xi32, #tpu.memory_space<hbm>>
    %dma_start3A_34 = tpu.memref_slice %arg3[%add3A_32] : memref<320000xi32, #tpu.memory_space<hbm>> -> memref<1000xi32, #tpu.memory_space<hbm>>
    tpu.enqueue_dma source(%dma_start3A_34 : memref<1000xi32, #tpu.memory_space<hbm>>) target(%arg6 : memref<1000xi32, #tpu.memory_space<vmem>>) target_semaphore(%arg11 : memref<!tpu.dma_semaphore, #tpu.memory_space<semaphore_mem>>)
    %dma_start3A_35 = arith.constant 0 : i32
    %dma_start3A_36 = tpu.memref_slice %arg2[%add3A_32, %dma_start3A_35] : memref<320000x16xf32, #tpu.memory_space<hbm>> -> memref<1000x16xf32, #tpu.memory_space<hbm>>
    %dma_start3A_37 = arith.constant 0 : i32
    %dma_start3A_38 = tpu.memref_slice %arg2[%add3A_32, %dma_start3A_37] : memref<320000x16xf32, #tpu.memory_space<hbm>> -> memref<1000x16xf32, #tpu.memory_space<hbm>>
    tpu.enqueue_dma source(%dma_start3A_38 : memref<1000x16xf32, #tpu.memory_space<hbm>>) target(%arg8 : memref<1000x16xf32, #tpu.memory_space<vmem>>) target_semaphore(%arg11 : memref<!tpu.dma_semaphore, #tpu.memory_space<semaphore_mem>>)
    "tpu.region"() ({
      %run_scoped3A = tpu.sem_alloc : memref<!tpu.dma_semaphore, #tpu.memory_space<semaphore_mem>>
      %dma_start3A_144 = arith.constant 0 : i32
      %dma_start3A_145 = arith.constant 0 : i32
      %dma_start3A_146 = tpu.memref_slice %arg10[%dma_start3A_144, %dma_start3A_145] : memref<10240x16xf32, #tpu.memory_space<vmem_shared>> -> memref<10240x16xf32, #tpu.memory_space<vmem_shared>>
      tpu.enqueue_indirect_dma source(%arg9 : memref<1000x16xf32, #tpu.memory_space<vmem>>) target(%dma_start3A_146 : memref<10240x16xf32, #tpu.memory_space<vmem_shared>>) offsets(%arg7 : memref<1000xi32, #tpu.memory_space<vmem>>) semaphore(%run_scoped3A : memref<!tpu.dma_semaphore, #tpu.memory_space<semaphore_mem>>) {add = true}
      %dma_wait3A_147 = arith.constant 0 : i32
      %dma_wait3A_148 = arith.constant 0 : i32
      %dma_wait3A_149 = tpu.memref_slice %arg10[%dma_wait3A_147, %dma_wait3A_148] : memref<10240x16xf32, #tpu.memory_space<vmem_shared>> -> memref<10240x16xf32, #tpu.memory_space<vmem_shared>>
      tpu.wait_indirect_dma semaphore(%run_scoped3A : memref<!tpu.dma_semaphore, #tpu.memory_space<semaphore_mem>>) src(%arg9 : memref<1000x16xf32, #tpu.memory_space<vmem>>) dst(%dma_wait3A_149 : memref<10240x16xf32, #tpu.memory_space<vmem_shared>>)
      tpu.yield
    }) : () -> ()
    %dma_wait3A_39 = tpu.memref_slice %arg3[%add3A_32] : memref<320000xi32, #tpu.memory_space<hbm>> -> memref<1000xi32, #tpu.memory_space<hbm>>
    %dma_wait3A_40 = tpu.memref_slice %arg3[%add3A_32] : memref<320000xi32, #tpu.memory_space<hbm>> -> memref<1000xi32, #tpu.memory_space<hbm>>
    tpu.wait_dma2 semaphore(%arg11 : memref<!tpu.dma_semaphore, #tpu.memory_space<semaphore_mem>>) src(%dma_wait3A_40 : memref<1000xi32, #tpu.memory_space<hbm>>) dst(%arg6 : memref<1000xi32, #tpu.memory_space<vmem>>)
    %dma_wait3A_41 = arith.constant 0 : i32
    %dma_wait3A_42 = tpu.memref_slice %arg2[%add3A_32, %dma_wait3A_41] : memref<320000x16xf32, #tpu.memory_space<hbm>> -> memref<1000x16xf32, #tpu.memory_space<hbm>>
    %dma_wait3A_43 = arith.constant 0 : i32
    %dma_wait3A_44 = tpu.memref_slice %arg2[%add3A_32, %dma_wait3A_43] : memref<320000x16xf32, #tpu.memory_space<hbm>> -> memref<1000x16xf32, #tpu.memory_space<hbm>>
    tpu.wait_dma2 semaphore(%arg11 : memref<!tpu.dma_semaphore, #tpu.memory_space<semaphore_mem>>) src(%dma_wait3A_44 : memref<1000x16xf32, #tpu.memory_space<hbm>>) dst(%arg8 : memref<1000x16xf32, #tpu.memory_space<vmem>>)
    %add3A_45 = arith.constant 3000 : i32
    %add3A_46 = arith.addi %mul3A_4, %add3A_45 : i32
    %dma_start3A_47 = tpu.memref_slice %arg3[%add3A_46] : memref<320000xi32, #tpu.memory_space<hbm>> -> memref<1000xi32, #tpu.memory_space<hbm>>
    %dma_start3A_48 = tpu.memref_slice %arg3[%add3A_46] : memref<320000xi32, #tpu.memory_space<hbm>> -> memref<1000xi32, #tpu.memory_space<hbm>>
    tpu.enqueue_dma source(%dma_start3A_48 : memref<1000xi32, #tpu.memory_space<hbm>>) target(%arg7 : memref<1000xi32, #tpu.memory_space<vmem>>) target_semaphore(%arg11 : memref<!tpu.dma_semaphore, #tpu.memory_space<semaphore_mem>>)
    %dma_start3A_49 = arith.constant 0 : i32
    %dma_start3A_50 = tpu.memref_slice %arg2[%add3A_46, %dma_start3A_49] : memref<320000x16xf32, #tpu.memory_space<hbm>> -> memref<1000x16xf32, #tpu.memory_space<hbm>>
    %dma_start3A_51 = arith.constant 0 : i32
    %dma_start3A_52 = tpu.memref_slice %arg2[%add3A_46, %dma_start3A_51] : memref<320000x16xf32, #tpu.memory_space<hbm>> -> memref<1000x16xf32, #tpu.memory_space<hbm>>
    tpu.enqueue_dma source(%dma_start3A_52 : memref<1000x16xf32, #tpu.memory_space<hbm>>) target(%arg9 : memref<1000x16xf32, #tpu.memory_space<vmem>>) target_semaphore(%arg11 : memref<!tpu.dma_semaphore, #tpu.memory_space<semaphore_mem>>)
    "tpu.region"() ({
      %run_scoped3A = tpu.sem_alloc : memref<!tpu.dma_semaphore, #tpu.memory_space<semaphore_mem>>
      %dma_start3A_144 = arith.constant 0 : i32
      %dma_start3A_145 = arith.constant 0 : i32
      %dma_start3A_146 = tpu.memref_slice %arg10[%dma_start3A_144, %dma_start3A_145] : memref<10240x16xf32, #tpu.memory_space<vmem_shared>> -> memref<10240x16xf32, #tpu.memory_space<vmem_shared>>
      tpu.enqueue_indirect_dma source(%arg8 : memref<1000x16xf32, #tpu.memory_space<vmem>>) target(%dma_start3A_146 : memref<10240x16xf32, #tpu.memory_space<vmem_shared>>) offsets(%arg6 : memref<1000xi32, #tpu.memory_space<vmem>>) semaphore(%run_scoped3A : memref<!tpu.dma_semaphore, #tpu.memory_space<semaphore_mem>>) {add = true}
      %dma_wait3A_147 = arith.constant 0 : i32
      %dma_wait3A_148 = arith.constant 0 : i32
      %dma_wait3A_149 = tpu.memref_slice %arg10[%dma_wait3A_147, %dma_wait3A_148] : memref<10240x16xf32, #tpu.memory_space<vmem_shared>> -> memref<10240x16xf32, #tpu.memory_space<vmem_shared>>
      tpu.wait_indirect_dma semaphore(%run_scoped3A : memref<!tpu.dma_semaphore, #tpu.memory_space<semaphore_mem>>) src(%arg8 : memref<1000x16xf32, #tpu.memory_space<vmem>>) dst(%dma_wait3A_149 : memref<10240x16xf32, #tpu.memory_space<vmem_shared>>)
      tpu.yield
    }) : () -> ()
    %dma_wait3A_53 = tpu.memref_slice %arg3[%add3A_46] : memref<320000xi32, #tpu.memory_space<hbm>> -> memref<1000xi32, #tpu.memory_space<hbm>>
    %dma_wait3A_54 = tpu.memref_slice %arg3[%add3A_46] : memref<320000xi32, #tpu.memory_space<hbm>> -> memref<1000xi32, #tpu.memory_space<hbm>>
    tpu.wait_dma2 semaphore(%arg11 : memref<!tpu.dma_semaphore, #tpu.memory_space<semaphore_mem>>) src(%dma_wait3A_54 : memref<1000xi32, #tpu.memory_space<hbm>>) dst(%arg7 : memref<1000xi32, #tpu.memory_space<vmem>>)
    %dma_wait3A_55 = arith.constant 0 : i32
    %dma_wait3A_56 = tpu.memref_slice %arg2[%add3A_46, %dma_wait3A_55] : memref<320000x16xf32, #tpu.memory_space<hbm>> -> memref<1000x16xf32, #tpu.memory_space<hbm>>
    %dma_wait3A_57 = arith.constant 0 : i32
    %dma_wait3A_58 = tpu.memref_slice %arg2[%add3A_46, %dma_wait3A_57] : memref<320000x16xf32, #tpu.memory_space<hbm>> -> memref<1000x16xf32, #tpu.memory_space<hbm>>
    tpu.wait_dma2 semaphore(%arg11 : memref<!tpu.dma_semaphore, #tpu.memory_space<semaphore_mem>>) src(%dma_wait3A_58 : memref<1000x16xf32, #tpu.memory_space<hbm>>) dst(%arg9 : memref<1000x16xf32, #tpu.memory_space<vmem>>)
    %add3A_59 = arith.constant 4000 : i32
    %add3A_60 = arith.addi %mul3A_4, %add3A_59 : i32
    %dma_start3A_61 = tpu.memref_slice %arg3[%add3A_60] : memref<320000xi32, #tpu.memory_space<hbm>> -> memref<1000xi32, #tpu.memory_space<hbm>>
    %dma_start3A_62 = tpu.memref_slice %arg3[%add3A_60] : memref<320000xi32, #tpu.memory_space<hbm>> -> memref<1000xi32, #tpu.memory_space<hbm>>
    tpu.enqueue_dma source(%dma_start3A_62 : memref<1000xi32, #tpu.memory_space<hbm>>) target(%arg6 : memref<1000xi32, #tpu.memory_space<vmem>>) target_semaphore(%arg11 : memref<!tpu.dma_semaphore, #tpu.memory_space<semaphore_mem>>)
    %dma_start3A_63 = arith.constant 0 : i32
    %dma_start3A_64 = tpu.memref_slice %arg2[%add3A_60, %dma_start3A_63] : memref<320000x16xf32, #tpu.memory_space<hbm>> -> memref<1000x16xf32, #tpu.memory_space<hbm>>
    %dma_start3A_65 = arith.constant 0 : i32
    %dma_start3A_66 = tpu.memref_slice %arg2[%add3A_60, %dma_start3A_65] : memref<320000x16xf32, #tpu.memory_space<hbm>> -> memref<1000x16xf32, #tpu.memory_space<hbm>>
    tpu.enqueue_dma source(%dma_start3A_66 : memref<1000x16xf32, #tpu.memory_space<hbm>>) target(%arg8 : memref<1000x16xf32, #tpu.memory_space<vmem>>) target_semaphore(%arg11 : memref<!tpu.dma_semaphore, #tpu.memory_space<semaphore_mem>>)
    "tpu.region"() ({
      %run_scoped3A = tpu.sem_alloc : memref<!tpu.dma_semaphore, #tpu.memory_space<semaphore_mem>>
      %dma_start3A_144 = arith.constant 0 : i32
      %dma_start3A_145 = arith.constant 0 : i32
      %dma_start3A_146 = tpu.memref_slice %arg10[%dma_start3A_144, %dma_start3A_145] : memref<10240x16xf32, #tpu.memory_space<vmem_shared>> -> memref<10240x16xf32, #tpu.memory_space<vmem_shared>>
      tpu.enqueue_indirect_dma source(%arg9 : memref<1000x16xf32, #tpu.memory_space<vmem>>) target(%dma_start3A_146 : memref<10240x16xf32, #tpu.memory_space<vmem_shared>>) offsets(%arg7 : memref<1000xi32, #tpu.memory_space<vmem>>) semaphore(%run_scoped3A : memref<!tpu.dma_semaphore, #tpu.memory_space<semaphore_mem>>) {add = true}
      %dma_wait3A_147 = arith.constant 0 : i32
      %dma_wait3A_148 = arith.constant 0 : i32
      %dma_wait3A_149 = tpu.memref_slice %arg10[%dma_wait3A_147, %dma_wait3A_148] : memref<10240x16xf32, #tpu.memory_space<vmem_shared>> -> memref<10240x16xf32, #tpu.memory_space<vmem_shared>>
      tpu.wait_indirect_dma semaphore(%run_scoped3A : memref<!tpu.dma_semaphore, #tpu.memory_space<semaphore_mem>>) src(%arg9 : memref<1000x16xf32, #tpu.memory_space<vmem>>) dst(%dma_wait3A_149 : memref<10240x16xf32, #tpu.memory_space<vmem_shared>>)
      tpu.yield
    }) : () -> ()
    %dma_wait3A_67 = tpu.memref_slice %arg3[%add3A_60] : memref<320000xi32, #tpu.memory_space<hbm>> -> memref<1000xi32, #tpu.memory_space<hbm>>
    %dma_wait3A_68 = tpu.memref_slice %arg3[%add3A_60] : memref<320000xi32, #tpu.memory_space<hbm>> -> memref<1000xi32, #tpu.memory_space<hbm>>
    tpu.wait_dma2 semaphore(%arg11 : memref<!tpu.dma_semaphore, #tpu.memory_space<semaphore_mem>>) src(%dma_wait3A_68 : memref<1000xi32, #tpu.memory_space<hbm>>) dst(%arg6 : memref<1000xi32, #tpu.memory_space<vmem>>)
    %dma_wait3A_69 = arith.constant 0 : i32
    %dma_wait3A_70 = tpu.memref_slice %arg2[%add3A_60, %dma_wait3A_69] : memref<320000x16xf32, #tpu.memory_space<hbm>> -> memref<1000x16xf32, #tpu.memory_space<hbm>>
    %dma_wait3A_71 = arith.constant 0 : i32
    %dma_wait3A_72 = tpu.memref_slice %arg2[%add3A_60, %dma_wait3A_71] : memref<320000x16xf32, #tpu.memory_space<hbm>> -> memref<1000x16xf32, #tpu.memory_space<hbm>>
    tpu.wait_dma2 semaphore(%arg11 : memref<!tpu.dma_semaphore, #tpu.memory_space<semaphore_mem>>) src(%dma_wait3A_72 : memref<1000x16xf32, #tpu.memory_space<hbm>>) dst(%arg8 : memref<1000x16xf32, #tpu.memory_space<vmem>>)
    %add3A_73 = arith.constant 5000 : i32
    %add3A_74 = arith.addi %mul3A_4, %add3A_73 : i32
    %dma_start3A_75 = tpu.memref_slice %arg3[%add3A_74] : memref<320000xi32, #tpu.memory_space<hbm>> -> memref<1000xi32, #tpu.memory_space<hbm>>
    %dma_start3A_76 = tpu.memref_slice %arg3[%add3A_74] : memref<320000xi32, #tpu.memory_space<hbm>> -> memref<1000xi32, #tpu.memory_space<hbm>>
    tpu.enqueue_dma source(%dma_start3A_76 : memref<1000xi32, #tpu.memory_space<hbm>>) target(%arg7 : memref<1000xi32, #tpu.memory_space<vmem>>) target_semaphore(%arg11 : memref<!tpu.dma_semaphore, #tpu.memory_space<semaphore_mem>>)
    %dma_start3A_77 = arith.constant 0 : i32
    %dma_start3A_78 = tpu.memref_slice %arg2[%add3A_74, %dma_start3A_77] : memref<320000x16xf32, #tpu.memory_space<hbm>> -> memref<1000x16xf32, #tpu.memory_space<hbm>>
    %dma_start3A_79 = arith.constant 0 : i32
    %dma_start3A_80 = tpu.memref_slice %arg2[%add3A_74, %dma_start3A_79] : memref<320000x16xf32, #tpu.memory_space<hbm>> -> memref<1000x16xf32, #tpu.memory_space<hbm>>
    tpu.enqueue_dma source(%dma_start3A_80 : memref<1000x16xf32, #tpu.memory_space<hbm>>) target(%arg9 : memref<1000x16xf32, #tpu.memory_space<vmem>>) target_semaphore(%arg11 : memref<!tpu.dma_semaphore, #tpu.memory_space<semaphore_mem>>)
    "tpu.region"() ({
      %run_scoped3A = tpu.sem_alloc : memref<!tpu.dma_semaphore, #tpu.memory_space<semaphore_mem>>
      %dma_start3A_144 = arith.constant 0 : i32
      %dma_start3A_145 = arith.constant 0 : i32
      %dma_start3A_146 = tpu.memref_slice %arg10[%dma_start3A_144, %dma_start3A_145] : memref<10240x16xf32, #tpu.memory_space<vmem_shared>> -> memref<10240x16xf32, #tpu.memory_space<vmem_shared>>
      tpu.enqueue_indirect_dma source(%arg8 : memref<1000x16xf32, #tpu.memory_space<vmem>>) target(%dma_start3A_146 : memref<10240x16xf32, #tpu.memory_space<vmem_shared>>) offsets(%arg6 : memref<1000xi32, #tpu.memory_space<vmem>>) semaphore(%run_scoped3A : memref<!tpu.dma_semaphore, #tpu.memory_space<semaphore_mem>>) {add = true}
      %dma_wait3A_147 = arith.constant 0 : i32
      %dma_wait3A_148 = arith.constant 0 : i32
      %dma_wait3A_149 = tpu.memref_slice %arg10[%dma_wait3A_147, %dma_wait3A_148] : memref<10240x16xf32, #tpu.memory_space<vmem_shared>> -> memref<10240x16xf32, #tpu.memory_space<vmem_shared>>
      tpu.wait_indirect_dma semaphore(%run_scoped3A : memref<!tpu.dma_semaphore, #tpu.memory_space<semaphore_mem>>) src(%arg8 : memref<1000x16xf32, #tpu.memory_space<vmem>>) dst(%dma_wait3A_149 : memref<10240x16xf32, #tpu.memory_space<vmem_shared>>)
      tpu.yield
    }) : () -> ()
    %dma_wait3A_81 = tpu.memref_slice %arg3[%add3A_74] : memref<320000xi32, #tpu.memory_space<hbm>> -> memref<1000xi32, #tpu.memory_space<hbm>>
    %dma_wait3A_82 = tpu.memref_slice %arg3[%add3A_74] : memref<320000xi32, #tpu.memory_space<hbm>> -> memref<1000xi32, #tpu.memory_space<hbm>>
    tpu.wait_dma2 semaphore(%arg11 : memref<!tpu.dma_semaphore, #tpu.memory_space<semaphore_mem>>) src(%dma_wait3A_82 : memref<1000xi32, #tpu.memory_space<hbm>>) dst(%arg7 : memref<1000xi32, #tpu.memory_space<vmem>>)
    %dma_wait3A_83 = arith.constant 0 : i32
    %dma_wait3A_84 = tpu.memref_slice %arg2[%add3A_74, %dma_wait3A_83] : memref<320000x16xf32, #tpu.memory_space<hbm>> -> memref<1000x16xf32, #tpu.memory_space<hbm>>
    %dma_wait3A_85 = arith.constant 0 : i32
    %dma_wait3A_86 = tpu.memref_slice %arg2[%add3A_74, %dma_wait3A_85] : memref<320000x16xf32, #tpu.memory_space<hbm>> -> memref<1000x16xf32, #tpu.memory_space<hbm>>
    tpu.wait_dma2 semaphore(%arg11 : memref<!tpu.dma_semaphore, #tpu.memory_space<semaphore_mem>>) src(%dma_wait3A_86 : memref<1000x16xf32, #tpu.memory_space<hbm>>) dst(%arg9 : memref<1000x16xf32, #tpu.memory_space<vmem>>)
    %add3A_87 = arith.constant 6000 : i32
    %add3A_88 = arith.addi %mul3A_4, %add3A_87 : i32
    %dma_start3A_89 = tpu.memref_slice %arg3[%add3A_88] : memref<320000xi32, #tpu.memory_space<hbm>> -> memref<1000xi32, #tpu.memory_space<hbm>>
    %dma_start3A_90 = tpu.memref_slice %arg3[%add3A_88] : memref<320000xi32, #tpu.memory_space<hbm>> -> memref<1000xi32, #tpu.memory_space<hbm>>
    tpu.enqueue_dma source(%dma_start3A_90 : memref<1000xi32, #tpu.memory_space<hbm>>) target(%arg6 : memref<1000xi32, #tpu.memory_space<vmem>>) target_semaphore(%arg11 : memref<!tpu.dma_semaphore, #tpu.memory_space<semaphore_mem>>)
    %dma_start3A_91 = arith.constant 0 : i32
    %dma_start3A_92 = tpu.memref_slice %arg2[%add3A_88, %dma_start3A_91] : memref<320000x16xf32, #tpu.memory_space<hbm>> -> memref<1000x16xf32, #tpu.memory_space<hbm>>
    %dma_start3A_93 = arith.constant 0 : i32
    %dma_start3A_94 = tpu.memref_slice %arg2[%add3A_88, %dma_start3A_93] : memref<320000x16xf32, #tpu.memory_space<hbm>> -> memref<1000x16xf32, #tpu.memory_space<hbm>>
    tpu.enqueue_dma source(%dma_start3A_94 : memref<1000x16xf32, #tpu.memory_space<hbm>>) target(%arg8 : memref<1000x16xf32, #tpu.memory_space<vmem>>) target_semaphore(%arg11 : memref<!tpu.dma_semaphore, #tpu.memory_space<semaphore_mem>>)
    "tpu.region"() ({
      %run_scoped3A = tpu.sem_alloc : memref<!tpu.dma_semaphore, #tpu.memory_space<semaphore_mem>>
      %dma_start3A_144 = arith.constant 0 : i32
      %dma_start3A_145 = arith.constant 0 : i32
      %dma_start3A_146 = tpu.memref_slice %arg10[%dma_start3A_144, %dma_start3A_145] : memref<10240x16xf32, #tpu.memory_space<vmem_shared>> -> memref<10240x16xf32, #tpu.memory_space<vmem_shared>>
      tpu.enqueue_indirect_dma source(%arg9 : memref<1000x16xf32, #tpu.memory_space<vmem>>) target(%dma_start3A_146 : memref<10240x16xf32, #tpu.memory_space<vmem_shared>>) offsets(%arg7 : memref<1000xi32, #tpu.memory_space<vmem>>) semaphore(%run_scoped3A : memref<!tpu.dma_semaphore, #tpu.memory_space<semaphore_mem>>) {add = true}
      %dma_wait3A_147 = arith.constant 0 : i32
      %dma_wait3A_148 = arith.constant 0 : i32
      %dma_wait3A_149 = tpu.memref_slice %arg10[%dma_wait3A_147, %dma_wait3A_148] : memref<10240x16xf32, #tpu.memory_space<vmem_shared>> -> memref<10240x16xf32, #tpu.memory_space<vmem_shared>>
      tpu.wait_indirect_dma semaphore(%run_scoped3A : memref<!tpu.dma_semaphore, #tpu.memory_space<semaphore_mem>>) src(%arg9 : memref<1000x16xf32, #tpu.memory_space<vmem>>) dst(%dma_wait3A_149 : memref<10240x16xf32, #tpu.memory_space<vmem_shared>>)
      tpu.yield
    }) : () -> ()
    %dma_wait3A_95 = tpu.memref_slice %arg3[%add3A_88] : memref<320000xi32, #tpu.memory_space<hbm>> -> memref<1000xi32, #tpu.memory_space<hbm>>
    %dma_wait3A_96 = tpu.memref_slice %arg3[%add3A_88] : memref<320000xi32, #tpu.memory_space<hbm>> -> memref<1000xi32, #tpu.memory_space<hbm>>
    tpu.wait_dma2 semaphore(%arg11 : memref<!tpu.dma_semaphore, #tpu.memory_space<semaphore_mem>>) src(%dma_wait3A_96 : memref<1000xi32, #tpu.memory_space<hbm>>) dst(%arg6 : memref<1000xi32, #tpu.memory_space<vmem>>)
    %dma_wait3A_97 = arith.constant 0 : i32
    %dma_wait3A_98 = tpu.memref_slice %arg2[%add3A_88, %dma_wait3A_97] : memref<320000x16xf32, #tpu.memory_space<hbm>> -> memref<1000x16xf32, #tpu.memory_space<hbm>>
    %dma_wait3A_99 = arith.constant 0 : i32
    %dma_wait3A_100 = tpu.memref_slice %arg2[%add3A_88, %dma_wait3A_99] : memref<320000x16xf32, #tpu.memory_space<hbm>> -> memref<1000x16xf32, #tpu.memory_space<hbm>>
    tpu.wait_dma2 semaphore(%arg11 : memref<!tpu.dma_semaphore, #tpu.memory_space<semaphore_mem>>) src(%dma_wait3A_100 : memref<1000x16xf32, #tpu.memory_space<hbm>>) dst(%arg8 : memref<1000x16xf32, #tpu.memory_space<vmem>>)
    %add3A_101 = arith.constant 7000 : i32
    %add3A_102 = arith.addi %mul3A_4, %add3A_101 : i32
    %dma_start3A_103 = tpu.memref_slice %arg3[%add3A_102] : memref<320000xi32, #tpu.memory_space<hbm>> -> memref<1000xi32, #tpu.memory_space<hbm>>
    %dma_start3A_104 = tpu.memref_slice %arg3[%add3A_102] : memref<320000xi32, #tpu.memory_space<hbm>> -> memref<1000xi32, #tpu.memory_space<hbm>>
    tpu.enqueue_dma source(%dma_start3A_104 : memref<1000xi32, #tpu.memory_space<hbm>>) target(%arg7 : memref<1000xi32, #tpu.memory_space<vmem>>) target_semaphore(%arg11 : memref<!tpu.dma_semaphore, #tpu.memory_space<semaphore_mem>>)
    %dma_start3A_105 = arith.constant 0 : i32
    %dma_start3A_106 = tpu.memref_slice %arg2[%add3A_102, %dma_start3A_105] : memref<320000x16xf32, #tpu.memory_space<hbm>> -> memref<1000x16xf32, #tpu.memory_space<hbm>>
    %dma_start3A_107 = arith.constant 0 : i32
    %dma_start3A_108 = tpu.memref_slice %arg2[%add3A_102, %dma_start3A_107] : memref<320000x16xf32, #tpu.memory_space<hbm>> -> memref<1000x16xf32, #tpu.memory_space<hbm>>
    tpu.enqueue_dma source(%dma_start3A_108 : memref<1000x16xf32, #tpu.memory_space<hbm>>) target(%arg9 : memref<1000x16xf32, #tpu.memory_space<vmem>>) target_semaphore(%arg11 : memref<!tpu.dma_semaphore, #tpu.memory_space<semaphore_mem>>)
    "tpu.region"() ({
      %run_scoped3A = tpu.sem_alloc : memref<!tpu.dma_semaphore, #tpu.memory_space<semaphore_mem>>
      %dma_start3A_144 = arith.constant 0 : i32
      %dma_start3A_145 = arith.constant 0 : i32
      %dma_start3A_146 = tpu.memref_slice %arg10[%dma_start3A_144, %dma_start3A_145] : memref<10240x16xf32, #tpu.memory_space<vmem_shared>> -> memref<10240x16xf32, #tpu.memory_space<vmem_shared>>
      tpu.enqueue_indirect_dma source(%arg8 : memref<1000x16xf32, #tpu.memory_space<vmem>>) target(%dma_start3A_146 : memref<10240x16xf32, #tpu.memory_space<vmem_shared>>) offsets(%arg6 : memref<1000xi32, #tpu.memory_space<vmem>>) semaphore(%run_scoped3A : memref<!tpu.dma_semaphore, #tpu.memory_space<semaphore_mem>>) {add = true}
      %dma_wait3A_147 = arith.constant 0 : i32
      %dma_wait3A_148 = arith.constant 0 : i32
      %dma_wait3A_149 = tpu.memref_slice %arg10[%dma_wait3A_147, %dma_wait3A_148] : memref<10240x16xf32, #tpu.memory_space<vmem_shared>> -> memref<10240x16xf32, #tpu.memory_space<vmem_shared>>
      tpu.wait_indirect_dma semaphore(%run_scoped3A : memref<!tpu.dma_semaphore, #tpu.memory_space<semaphore_mem>>) src(%arg8 : memref<1000x16xf32, #tpu.memory_space<vmem>>) dst(%dma_wait3A_149 : memref<10240x16xf32, #tpu.memory_space<vmem_shared>>)
      tpu.yield
    }) : () -> ()
    %dma_wait3A_109 = tpu.memref_slice %arg3[%add3A_102] : memref<320000xi32, #tpu.memory_space<hbm>> -> memref<1000xi32, #tpu.memory_space<hbm>>
    %dma_wait3A_110 = tpu.memref_slice %arg3[%add3A_102] : memref<320000xi32, #tpu.memory_space<hbm>> -> memref<1000xi32, #tpu.memory_space<hbm>>
    tpu.wait_dma2 semaphore(%arg11 : memref<!tpu.dma_semaphore, #tpu.memory_space<semaphore_mem>>) src(%dma_wait3A_110 : memref<1000xi32, #tpu.memory_space<hbm>>) dst(%arg7 : memref<1000xi32, #tpu.memory_space<vmem>>)
    %dma_wait3A_111 = arith.constant 0 : i32
    %dma_wait3A_112 = tpu.memref_slice %arg2[%add3A_102, %dma_wait3A_111] : memref<320000x16xf32, #tpu.memory_space<hbm>> -> memref<1000x16xf32, #tpu.memory_space<hbm>>
    %dma_wait3A_113 = arith.constant 0 : i32
    %dma_wait3A_114 = tpu.memref_slice %arg2[%add3A_102, %dma_wait3A_113] : memref<320000x16xf32, #tpu.memory_space<hbm>> -> memref<1000x16xf32, #tpu.memory_space<hbm>>
    tpu.wait_dma2 semaphore(%arg11 : memref<!tpu.dma_semaphore, #tpu.memory_space<semaphore_mem>>) src(%dma_wait3A_114 : memref<1000x16xf32, #tpu.memory_space<hbm>>) dst(%arg9 : memref<1000x16xf32, #tpu.memory_space<vmem>>)
    %add3A_115 = arith.constant 8000 : i32
    %add3A_116 = arith.addi %mul3A_4, %add3A_115 : i32
    %dma_start3A_117 = tpu.memref_slice %arg3[%add3A_116] : memref<320000xi32, #tpu.memory_space<hbm>> -> memref<1000xi32, #tpu.memory_space<hbm>>
    %dma_start3A_118 = tpu.memref_slice %arg3[%add3A_116] : memref<320000xi32, #tpu.memory_space<hbm>> -> memref<1000xi32, #tpu.memory_space<hbm>>
    tpu.enqueue_dma source(%dma_start3A_118 : memref<1000xi32, #tpu.memory_space<hbm>>) target(%arg6 : memref<1000xi32, #tpu.memory_space<vmem>>) target_semaphore(%arg11 : memref<!tpu.dma_semaphore, #tpu.memory_space<semaphore_mem>>)
    %dma_start3A_119 = arith.constant 0 : i32
    %dma_start3A_120 = tpu.memref_slice %arg2[%add3A_116, %dma_start3A_119] : memref<320000x16xf32, #tpu.memory_space<hbm>> -> memref<1000x16xf32, #tpu.memory_space<hbm>>
    %dma_start3A_121 = arith.constant 0 : i32
    %dma_start3A_122 = tpu.memref_slice %arg2[%add3A_116, %dma_start3A_121] : memref<320000x16xf32, #tpu.memory_space<hbm>> -> memref<1000x16xf32, #tpu.memory_space<hbm>>
    tpu.enqueue_dma source(%dma_start3A_122 : memref<1000x16xf32, #tpu.memory_space<hbm>>) target(%arg8 : memref<1000x16xf32, #tpu.memory_space<vmem>>) target_semaphore(%arg11 : memref<!tpu.dma_semaphore, #tpu.memory_space<semaphore_mem>>)
    "tpu.region"() ({
      %run_scoped3A = tpu.sem_alloc : memref<!tpu.dma_semaphore, #tpu.memory_space<semaphore_mem>>
      %dma_start3A_144 = arith.constant 0 : i32
      %dma_start3A_145 = arith.constant 0 : i32
      %dma_start3A_146 = tpu.memref_slice %arg10[%dma_start3A_144, %dma_start3A_145] : memref<10240x16xf32, #tpu.memory_space<vmem_shared>> -> memref<10240x16xf32, #tpu.memory_space<vmem_shared>>
      tpu.enqueue_indirect_dma source(%arg9 : memref<1000x16xf32, #tpu.memory_space<vmem>>) target(%dma_start3A_146 : memref<10240x16xf32, #tpu.memory_space<vmem_shared>>) offsets(%arg7 : memref<1000xi32, #tpu.memory_space<vmem>>) semaphore(%run_scoped3A : memref<!tpu.dma_semaphore, #tpu.memory_space<semaphore_mem>>) {add = true}
      %dma_wait3A_147 = arith.constant 0 : i32
      %dma_wait3A_148 = arith.constant 0 : i32
      %dma_wait3A_149 = tpu.memref_slice %arg10[%dma_wait3A_147, %dma_wait3A_148] : memref<10240x16xf32, #tpu.memory_space<vmem_shared>> -> memref<10240x16xf32, #tpu.memory_space<vmem_shared>>
      tpu.wait_indirect_dma semaphore(%run_scoped3A : memref<!tpu.dma_semaphore, #tpu.memory_space<semaphore_mem>>) src(%arg9 : memref<1000x16xf32, #tpu.memory_space<vmem>>) dst(%dma_wait3A_149 : memref<10240x16xf32, #tpu.memory_space<vmem_shared>>)
      tpu.yield
    }) : () -> ()
    %dma_wait3A_123 = tpu.memref_slice %arg3[%add3A_116] : memref<320000xi32, #tpu.memory_space<hbm>> -> memref<1000xi32, #tpu.memory_space<hbm>>
    %dma_wait3A_124 = tpu.memref_slice %arg3[%add3A_116] : memref<320000xi32, #tpu.memory_space<hbm>> -> memref<1000xi32, #tpu.memory_space<hbm>>
    tpu.wait_dma2 semaphore(%arg11 : memref<!tpu.dma_semaphore, #tpu.memory_space<semaphore_mem>>) src(%dma_wait3A_124 : memref<1000xi32, #tpu.memory_space<hbm>>) dst(%arg6 : memref<1000xi32, #tpu.memory_space<vmem>>)
    %dma_wait3A_125 = arith.constant 0 : i32
    %dma_wait3A_126 = tpu.memref_slice %arg2[%add3A_116, %dma_wait3A_125] : memref<320000x16xf32, #tpu.memory_space<hbm>> -> memref<1000x16xf32, #tpu.memory_space<hbm>>
    %dma_wait3A_127 = arith.constant 0 : i32
    %dma_wait3A_128 = tpu.memref_slice %arg2[%add3A_116, %dma_wait3A_127] : memref<320000x16xf32, #tpu.memory_space<hbm>> -> memref<1000x16xf32, #tpu.memory_space<hbm>>
    tpu.wait_dma2 semaphore(%arg11 : memref<!tpu.dma_semaphore, #tpu.memory_space<semaphore_mem>>) src(%dma_wait3A_128 : memref<1000x16xf32, #tpu.memory_space<hbm>>) dst(%arg8 : memref<1000x16xf32, #tpu.memory_space<vmem>>)
    %add3A_129 = arith.constant 9000 : i32
    %add3A_130 = arith.addi %mul3A_4, %add3A_129 : i32
    %dma_start3A_131 = tpu.memref_slice %arg3[%add3A_130] : memref<320000xi32, #tpu.memory_space<hbm>> -> memref<1000xi32, #tpu.memory_space<hbm>>
    %dma_start3A_132 = tpu.memref_slice %arg3[%add3A_130] : memref<320000xi32, #tpu.memory_space<hbm>> -> memref<1000xi32, #tpu.memory_space<hbm>>
    tpu.enqueue_dma source(%dma_start3A_132 : memref<1000xi32, #tpu.memory_space<hbm>>) target(%arg7 : memref<1000xi32, #tpu.memory_space<vmem>>) target_semaphore(%arg11 : memref<!tpu.dma_semaphore, #tpu.memory_space<semaphore_mem>>)
    %dma_start3A_133 = arith.constant 0 : i32
    %dma_start3A_134 = tpu.memref_slice %arg2[%add3A_130, %dma_start3A_133] : memref<320000x16xf32, #tpu.memory_space<hbm>> -> memref<1000x16xf32, #tpu.memory_space<hbm>>
    %dma_start3A_135 = arith.constant 0 : i32
    %dma_start3A_136 = tpu.memref_slice %arg2[%add3A_130, %dma_start3A_135] : memref<320000x16xf32, #tpu.memory_space<hbm>> -> memref<1000x16xf32, #tpu.memory_space<hbm>>
    tpu.enqueue_dma source(%dma_start3A_136 : memref<1000x16xf32, #tpu.memory_space<hbm>>) target(%arg9 : memref<1000x16xf32, #tpu.memory_space<vmem>>) target_semaphore(%arg11 : memref<!tpu.dma_semaphore, #tpu.memory_space<semaphore_mem>>)
    "tpu.region"() ({
      %run_scoped3A = tpu.sem_alloc : memref<!tpu.dma_semaphore, #tpu.memory_space<semaphore_mem>>
      %dma_start3A_144 = arith.constant 0 : i32
      %dma_start3A_145 = arith.constant 0 : i32
      %dma_start3A_146 = tpu.memref_slice %arg10[%dma_start3A_144, %dma_start3A_145] : memref<10240x16xf32, #tpu.memory_space<vmem_shared>> -> memref<10240x16xf32, #tpu.memory_space<vmem_shared>>
      tpu.enqueue_indirect_dma source(%arg8 : memref<1000x16xf32, #tpu.memory_space<vmem>>) target(%dma_start3A_146 : memref<10240x16xf32, #tpu.memory_space<vmem_shared>>) offsets(%arg6 : memref<1000xi32, #tpu.memory_space<vmem>>) semaphore(%run_scoped3A : memref<!tpu.dma_semaphore, #tpu.memory_space<semaphore_mem>>) {add = true}
      %dma_wait3A_147 = arith.constant 0 : i32
      %dma_wait3A_148 = arith.constant 0 : i32
      %dma_wait3A_149 = tpu.memref_slice %arg10[%dma_wait3A_147, %dma_wait3A_148] : memref<10240x16xf32, #tpu.memory_space<vmem_shared>> -> memref<10240x16xf32, #tpu.memory_space<vmem_shared>>
      tpu.wait_indirect_dma semaphore(%run_scoped3A : memref<!tpu.dma_semaphore, #tpu.memory_space<semaphore_mem>>) src(%arg8 : memref<1000x16xf32, #tpu.memory_space<vmem>>) dst(%dma_wait3A_149 : memref<10240x16xf32, #tpu.memory_space<vmem_shared>>)
      tpu.yield
    }) : () -> ()
    %dma_wait3A_137 = tpu.memref_slice %arg3[%add3A_130] : memref<320000xi32, #tpu.memory_space<hbm>> -> memref<1000xi32, #tpu.memory_space<hbm>>
    %dma_wait3A_138 = tpu.memref_slice %arg3[%add3A_130] : memref<320000xi32, #tpu.memory_space<hbm>> -> memref<1000xi32, #tpu.memory_space<hbm>>
    tpu.wait_dma2 semaphore(%arg11 : memref<!tpu.dma_semaphore, #tpu.memory_space<semaphore_mem>>) src(%dma_wait3A_138 : memref<1000xi32, #tpu.memory_space<hbm>>) dst(%arg7 : memref<1000xi32, #tpu.memory_space<vmem>>)
    %dma_wait3A_139 = arith.constant 0 : i32
    %dma_wait3A_140 = tpu.memref_slice %arg2[%add3A_130, %dma_wait3A_139] : memref<320000x16xf32, #tpu.memory_space<hbm>> -> memref<1000x16xf32, #tpu.memory_space<hbm>>
    %dma_wait3A_141 = arith.constant 0 : i32
    %dma_wait3A_142 = tpu.memref_slice %arg2[%add3A_130, %dma_wait3A_141] : memref<320000x16xf32, #tpu.memory_space<hbm>> -> memref<1000x16xf32, #tpu.memory_space<hbm>>
    tpu.wait_dma2 semaphore(%arg11 : memref<!tpu.dma_semaphore, #tpu.memory_space<semaphore_mem>>) src(%dma_wait3A_142 : memref<1000x16xf32, #tpu.memory_space<hbm>>) dst(%arg9 : memref<1000x16xf32, #tpu.memory_space<vmem>>)
    "tpu.region"() ({
      %run_scoped3A = tpu.sem_alloc : memref<!tpu.dma_semaphore, #tpu.memory_space<semaphore_mem>>
      %dma_start3A_144 = arith.constant 0 : i32
      %dma_start3A_145 = arith.constant 0 : i32
      %dma_start3A_146 = tpu.memref_slice %arg10[%dma_start3A_144, %dma_start3A_145] : memref<10240x16xf32, #tpu.memory_space<vmem_shared>> -> memref<10240x16xf32, #tpu.memory_space<vmem_shared>>
      tpu.enqueue_indirect_dma source(%arg9 : memref<1000x16xf32, #tpu.memory_space<vmem>>) target(%dma_start3A_146 : memref<10240x16xf32, #tpu.memory_space<vmem_shared>>) offsets(%arg7 : memref<1000xi32, #tpu.memory_space<vmem>>) semaphore(%run_scoped3A : memref<!tpu.dma_semaphore, #tpu.memory_space<semaphore_mem>>) {add = true}
      %dma_wait3A_147 = arith.constant 0 : i32
      %dma_wait3A_148 = arith.constant 0 : i32
      %dma_wait3A_149 = tpu.memref_slice %arg10[%dma_wait3A_147, %dma_wait3A_148] : memref<10240x16xf32, #tpu.memory_space<vmem_shared>> -> memref<10240x16xf32, #tpu.memory_space<vmem_shared>>
      tpu.wait_indirect_dma semaphore(%run_scoped3A : memref<!tpu.dma_semaphore, #tpu.memory_space<semaphore_mem>>) src(%arg9 : memref<1000x16xf32, #tpu.memory_space<vmem>>) dst(%dma_wait3A_149 : memref<10240x16xf32, #tpu.memory_space<vmem_shared>>)
      tpu.yield
    }) : () -> ()
    %barrier3A_143 = arith.constant 0 : index
    tpu.barrier barrier_id(%barrier3A_143)
    "tpu.region"() ({
      %run_scoped3A = tpu.sem_alloc : memref<!tpu.dma_semaphore, #tpu.memory_space<semaphore_mem>>
      %dma_start3A_144 = arith.constant 0 : i32
      %dma_start3A_145 = tpu.memref_slice %arg5[%arg0, %mul3A_2, %dma_start3A_144] : memref<2x10240x16xf32, #tpu.memory_space<hbm>> -> memref<1x640x16xf32, #tpu.memory_space<hbm>>
      %dma_start3A_146 = tpu.memref_squeeze %dma_start3A_145 : memref<1x640x16xf32, #tpu.memory_space<hbm>> -> memref<640x16xf32, #tpu.memory_space<hbm>>
      %dma_start3A_147 = arith.constant 0 : i32
      %dma_start3A_148 = tpu.memref_slice %arg10[%mul3A_2, %dma_start3A_147] : memref<10240x16xf32, #tpu.memory_space<vmem_shared>> -> memref<640x16xf32, #tpu.memory_space<vmem_shared>>
      tpu.enqueue_dma source(%dma_start3A_148 : memref<640x16xf32, #tpu.memory_space<vmem_shared>>) target(%dma_start3A_146 : memref<640x16xf32, #tpu.memory_space<hbm>>) target_semaphore(%run_scoped3A : memref<!tpu.dma_semaphore, #tpu.memory_space<semaphore_mem>>)
      %dma_wait3A_149 = arith.constant 0 : i32
      %dma_wait3A_150 = tpu.memref_slice %arg5[%arg0, %mul3A_2, %dma_wait3A_149] : memref<2x10240x16xf32, #tpu.memory_space<hbm>> -> memref<1x640x16xf32, #tpu.memory_space<hbm>>
      %dma_wait3A_151 = tpu.memref_squeeze %dma_wait3A_150 : memref<1x640x16xf32, #tpu.memory_space<hbm>> -> memref<640x16xf32, #tpu.memory_space<hbm>>
      %dma_wait3A_152 = arith.constant 0 : i32
      %dma_wait3A_153 = tpu.memref_slice %arg10[%mul3A_2, %dma_wait3A_152] : memref<10240x16xf32, #tpu.memory_space<vmem_shared>> -> memref<640x16xf32, #tpu.memory_space<vmem_shared>>
      tpu.wait_dma2 semaphore(%run_scoped3A : memref<!tpu.dma_semaphore, #tpu.memory_space<semaphore_mem>>) src(%dma_wait3A_153 : memref<640x16xf32, #tpu.memory_space<vmem_shared>>) dst(%dma_wait3A_151 : memref<640x16xf32, #tpu.memory_space<hbm>>)
      tpu.yield
    }) : () -> ()
    return
  }
}

module attributes {stable_mosaic.version = 14 : i64} {
  func.func @_pp_pre_body(%arg0: memref<10000x128xf32, #tpu.memory_space<vmem>>, %arg1: memref<128x32xf32, #tpu.memory_space<vmem>>, %arg2: memref<1x32xf32, #tpu.memory_space<vmem>>, %arg3: memref<32x16xf32, #tpu.memory_space<vmem>>, %arg4: memref<1x16xf32, #tpu.memory_space<vmem>>, %arg5: memref<10000x16xf32, #tpu.memory_space<vmem>>) attributes {dimension_semantics = [], scalar_prefetch = 0 : i64, scratch_operands = 0 : i64, tpu.core_type = #tpu.core_type<tc>} {
    %get3A = arith.constant 0 : index
    %get3A_0 = arith.constant 0 : index
    %get3A_1 = vector.load %arg0[%get3A, %get3A_0] : memref<10000x128xf32, #tpu.memory_space<vmem>>, vector<10000x128xf32>
    %get3A_2 = arith.constant 0 : index
    %get3A_3 = arith.constant 0 : index
    %get3A_4 = vector.load %arg1[%get3A_2, %get3A_3] : memref<128x32xf32, #tpu.memory_space<vmem>>, vector<128x32xf32>
    %dot_general3A = arith.constant dense<0.000000e+00> : vector<10000x32xf32>
    %dot_general3A_5 = tpu.matmul %get3A_1, %get3A_4, %dot_general3A {dimension_numbers = #tpu.dot_dimension_numbers<[1], [0], [0], [1], [0, 0, 1, 1], [], []>, transpose_lhs_hint = false} : vector<10000x128xf32>, vector<128x32xf32>, vector<10000x32xf32> -> vector<10000x32xf32>
    %get3A_6 = arith.constant 0 : index
    %get3A_7 = arith.constant 0 : index
    %get3A_8 = vector.load %arg2[%get3A_6, %get3A_7] : memref<1x32xf32, #tpu.memory_space<vmem>>, vector<1x32xf32>
    %add3A = vector.broadcast %get3A_8 : vector<1x32xf32> to vector<10000x32xf32>
    %add3A_9 = arith.addf %dot_general3A_5, %add3A : vector<10000x32xf32>
    %tanh3A = math.tanh %add3A_9 : vector<10000x32xf32>
    %get3A_10 = arith.constant 0 : index
    %get3A_11 = arith.constant 0 : index
    %get3A_12 = vector.load %arg3[%get3A_10, %get3A_11] : memref<32x16xf32, #tpu.memory_space<vmem>>, vector<32x16xf32>
    %dot_general3A_13 = arith.constant dense<0.000000e+00> : vector<10000x16xf32>
    %dot_general3A_14 = tpu.matmul %tanh3A, %get3A_12, %dot_general3A_13 {dimension_numbers = #tpu.dot_dimension_numbers<[1], [0], [0], [1], [0, 0, 1, 1], [], []>, transpose_lhs_hint = false} : vector<10000x32xf32>, vector<32x16xf32>, vector<10000x16xf32> -> vector<10000x16xf32>
    %get3A_15 = arith.constant 0 : index
    %get3A_16 = arith.constant 0 : index
    %get3A_17 = vector.load %arg4[%get3A_15, %get3A_16] : memref<1x16xf32, #tpu.memory_space<vmem>>, vector<1x16xf32>
    %add3A_18 = vector.broadcast %get3A_17 : vector<1x16xf32> to vector<10000x16xf32>
    %add3A_19 = arith.addf %dot_general3A_14, %add3A_18 : vector<10000x16xf32>
    %tanh3A_20 = math.tanh %add3A_19 : vector<10000x16xf32>
    %swap3A = arith.constant 0 : index
    %swap3A_21 = arith.constant 0 : index
    %swap3A_22 = vector.load %arg5[%swap3A, %swap3A_21] : memref<10000x16xf32, #tpu.memory_space<vmem>>, vector<10000x16xf32>
    tpu.vector_store %arg5[%swap3A, %swap3A_21], %tanh3A_20 {strides = array<i32>} : memref<10000x16xf32, #tpu.memory_space<vmem>>, vector<10000x16xf32>,
    return
  }
}

module attributes {stable_mosaic.version = 14 : i64} {
  func.func @_pair_body(%arg0: i32, %arg1: memref<1600x128xf32, #tpu.memory_space<vmem>>, %arg2: memref<1600x128xf32, #tpu.memory_space<vmem>>, %arg3: memref<16x12800xf32, #tpu.memory_space<vmem>>, %arg4: memref<256x2048xf32, #tpu.memory_space<vmem>>, %arg5: memref<1x2048xf32, #tpu.memory_space<vmem>>, %arg6: memref<16x256xf32, #tpu.memory_space<vmem>>, %arg7: memref<2048x128xf32, #tpu.memory_space<vmem>>, %arg8: memref<128x128xf32, #tpu.memory_space<vmem>>, %arg9: memref<128x128xf32, #tpu.memory_space<vmem>>, %arg10: memref<128x128xf32, #tpu.memory_space<vmem>>, %arg11: memref<1600x128xf32, #tpu.memory_space<vmem>>, %arg12: memref<16x12800xf32, #tpu.memory_space<vmem>>) attributes {dimension_semantics = [#tpu.dimension_semantics<arbitrary>], iteration_bounds = array<i64: 25>, scalar_prefetch = 0 : i64, scratch_operands = 0 : i64, tpu.core_type = #tpu.core_type<tc>, window_params = [{transform_indices = @transform_0, window_bounds = array<i64: 1600, 128>}, {transform_indices = @transform_1, window_bounds = array<i64: 1600, 128>}, {transform_indices = @transform_2, window_bounds = array<i64: 16, 12800>}, {pipeline_mode = #tpu.pipeline_mode<synchronous>, transform_indices = @transform_3, window_bounds = array<i64: 256, 2048>}, {pipeline_mode = #tpu.pipeline_mode<synchronous>, transform_indices = @transform_4, window_bounds = array<i64: 1, 2048>}, {pipeline_mode = #tpu.pipeline_mode<synchronous>, transform_indices = @transform_5, window_bounds = array<i64: 16, 256>}, {pipeline_mode = #tpu.pipeline_mode<synchronous>, transform_indices = @transform_6, window_bounds = array<i64: 2048, 128>}, {pipeline_mode = #tpu.pipeline_mode<synchronous>, transform_indices = @transform_7, window_bounds = array<i64: 128, 128>}, {pipeline_mode = #tpu.pipeline_mode<synchronous>, transform_indices = @transform_8, window_bounds = array<i64: 128, 128>}, {pipeline_mode = #tpu.pipeline_mode<synchronous>, transform_indices = @transform_9, window_bounds = array<i64: 128, 128>}, {transform_indices = @transform_10, window_bounds = array<i64: 1600, 128>}, {transform_indices = @transform_11, window_bounds = array<i64: 16, 12800>}]} {
    %get3A = arith.constant 0 : index
    %get3A_0 = arith.constant 0 : index
    %get3A_1 = vector.load %arg1[%get3A, %get3A_0] : memref<1600x128xf32, #tpu.memory_space<vmem>>, vector<1600x128xf32>
    %get3A_2 = arith.constant 0 : index
    %get3A_3 = arith.constant 0 : index
    %get3A_4 = vector.load %arg2[%get3A_2, %get3A_3] : memref<1600x128xf32, #tpu.memory_space<vmem>>, vector<1600x128xf32>
    %concatenate3A = tpu.concatenate %get3A_1, %get3A_4 in 1 : vector<1600x128xf32>, vector<1600x128xf32> -> vector<1600x256xf32>
    %get3A_5 = arith.constant 0 : index
    %get3A_6 = arith.constant 0 : index
    %get3A_7 = vector.load %arg4[%get3A_5, %get3A_6] : memref<256x2048xf32, #tpu.memory_space<vmem>>, vector<256x2048xf32>
    %dot_general3A = arith.constant dense<0.000000e+00> : vector<1600x2048xf32>
    %dot_general3A_8 = tpu.matmul %concatenate3A, %get3A_7, %dot_general3A {dimension_numbers = #tpu.dot_dimension_numbers<[1], [0], [0], [1], [0, 0, 1, 1], [], []>, transpose_lhs_hint = false} : vector<1600x256xf32>, vector<256x2048xf32>, vector<1600x2048xf32> -> vector<1600x2048xf32>
    %get3A_9 = arith.constant 0 : index
    %get3A_10 = arith.constant 0 : index
    %get3A_11 = vector.load %arg5[%get3A_9, %get3A_10] : memref<1x2048xf32, #tpu.memory_space<vmem>>, vector<1x2048xf32>
    %add3A = vector.broadcast %get3A_11 : vector<1x2048xf32> to vector<1600x2048xf32>
    %add3A_12 = arith.addf %dot_general3A_8, %add3A : vector<1600x2048xf32>
    %tanh3A = math.tanh %add3A_12 : vector<1600x2048xf32>
    %get3A_13 = arith.constant 0 : index
    %get3A_14 = arith.constant 0 : index
    %get3A_15 = vector.load %arg3[%get3A_13, %get3A_14] : memref<16x12800xf32, #tpu.memory_space<vmem>>, vector<16x12800xf32>
    %transpose3A = tpu.transpose %get3A_15, [1, 0] : vector<16x12800xf32> -> vector<12800x16xf32>
    %slice3A = vector.extract_strided_slice %transpose3A {offsets = [0, 0], sizes = [1600, 16], strides = [1, 1]} : vector<12800x16xf32> to vector<1600x16xf32>
    %get3A_16 = arith.constant 0 : index
    %get3A_17 = arith.constant 0 : index
    %get3A_18 = vector.load %arg6[%get3A_16, %get3A_17] : memref<16x256xf32, #tpu.memory_space<vmem>>, vector<16x256xf32>
    %dot_general3A_19 = arith.constant dense<0.000000e+00> : vector<1600x256xf32>
    %dot_general3A_20 = tpu.matmul %slice3A, %get3A_18, %dot_general3A_19 {dimension_numbers = #tpu.dot_dimension_numbers<[1], [0], [0], [1], [0, 0, 1, 1], [], []>, transpose_lhs_hint = false} : vector<1600x16xf32>, vector<16x256xf32>, vector<1600x256xf32> -> vector<1600x256xf32>
    %slice3A_21 = vector.extract_strided_slice %transpose3A {offsets = [1600, 0], sizes = [1600, 16], strides = [1, 1]} : vector<12800x16xf32> to vector<1600x16xf32>
    %get3A_22 = arith.constant 0 : index
    %get3A_23 = arith.constant 0 : index
    %get3A_24 = vector.load %arg6[%get3A_22, %get3A_23] : memref<16x256xf32, #tpu.memory_space<vmem>>, vector<16x256xf32>
    %dot_general3A_25 = arith.constant dense<0.000000e+00> : vector<1600x256xf32>
    %dot_general3A_26 = tpu.matmul %slice3A_21, %get3A_24, %dot_general3A_25 {dimension_numbers = #tpu.dot_dimension_numbers<[1], [0], [0], [1], [0, 0, 1, 1], [], []>, transpose_lhs_hint = false} : vector<1600x16xf32>, vector<16x256xf32>, vector<1600x256xf32> -> vector<1600x256xf32>
    %slice3A_27 = vector.extract_strided_slice %transpose3A {offsets = [3200, 0], sizes = [1600, 16], strides = [1, 1]} : vector<12800x16xf32> to vector<1600x16xf32>
    %get3A_28 = arith.constant 0 : index
    %get3A_29 = arith.constant 0 : index
    %get3A_30 = vector.load %arg6[%get3A_28, %get3A_29] : memref<16x256xf32, #tpu.memory_space<vmem>>, vector<16x256xf32>
    %dot_general3A_31 = arith.constant dense<0.000000e+00> : vector<1600x256xf32>
    %dot_general3A_32 = tpu.matmul %slice3A_27, %get3A_30, %dot_general3A_31 {dimension_numbers = #tpu.dot_dimension_numbers<[1], [0], [0], [1], [0, 0, 1, 1], [], []>, transpose_lhs_hint = false} : vector<1600x16xf32>, vector<16x256xf32>, vector<1600x256xf32> -> vector<1600x256xf32>
    %slice3A_33 = vector.extract_strided_slice %transpose3A {offsets = [4800, 0], sizes = [1600, 16], strides = [1, 1]} : vector<12800x16xf32> to vector<1600x16xf32>
    %get3A_34 = arith.constant 0 : index
    %get3A_35 = arith.constant 0 : index
    %get3A_36 = vector.load %arg6[%get3A_34, %get3A_35] : memref<16x256xf32, #tpu.memory_space<vmem>>, vector<16x256xf32>
    %dot_general3A_37 = arith.constant dense<0.000000e+00> : vector<1600x256xf32>
    %dot_general3A_38 = tpu.matmul %slice3A_33, %get3A_36, %dot_general3A_37 {dimension_numbers = #tpu.dot_dimension_numbers<[1], [0], [0], [1], [0, 0, 1, 1], [], []>, transpose_lhs_hint = false} : vector<1600x16xf32>, vector<16x256xf32>, vector<1600x256xf32> -> vector<1600x256xf32>
    %slice3A_39 = vector.extract_strided_slice %transpose3A {offsets = [6400, 0], sizes = [1600, 16], strides = [1, 1]} : vector<12800x16xf32> to vector<1600x16xf32>
    %get3A_40 = arith.constant 0 : index
    %get3A_41 = arith.constant 0 : index
    %get3A_42 = vector.load %arg6[%get3A_40, %get3A_41] : memref<16x256xf32, #tpu.memory_space<vmem>>, vector<16x256xf32>
    %dot_general3A_43 = arith.constant dense<0.000000e+00> : vector<1600x256xf32>
    %dot_general3A_44 = tpu.matmul %slice3A_39, %get3A_42, %dot_general3A_43 {dimension_numbers = #tpu.dot_dimension_numbers<[1], [0], [0], [1], [0, 0, 1, 1], [], []>, transpose_lhs_hint = false} : vector<1600x16xf32>, vector<16x256xf32>, vector<1600x256xf32> -> vector<1600x256xf32>
    %slice3A_45 = vector.extract_strided_slice %transpose3A {offsets = [8000, 0], sizes = [1600, 16], strides = [1, 1]} : vector<12800x16xf32> to vector<1600x16xf32>
    %get3A_46 = arith.constant 0 : index
    %get3A_47 = arith.constant 0 : index
    %get3A_48 = vector.load %arg6[%get3A_46, %get3A_47] : memref<16x256xf32, #tpu.memory_space<vmem>>, vector<16x256xf32>
    %dot_general3A_49 = arith.constant dense<0.000000e+00> : vector<1600x256xf32>
    %dot_general3A_50 = tpu.matmul %slice3A_45, %get3A_48, %dot_general3A_49 {dimension_numbers = #tpu.dot_dimension_numbers<[1], [0], [0], [1], [0, 0, 1, 1], [], []>, transpose_lhs_hint = false} : vector<1600x16xf32>, vector<16x256xf32>, vector<1600x256xf32> -> vector<1600x256xf32>
    %slice3A_51 = vector.extract_strided_slice %transpose3A {offsets = [9600, 0], sizes = [1600, 16], strides = [1, 1]} : vector<12800x16xf32> to vector<1600x16xf32>
    %get3A_52 = arith.constant 0 : index
    %get3A_53 = arith.constant 0 : index
    %get3A_54 = vector.load %arg6[%get3A_52, %get3A_53] : memref<16x256xf32, #tpu.memory_space<vmem>>, vector<16x256xf32>
    %dot_general3A_55 = arith.constant dense<0.000000e+00> : vector<1600x256xf32>
    %dot_general3A_56 = tpu.matmul %slice3A_51, %get3A_54, %dot_general3A_55 {dimension_numbers = #tpu.dot_dimension_numbers<[1], [0], [0], [1], [0, 0, 1, 1], [], []>, transpose_lhs_hint = false} : vector<1600x16xf32>, vector<16x256xf32>, vector<1600x256xf32> -> vector<1600x256xf32>
    %slice3A_57 = vector.extract_strided_slice %transpose3A {offsets = [11200, 0], sizes = [1600, 16], strides = [1, 1]} : vector<12800x16xf32> to vector<1600x16xf32>
    %get3A_58 = arith.constant 0 : index
    %get3A_59 = arith.constant 0 : index
    %get3A_60 = vector.load %arg6[%get3A_58, %get3A_59] : memref<16x256xf32, #tpu.memory_space<vmem>>, vector<16x256xf32>
    %dot_general3A_61 = arith.constant dense<0.000000e+00> : vector<1600x256xf32>
    %dot_general3A_62 = tpu.matmul %slice3A_57, %get3A_60, %dot_general3A_61 {dimension_numbers = #tpu.dot_dimension_numbers<[1], [0], [0], [1], [0, 0, 1, 1], [], []>, transpose_lhs_hint = false} : vector<1600x16xf32>, vector<16x256xf32>, vector<1600x256xf32> -> vector<1600x256xf32>
    %concatenate3A_63 = tpu.concatenate %dot_general3A_20, %dot_general3A_26, %dot_general3A_32, %dot_general3A_38, %dot_general3A_44, %dot_general3A_50, %dot_general3A_56, %dot_general3A_62 in 1 : vector<1600x256xf32>, vector<1600x256xf32>, vector<1600x256xf32>, vector<1600x256xf32>, vector<1600x256xf32>, vector<1600x256xf32>, vector<1600x256xf32>, vector<1600x256xf32> -> vector<1600x2048xf32>
    %mul3A = arith.mulf %tanh3A, %concatenate3A_63 : vector<1600x2048xf32>
    %get3A_64 = arith.constant 0 : index
    %get3A_65 = arith.constant 0 : index
    %get3A_66 = vector.load %arg7[%get3A_64, %get3A_65] : memref<2048x128xf32, #tpu.memory_space<vmem>>, vector<2048x128xf32>
    %dot_general3A_67 = arith.constant dense<0.000000e+00> : vector<1600x128xf32>
    %dot_general3A_68 = tpu.matmul %mul3A, %get3A_66, %dot_general3A_67 {dimension_numbers = #tpu.dot_dimension_numbers<[1], [0], [0], [1], [0, 0, 1, 1], [], []>, transpose_lhs_hint = false} : vector<1600x2048xf32>, vector<2048x128xf32>, vector<1600x128xf32> -> vector<1600x128xf32>
    %get3A_69 = arith.constant 0 : index
    %get3A_70 = arith.constant 0 : index
    %get3A_71 = vector.load %arg8[%get3A_69, %get3A_70] : memref<128x128xf32, #tpu.memory_space<vmem>>, vector<128x128xf32>
    %dot_general3A_72 = arith.constant dense<0.000000e+00> : vector<1600x128xf32>
    %dot_general3A_73 = tpu.matmul %dot_general3A_68, %get3A_71, %dot_general3A_72 {dimension_numbers = #tpu.dot_dimension_numbers<[1], [0], [0], [1], [0, 0, 1, 1], [], []>, transpose_lhs_hint = false} : vector<1600x128xf32>, vector<128x128xf32>, vector<1600x128xf32> -> vector<1600x128xf32>
    %tanh3A_74 = math.tanh %dot_general3A_73 : vector<1600x128xf32>
    %get3A_75 = arith.constant 0 : index
    %get3A_76 = arith.constant 0 : index
    %get3A_77 = vector.load %arg9[%get3A_75, %get3A_76] : memref<128x128xf32, #tpu.memory_space<vmem>>, vector<128x128xf32>
    %dot_general3A_78 = arith.constant dense<0.000000e+00> : vector<1600x128xf32>
    %dot_general3A_79 = tpu.matmul %tanh3A_74, %get3A_77, %dot_general3A_78 {dimension_numbers = #tpu.dot_dimension_numbers<[1], [0], [0], [1], [0, 0, 1, 1], [], []>, transpose_lhs_hint = false} : vector<1600x128xf32>, vector<128x128xf32>, vector<1600x128xf32> -> vector<1600x128xf32>
    %tanh3A_80 = math.tanh %dot_general3A_79 : vector<1600x128xf32>
    %swap3A = arith.constant 0 : index
    %swap3A_81 = arith.constant 0 : index
    %swap3A_82 = vector.load %arg11[%swap3A, %swap3A_81] : memref<1600x128xf32, #tpu.memory_space<vmem>>, vector<1600x128xf32>
    tpu.vector_store %arg11[%swap3A, %swap3A_81], %tanh3A_80 {strides = array<i32>} : memref<1600x128xf32, #tpu.memory_space<vmem>>, vector<1600x128xf32>,
    %get3A_83 = arith.constant 0 : index
    %get3A_84 = arith.constant 0 : index
    %get3A_85 = vector.load %arg10[%get3A_83, %get3A_84] : memref<128x128xf32, #tpu.memory_space<vmem>>, vector<128x128xf32>
    %transpose3A_86 = tpu.transpose %tanh3A_74, [1, 0] : vector<1600x128xf32> -> vector<128x1600xf32>
    %dot_general3A_87 = arith.constant dense<0.000000e+00> : vector<128x1600xf32>
    %dot_general3A_88 = tpu.matmul %get3A_85, %transpose3A_86, %dot_general3A_87 {dimension_numbers = #tpu.dot_dimension_numbers<[1], [0], [0], [1], [0, 0, 1, 1], [], []>, transpose_lhs_hint = false} : vector<128x128xf32>, vector<128x1600xf32>, vector<128x1600xf32> -> vector<128x1600xf32>
    %tanh3A_89 = math.tanh %dot_general3A_88 : vector<128x1600xf32>
    %slice3A_90 = vector.extract_strided_slice %tanh3A_89 {offsets = [0, 0], sizes = [16, 1600], strides = [1, 1]} : vector<128x1600xf32> to vector<16x1600xf32>
    %slice3A_91 = vector.extract_strided_slice %tanh3A_89 {offsets = [16, 0], sizes = [16, 1600], strides = [1, 1]} : vector<128x1600xf32> to vector<16x1600xf32>
    %slice3A_92 = vector.extract_strided_slice %tanh3A_89 {offsets = [32, 0], sizes = [16, 1600], strides = [1, 1]} : vector<128x1600xf32> to vector<16x1600xf32>
    %slice3A_93 = vector.extract_strided_slice %tanh3A_89 {offsets = [48, 0], sizes = [16, 1600], strides = [1, 1]} : vector<128x1600xf32> to vector<16x1600xf32>
    %slice3A_94 = vector.extract_strided_slice %tanh3A_89 {offsets = [64, 0], sizes = [16, 1600], strides = [1, 1]} : vector<128x1600xf32> to vector<16x1600xf32>
    %slice3A_95 = vector.extract_strided_slice %tanh3A_89 {offsets = [80, 0], sizes = [16, 1600], strides = [1, 1]} : vector<128x1600xf32> to vector<16x1600xf32>
    %slice3A_96 = vector.extract_strided_slice %tanh3A_89 {offsets = [96, 0], sizes = [16, 1600], strides = [1, 1]} : vector<128x1600xf32> to vector<16x1600xf32>
    %slice3A_97 = vector.extract_strided_slice %tanh3A_89 {offsets = [112, 0], sizes = [16, 1600], strides = [1, 1]} : vector<128x1600xf32> to vector<16x1600xf32>
    %concatenate3A_98 = tpu.concatenate %slice3A_90, %slice3A_91, %slice3A_92, %slice3A_93, %slice3A_94, %slice3A_95, %slice3A_96, %slice3A_97 in 1 : vector<16x1600xf32>, vector<16x1600xf32>, vector<16x1600xf32>, vector<16x1600xf32>, vector<16x1600xf32>, vector<16x1600xf32>, vector<16x1600xf32>, vector<16x1600xf32> -> vector<16x12800xf32>
    %swap3A_99 = arith.constant 0 : index
    %swap3A_100 = arith.constant 0 : index
    %swap3A_101 = vector.load %arg12[%swap3A_99, %swap3A_100] : memref<16x12800xf32, #tpu.memory_space<vmem>>, vector<16x12800xf32>
    tpu.vector_store %arg12[%swap3A_99, %swap3A_100], %concatenate3A_98 {strides = array<i32>} : memref<16x12800xf32, #tpu.memory_space<vmem>>, vector<16x12800xf32>,
    return
  }
  func.func @transform_0(%arg0: i32) -> (i32, i32) {
    %c0_i32 = arith.constant 0 : i32
    %c0_i32_0 = arith.constant 0 : i32
    return %arg0, %c0_i32 : i32, i32
  }
  func.func @transform_1(%arg0: i32) -> (i32, i32) {
    %c0_i32 = arith.constant 0 : i32
    %c0_i32_0 = arith.constant 0 : i32
    return %arg0, %c0_i32 : i32, i32
  }
  func.func @transform_2(%arg0: i32) -> (i32, i32) {
    %c0_i32 = arith.constant 0 : i32
    %c0_i32_0 = arith.constant 0 : i32
    return %c0_i32, %arg0 : i32, i32
  }
  func.func @transform_3(%arg0: i32) -> (i32, i32) {
    %c0_i32 = arith.constant 0 : i32
    %c0_i32_0 = arith.constant 0 : i32
    %c0_i32_1 = arith.constant 0 : i32
    return %c0_i32, %c0_i32_0 : i32, i32
  }
  func.func @transform_4(%arg0: i32) -> (i32, i32) {
    %c0_i32 = arith.constant 0 : i32
    %c0_i32_0 = arith.constant 0 : i32
    %c0_i32_1 = arith.constant 0 : i32
    return %c0_i32, %c0_i32_0 : i32, i32
  }
  func.func @transform_5(%arg0: i32) -> (i32, i32) {
    %c0_i32 = arith.constant 0 : i32
    %c0_i32_0 = arith.constant 0 : i32
    %c0_i32_1 = arith.constant 0 : i32
    return %c0_i32, %c0_i32_0 : i32, i32
  }
  func.func @transform_6(%arg0: i32) -> (i32, i32) {
    %c0_i32 = arith.constant 0 : i32
    %c0_i32_0 = arith.constant 0 : i32
    %c0_i32_1 = arith.constant 0 : i32
    return %c0_i32, %c0_i32_0 : i32, i32
  }
  func.func @transform_7(%arg0: i32) -> (i32, i32) {
    %c0_i32 = arith.constant 0 : i32
    %c0_i32_0 = arith.constant 0 : i32
    %c0_i32_1 = arith.constant 0 : i32
    return %c0_i32, %c0_i32_0 : i32, i32
  }
  func.func @transform_8(%arg0: i32) -> (i32, i32) {
    %c0_i32 = arith.constant 0 : i32
    %c0_i32_0 = arith.constant 0 : i32
    %c0_i32_1 = arith.constant 0 : i32
    return %c0_i32, %c0_i32_0 : i32, i32
  }
  func.func @transform_9(%arg0: i32) -> (i32, i32) {
    %c0_i32 = arith.constant 0 : i32
    %c0_i32_0 = arith.constant 0 : i32
    %c0_i32_1 = arith.constant 0 : i32
    return %c0_i32, %c0_i32_0 : i32, i32
  }
  func.func @transform_10(%arg0: i32) -> (i32, i32) {
    %c0_i32 = arith.constant 0 : i32
    %c0_i32_0 = arith.constant 0 : i32
    return %arg0, %c0_i32 : i32, i32
  }
  func.func @transform_11(%arg0: i32) -> (i32, i32) {
    %c0_i32 = arith.constant 0 : i32
    %c0_i32_0 = arith.constant 0 : i32
    return %c0_i32, %arg0 : i32, i32
  }
}

module attributes {stable_mosaic.version = 14 : i64} {
  func.func @_pp_post_body(%arg0: memref<10000x16xf32, #tpu.memory_space<vmem>>, %arg1: memref<10000x16xf32, #tpu.memory_space<vmem>>, %arg2: memref<16x32xf32, #tpu.memory_space<vmem>>, %arg3: memref<32x16xf32, #tpu.memory_space<vmem>>, %arg4: memref<10000x16xf32, #tpu.memory_space<vmem>>) attributes {dimension_semantics = [], scalar_prefetch = 0 : i64, scratch_operands = 0 : i64, tpu.core_type = #tpu.core_type<tc>} {
    %get3A = arith.constant 0 : index
    %get3A_0 = arith.constant 0 : index
    %get3A_1 = vector.load %arg0[%get3A, %get3A_0] : memref<10000x16xf32, #tpu.memory_space<vmem>>, vector<10000x16xf32>
    %get3A_2 = arith.constant 0 : index
    %get3A_3 = arith.constant 0 : index
    %get3A_4 = vector.load %arg1[%get3A_2, %get3A_3] : memref<10000x16xf32, #tpu.memory_space<vmem>>, vector<10000x16xf32>
    %add3A = arith.addf %get3A_1, %get3A_4 : vector<10000x16xf32>
    %get3A_5 = arith.constant 0 : index
    %get3A_6 = arith.constant 0 : index
    %get3A_7 = vector.load %arg2[%get3A_5, %get3A_6] : memref<16x32xf32, #tpu.memory_space<vmem>>, vector<16x32xf32>
    %dot_general3A = arith.constant dense<0.000000e+00> : vector<10000x32xf32>
    %dot_general3A_8 = tpu.matmul %add3A, %get3A_7, %dot_general3A {dimension_numbers = #tpu.dot_dimension_numbers<[1], [0], [0], [1], [0, 0, 1, 1], [], []>, transpose_lhs_hint = false} : vector<10000x16xf32>, vector<16x32xf32>, vector<10000x32xf32> -> vector<10000x32xf32>
    %tanh3A = math.tanh %dot_general3A_8 : vector<10000x32xf32>
    %get3A_9 = arith.constant 0 : index
    %get3A_10 = arith.constant 0 : index
    %get3A_11 = vector.load %arg3[%get3A_9, %get3A_10] : memref<32x16xf32, #tpu.memory_space<vmem>>, vector<32x16xf32>
    %dot_general3A_12 = arith.constant dense<0.000000e+00> : vector<10000x16xf32>
    %dot_general3A_13 = tpu.matmul %tanh3A, %get3A_11, %dot_general3A_12 {dimension_numbers = #tpu.dot_dimension_numbers<[1], [0], [0], [1], [0, 0, 1, 1], [], []>, transpose_lhs_hint = false} : vector<10000x32xf32>, vector<32x16xf32>, vector<10000x16xf32> -> vector<10000x16xf32>
    %tanh3A_14 = math.tanh %dot_general3A_13 : vector<10000x16xf32>
    %swap3A = arith.constant 0 : index
    %swap3A_15 = arith.constant 0 : index
    %swap3A_16 = vector.load %arg4[%swap3A, %swap3A_15] : memref<10000x16xf32, #tpu.memory_space<vmem>>, vector<10000x16xf32>
    tpu.vector_store %arg4[%swap3A, %swap3A_15], %tanh3A_14 {strides = array<i32>} : memref<10000x16xf32, #tpu.memory_space<vmem>>, vector<10000x16xf32>,
    return
  }
}

</mosaic_0001>

<sc_bundles>
// kernel: kernel.10.cloned.1.call-start
scs
__scs_entry_jumppad:
0x0: {  	(pc) =	sbr.rel $0x88, $3  }
0x1: {  	(tag) =	ssettag $0x0;
	lr =	simm.s32 $0x1  }
0x2: {  	[smem:$0x3F94] =	sst lr;
	_ =	strace $0xD0000000  }
0x3: {  	_ = 	snop  }
0x4: {  	_ = 	snop  }
0x5: {  	_ = 	snop  }
0x6: {  	_ = 	snop  }
0x7: {  	_ = 	snop  }
__scs_overlays_trampoline_lowered:
0x8: {  	[smem:$0x3FA3] =	sst s0  }
0x9: {  	[smem:$0x3FA4] =	sst s1  }
0xa: {  	[smem:$0x3FA5] =	sst s2  }
0xb: {  	[smem:$0x3FA6] =	sst s3  }
0xc: {  	[smem:$0x3FA7] =	sst s4  }
0xd: {  	[smem:$0x3FA8] =	sst s5  }
0xe: {  	[smem:$0x3FA9] =	sst s6  }
0xf: {  	[smem:$0x3FAA] =	sst s7  }
0x10: {  	[smem:$0x3FAB] =	sst s8  }
0x11: {  	[smem:$0x3FAC] =	sst s9;
	s0 =	simm.s32 @!p0 $0x0  }
0x12: {  	s1 =	sld [smem:$0x3F92];
	s0 =	simm.s32 @p0 $0x1  }
0x13: {  	[smem:$0x3FAD] =	sst s0;
	s0 =	simm.s32 @!p1 $0x0  }
0x14: {  	s2 =	sld [smem:$0x3F91];
	s0 =	simm.s32 @p1 $0x1  }
0x15: {  	[smem:$0x3FAE] =	sst s0;
	s0 =	simm.s32 @!p2 $0x0  }
0x16: {  	s3 =	sld [smem:$0x3FDB];
	s0 =	simm.s32 @p2 $0x1  }
0x17: {  	s4 =	simm.s32 $0x1BF5;
	[smem:$0x3FB0] =	sst s0  }
0x18: {  	s0 =	sld [smem:$0x3F93];
	_ =	swait.ge [sflag:s4], $0x0  }
0x19: {  	s7 =	sld [smem:$0x3F94]  }
0x1a: {  	s8 =	sadd.s32 $0xFFFFE003, lr  }
0x1b: {  	s9 =	sadd.s32 $0xFFFFFEF7, lr;
	s5 =	simm.s32 $0xFFFFFFFF;
	p2 =	slt.u32 s8, $0xFFFFF086  }
0x1c: {  	p1 =	slt.u32 s9, $0xF7A;
	s5 =	simm.s32 @!p2 $0x0  }
0x1d: {  	s5 =	simm.s32 @p1 $0x1;
	p0 =	seq.s32 s7, s2  }
0x1e: {  	s7 =	smul.u32 @!p0 $0xF7A, s2;
	p2 =	seq.s32 @!p0 s5, $0x0  }
0x1f: {  	s9 =	smul.u32 $0xF7A, s1;
	s8 =	simm.s32 @!p0 $0x1BF5;
	p2 =	por !p2, p0  }
0x20: {  	[sflag:s8] =	ssyncset.s32 @!p0 $0xFFFFF086;
	s6 =	sadd.s32 @!p0 s3, s7;
	s7 =	simm.s32 @!p0 $0x108  }
0x21: {  	s3 =	sadd.s32 s3, s9;
	s6 =	sadd.s32 @!p0 $0x88, s6;
	s7 =	simm.s32 @p2 $0x1082  }
0x22: {  	[simem:s7], [sflag:s8] =	dma.local @!p0 [hbm:s6], $0xF7A  }
0x23: {  	s9 =	sor.u32 $0xD0000000, s2;
	s6 =	simm.s32 $0x108;
	_ =	swait.ge @!p0 [sflag:s8], $0x0  }
0x24: {  	s3 =	sadd.s32 $0x88, s3;
	s6 =	simm.s32 @!p1 $0x1082;
	[sflag:s4] =	ssyncset.s32 $0xFFFFF086  }
0x25: {  	[simem:s6], [sflag:s4] =	dma.local [hbm:s3], $0xF7A  }
0x26: {  	[smem:$0x3F94] =	sst s1;
	(tag) =	ssettag s2;
	_ =	strace s9  }
0x27: {  	s1 =	sld [smem:$0x3FA4]  }
0x28: {  	s2 =	sld [smem:$0x3FA5]  }
0x29: {  	s4 =	sld [smem:$0x3FA7]  }
0x2a: {  	p0 =	seq.s32 s5, $0x0;
	s5 =	sld [smem:$0x3FA8]  }
0x2b: {  	s6 =	sld [smem:$0x3FA9]  }
0x2c: {  	s7 =	sld [smem:$0x3FAA]  }
0x2d: {  	s3 =	simm.s32 $0x108;
	s8 =	sld [smem:$0x3FAB]  }
0x2e: {  	s3 =	simm.s32 @!p0 $0x1082;
	s9 =	sld [smem:$0x3FAC]  }
0x2f: {  	lr =	sadd.s32 s0, s3;
	s0 =	sld [smem:$0x3FA3]  }
0x30: {  	s3 =	sld [smem:$0x3FA6]  }
0x31: {  	[smem:$0x3FAF] =	sst s10  }
0x32: {  	s10 =	sld [smem:$0x3FAD];
	_ =	sdelay $0x3  }
0x33: {  	p0 =	seq.s32 s10, $0x1;
	s10 =	sld [smem:$0x3FAF];
	_ =	sdelay $0x3  }
0x34: {  	[smem:$0x3FAF] =	sst s10  }
0x35: {  	s10 =	sld [smem:$0x3FAE];
	_ =	sdelay $0x3  }
0x36: {  	p1 =	seq.s32 s10, $0x1;
	s10 =	sld [smem:$0x3FAF];
	_ =	sdelay $0x3  }
0x37: {  	[smem:$0x3FAF] =	sst s10  }
0x38: {  	s10 =	sld [smem:$0x3FB0]  }
0x39: {  	_ = 	snop;
	(pc) =	sbr.ind lr, $3  }
0x3a: {  	_ = 	snop  }
0x3b: {  	_ = 	snop  }
0x3c: {  	p2 =	seq.s32 s10, $0x1;
	s10 =	sld [smem:$0x3FAF]  }
0x3d: {  	_ =	shalt  }
0x3e: {  	_ =	shalt  }
0x3f: {  	_ =	shalt  }
0x40: {  	_ =	shalt  }
0x41: {  	_ =	shalt  }
0x42: {  	_ =	shalt  }
0x43: {  	_ =	shalt  }
0x44: {  	_ =	shalt  }
0x45: {  	_ =	shalt  }
0x46: {  	_ =	shalt  }
0x47: {  	_ =	shalt  }
0x48: {  	_ =	shalt  }
0x49: {  	_ =	shalt  }
0x4a: {  	_ =	shalt  }
0x4b: {  	_ =	shalt  }
0x4c: {  	_ =	shalt  }
0x4d: {  	_ =	shalt  }
0x4e: {  	_ =	shalt  }
0x4f: {  	_ =	shalt  }
0x50: {  	_ =	shalt  }
0x51: {  	_ =	shalt  }
0x52: {  	_ =	shalt  }
0x53: {  	_ =	shalt  }
0x54: {  	_ =	shalt  }
0x55: {  	_ =	shalt  }
0x56: {  	_ =	shalt  }
0x57: {  	_ =	shalt  }
0x58: {  	_ =	shalt  }
0x59: {  	_ =	shalt  }
0x5a: {  	_ =	shalt  }
0x5b: {  	_ =	shalt  }
0x5c: {  	_ =	shalt  }
0x5d: {  	_ =	shalt  }
0x5e: {  	_ =	shalt  }
0x5f: {  	_ =	shalt  }
0x60: {  	_ =	shalt  }
0x61: {  	_ =	shalt  }
0x62: {  	_ =	shalt  }
0x63: {  	_ =	shalt  }
0x64: {  	_ =	shalt  }
0x65: {  	_ =	shalt  }
0x66: {  	_ =	shalt  }
0x67: {  	_ =	shalt  }
0x68: {  	_ =	shalt  }
0x69: {  	_ =	shalt  }
0x6a: {  	_ =	shalt  }
0x6b: {  	_ =	shalt  }
0x6c: {  	_ =	shalt  }
0x6d: {  	_ =	shalt  }
0x6e: {  	_ =	shalt  }
0x6f: {  	_ =	shalt  }
0x70: {  	_ =	shalt  }
0x71: {  	_ =	shalt  }
0x72: {  	_ =	shalt  }
0x73: {  	_ =	shalt  }
0x74: {  	_ =	shalt  }
0x75: {  	_ =	shalt  }
0x76: {  	_ =	shalt  }
0x77: {  	_ =	shalt  }
0x78: {  	_ =	shalt  }
0x79: {  	_ =	shalt  }
0x7a: {  	_ =	shalt  }
0x7b: {  	_ =	shalt  }
0x7c: {  	_ =	shalt  }
0x7d: {  	_ =	shalt  }
0x7e: {  	_ =	shalt  }
0x7f: {  	_ =	shalt  }
0x80: {  	_ =	shalt  }
0x81: {  	_ =	shalt  }
0x82: {  	_ =	shalt  }
0x83: {  	_ =	shalt  }
0x84: {  	_ =	shalt  }
0x85: {  	_ =	shalt  }
0x86: {  	_ =	shalt  }
0x87: {  	_ =	shalt  }
.Lfunc_end0:
.L_simem_size_0:
called_computation.1_lowered:
.L_overlay_start_0:
0x88: {  	s2 =	sld [smem:$0x3FD9]  }
0x89: {  	s3 =	sld [smem:$0x3FFE];
	_ =	sdelay $0x1  }
0x8a: {  	s1 =	srdreg.scid  }
0x8b: {  	s0 =	sand.u32 $0x1, s1  }
0x8c: {  	s16 =	sshll.u32 s0, $0xA;
	s2 =	sadd.s32 s3, s2  }
0x8d: {  	s2 =	sadd.s32 s2, s16  }
0x8e: {  	[smem:$0x3FBB] =	sst s2  }
0x8f: {  	_ = 	snop  }
0x90: {  	(tm) =	ssettm $0x1  }
0x91: {  	s17 =	sld [smem:$0x3FFB];
	_ =	sdelay $0x3  }
0x92: {  	_ =	strace s17  }
0x93: {  	s2 =	sld [smem:$0x3FFC];
	_ =	sdelay $0x3  }
0x94: {  	_ =	strace s2  }
0x95: {  	s2 =	sld [smem:$0x3FFD];
	_ =	sdelay $0x3  }
0x96: {  	_ =	strace s2  }
0x97: {  	_ =	strace $0x8FFFFFFF  }
0x98: {  	s18 =	sld [smem:$0x3FDB];
	_ =	sdelay $0x1  }
0x99: {  	s19 =	simm.s32 $_scs_section_size  }
0x9a: {  	s4 =	simm.s32 $_size__tile_overlayer_lowered;
	s5 =	simm.s32 $_tile_overlayer_lowered  }
0x9b: {  	s22 =	simm.s32 $0x1BFF;
	s21 =	sshll.u32 s5, $0x1;
	s2 =	sadd.s32 s19, s18  }
0x9c: {  	s6 =	simm.s32 $0x0;
	s20 =	sshll.u32 s4, $0x1;
	s4 =	sadd.s32 s21, s2  }
0x9d: {  	[timem:s6], [sflag:s22] =	dma.local [hbm:s4], s20  }
0x9e: {  	_ =	swait.ge [sflag:s22], s20  }
0x9f: {  	s3 =	ssub.s32 $0x0, s20;
	[sflag:s22] =	ssyncset.done $0x0  }
0xa0: {  	[sflag:s22] =	ssyncadd.s32 s3;
	_ =	sdelay $0x1  }
0xa1: {  	s23 =	simm.s32 $0x1B8B  }
0xa2: {  	_ =	swait.ge [sflag:s23], $0x1  }
0xa3: {  	[sflag:s23] =	ssyncset.done $0x0  }
0xa4: {  	s25 =	simm.s32 $0x1B8E;
	s24 =	sld [smem:$0x3FFE];
	[sflag:s23] =	ssyncadd.s32 $0xFFFFFFFF  }
0xa5: {  	s26 =	simm.s32 $execute0_lowered;
	[smem:$0x3FD2] =	sst s25  }
0xa6: {  	s4 =	sshll.u32 s26, $0x1;
	_ =	strace $0x80000049;
	[dreg:$0x1] =	wrdreg $0xFFFFFFFF  }
0xa7: {  	s28 =	simm.s32 $_size_execute0_lowered;
	s2 =	sadd.s32 s2, s4;
	[dreg:$0x0] =	wrdreg $0x0  }
0xa8: {  	s4 =	sshll.u32 s28, $0x1;
	[dreg:$0x2] =	wrdreg s2  }
0xa9: {  	[dreg:$0x3] =	wrdreg s4  }
0xaa: {  	[dreg:$0x4] =	wrdreg $0xC0  }
0xab: {  	_ =	task [dreg:s6], $0x5FFFF  }
0xac: {  	[dreg:$0x1] =	wrdreg $0xFFFFFFFF  }
0xad: {  	[dreg:$0x0] =	wrdreg $0x60  }
0xae: {  	[dreg:$0x2] =	wrdreg s24  }
0xaf: {  	[dreg:$0x3] =	wrdreg $0x84D00  }
0xb0: {  	[dreg:$0x4] =	wrdreg $0x9  }
0xb1: {  	_ =	task.clear_ibuf [dreg:s6], $0x5FFFF;
	_ =	strace $0x90000049  }
0xb2: {  	s29 =	simm.s32 $0x9;
	_ =	strace $0x8000004B  }
0xb3: {  	_ =	swait.ge [sflag:s29], $0x1  }
0xb4: {  	[sflag:s29] =	ssyncadd.s32 $0xFFFFFFFF  }
0xb5: {  	_ =	strace $0x9000004B  }
0xb6: {  	_ =	sfence  }
0xb7: {  	s30 =	sld [smem:$0x0];
	_ =	sdelay $0x2  }
0xb8: {  	s31 =	sshll.u32 s1, $0xD;
	s1 =	sshrl.u32 s1, $0x2  }
0xb9: {  	s3 =	sand.u32 $0x4000, s31;
	s1 =	sadd.s32 s1, s30  }
0xba: {  	s0 =	sor.u32 s3, s0;
	s1 =	sshll.u32 s1, $0x11  }
0xbb: {  	s0 =	sor.u32 s1, s0  }
0xbc: {  	s0 =	sadd.s32 $0x8F2B, s0  }
0xbd: {  	[sflag:s0] =	ssyncadd.remote.s32 $0x1  }
0xbe: {  	_ =	sfence.sel $0xFFFF  }
0xbf: {  	[dreg:$0x0] =	wrdreg $0xFFFFFFFF;
	(pc) =	sbr.abs _section_cstart, $3  }
0xc0: {  	[dreg:$0x1] =	wrdreg $0xFFFFFFFF  }
0xc1: {  	_ =	task.clear_ibuf [dreg:s6], $0x2FFFF;
	_ =	strace $0x9FFFFFFF  }
0xc2: {  	(tm) =	ssettm $0x7FFFFFFF  }
0xc3: {  	_ =	shalt  }
tec
execute0_lowered:
.L_overlay_start_1:
0x0: {  	(tag) =	ssettag $0x1  }
0x1: {  	s23 =	rddreg [dreg:$0x0]  }
0x2: {  	s2 =	rddreg [dreg:$0x1]  }
0x3: {  	s3 =	simm.s32 $0x0;
	s1 =	stileid.u32;
	s4 =	srdreg.scid  }
0x4: {  	p0 =	por $0x0, $0x0;
	[smem:$0x7FF] =	sst s3;
	s0 =	smul.u32 $0x2800, s1  }
0x5: {  	s4 =	sand.u32 $0x1, s4;
	s5 =	sshll.u32 s1, $0x1;
	s7 =	sadd.s32 $0x2C00, s23  }
0x6: {  	_ =	strace $0x8000004A;
	s6 =	smul.u32 $0x28000, s4;
	s5 =	sor.u32 s4, s5  }
0x7: {  	s4 =	ssub.s32 $0x2, s4;
	s8 =	sshrl.u32 s0, $0x3;
	s9 =	smul.u32 $0x2710, s5  }
0x8: {  	s18 =	sshrl.u32 s4, $0x1;
	s5 =	smul.u32 $0x4E20, s5;
	s8 =	sadd.s32 s8, s23  }
0x9: {  	s11 =	sadd.s32 s0, s6;
	s12 =	ssub.s32 s4, s18;
	s0 =	sadd.s32 s0, s2  }
0xa: {  	s8 =	sadd.s32 $0xCA00, s8;
	s10 =	sshrl.u32 s9, $0x3;
	s13 =	sadd.s32 $0x7D0, s9  }
0xb: {  	s14 =	sadd.s32 $0xBB8, s9;
	s16 =	sadd.s32 $0xFA0, s9;
	s17 =	sadd.s32 $0x1388, s9  }
0xc: {  	[dreg:$0x3] =	wrdreg s8;
	s19 =	sadd.s32 s7, s10;
	s8 =	sadd.s32 $0x3E8, s9  }
0xd: {  	s21 =	sshrl.u32 s13, $0x3;
	s22 =	sshrl.u32 s14, $0x3;
	s25 =	sshrl.u32 s16, $0x3  }
0xe: {  	s1 =	sshrl.u32 s17, $0x3;
	[dreg:$0x4] =	wrdreg s19;
	s20 =	sshrl.u32 s8, $0x3  }
0xf: {  	s24 =	sadd.s32 s7, s21;
	s22 =	sadd.s32 s7, s22;
	s19 =	sadd.s32 $0x1770, s9  }
0x10: {  	s18 =	sadd.s32 s7, s1;
	s21 =	sadd.s32 $0x1B58, s9;
	s1 =	sadd.s32 $0x1F40, s9  }
0x11: {  	s9 =	sadd.s32 $0x2328, s9;
	s8 =	sshll.u32 s8, $0x1;
	s26 =	sadd.s32 s7, s20  }
0x12: {  	s20 =	sadd.s32 s7, s25;
	s6 =	sshrl.u32 s19, $0x3;
	s10 =	sshrl.u32 s21, $0x3  }
0x13: {  	s25 =	sshrl.u32 s1, $0x3;
	s1 =	sshll.u32 s1, $0x1;
	s15 =	sadd.s32 s7, s6  }
0x14: {  	s10 =	sadd.s32 s7, s10;
	s6 =	sadd.s32 s7, s25;
	s25 =	sshrl.u32 s9, $0x3  }
0x15: {  	s4 =	sadd.s32 s7, s25;
	s25 =	sshrl.u32 s11, $0x3;
	s11 =	sadd.s32 $0x145200, s23  }
0x16: {  	s7 =	sadd.s32 s25, s23;
	s31 =	sadd.s32 s11, s5;
	s30 =	sadd.s32 s11, s8  }
0x17: {  	s8 =	sshll.u32 s13, $0x1;
	s13 =	sshll.u32 s14, $0x1;
	s14 =	sshll.u32 s16, $0x1  }
0x18: {  	s16 =	sshll.u32 s17, $0x1;
	s17 =	sshll.u32 s19, $0x1;
	s19 =	sshll.u32 s21, $0x1  }
0x19: {  	s29 =	sadd.s32 s11, s8;
	s28 =	sadd.s32 s11, s13;
	s25 =	sadd.s32 s11, s14  }
0x1a: {  	s23 =	sadd.s32 s11, s16;
	s21 =	sadd.s32 s11, s17;
	s17 =	smax.u32 s12, $0x1  }
0x1b: {  	s19 =	sadd.s32 s11, s19;
	s16 =	sadd.s32 s11, s1;
	p1 =	sne.s32 s17, $0x1  }
.Ltmp0:
0x1c: {  	s13 =	sshll.u32 s9, $0x1;
	s14 =	stileid.u32;
	(pc) =	sbr.rel @!p1 .LBB2_3-.Ltmp0, $4  }
0x1d: {  	s7 =	sadd.s32 $0x11A00, s7;
	s8 =	sshrl.u32 s0, $0x3;
	s9 =	simm.s32 $0x2  }
0x1e: {  	s12 =	simm.s32 $0x1;
	s1 =	rddreg [dreg:$0x3];
	s5 =	sshll.u32 s14, $0x6  }
0x1f: {  	s11 =	sadd.s32 s11, s13;
	s0 =	sadd.s32 $0xFFFFFFFF, s17;
	s17 =	simm.s32 $0x7D0  }
0x20: {  	s13 =	simm.s32 $0x3E8;
	s14 =	simm.s32 $0x4650;
	s5 =	sor.u32 $0x1C02, s5  }
0x21: {  	[spmem:s8], [sflag:s5] =	dma.local [hbm:s1], $0x500  }
0x22: {  	_ =	swait.ge [sflag:s9], $0x500  }
0x23: {  	[sflag:s9] =	ssyncset.done $0x0  }
0x24: {  	[sflag:s9] =	ssyncadd.s32 $0xFFFFFB00  }
0x25: {  	[bflag:$0x0] =	sbarrier.arrive $0xFFFF  }
0x26: {  	s1 =	rddreg [dreg:$0x4]  }
0x27: {  	[tilespmem:s3], [sflag:$0x1] =	stream.linear.gather [hbm4b:s1+s3], $0x3E8, $0x38;
	[tilespmem:$0xACD0] =	vst v63  }
0x28: {  	_ = 	snop  }
0x29: {  	[tilespmem:s17], [sflag:$0x1] =	stream.linear.gather [hbm4b:s31+s3], $0x3E80, $0x38;
	[tilespmem:$0xACD0] =	vst v63  }
0x2a: {  	_ =	swait.ge [sflag:s12], $0x3E8  }
0x2b: {  	[sflag:s12] =	ssyncset.done $0x0  }
0x2c: {  	[sflag:s12] =	ssyncadd.s32 $0xFFFFFC18  }
0x2d: {  	_ =	swait.ge [sflag:s12], $0x3E80  }
0x2e: {  	[sflag:s12] =	ssyncset.done $0x0  }
0x2f: {  	[sflag:s12] =	ssyncadd.s32 $0xFFFFC180  }
0x30: {  	[tilespmem:s13], [sflag:$0x1] =	stream.linear.gather [hbm4b:s26+s3], $0x3E8, $0x38;
	[tilespmem:$0xACD0] =	vst v63  }
0x31: {  	_ = 	snop  }
0x32: {  	[tilespmem:s14], [sflag:$0x1] =	stream.linear.gather [hbm4b:s30+s3], $0x3E80, $0x38;
	[tilespmem:$0xACD0] =	vst v63  }
0x33: {  	_ = 	snop  }
0x34: {  	[spmem:s2] =	stream.indirect.scatter.add.f32 [tilespmem:s17], [sflag:$0x2], $0x10, s3, s13, $0xb8;
	[tilespmem:$0xACD0] =	vst v63  }
0x35: {  	_ =	swait.ge [sflag:s9], $0x3E80  }
0x36: {  	[sflag:s9] =	ssyncset.done $0x0  }
0x37: {  	[sflag:s9] =	ssyncadd.s32 $0xFFFFC180  }
0x38: {  	_ =	swait.ge [sflag:s12], $0x3E8  }
0x39: {  	[sflag:s12] =	ssyncset.done $0x0  }
0x3a: {  	[sflag:s12] =	ssyncadd.s32 $0xFFFFFC18  }
0x3b: {  	_ =	swait.ge [sflag:s12], $0x3E80  }
0x3c: {  	[sflag:s12] =	ssyncset.done $0x0  }
0x3d: {  	[sflag:s12] =	ssyncadd.s32 $0xFFFFC180  }
0x3e: {  	[tilespmem:s3], [sflag:$0x1] =	stream.linear.gather [hbm4b:s24+s3], $0x3E8, $0x38;
	[tilespmem:$0xACD0] =	vst v63  }
0x3f: {  	_ = 	snop  }
0x40: {  	[tilespmem:s17], [sflag:$0x1] =	stream.linear.gather [hbm4b:s29+s3], $0x3E80, $0x38;
	[tilespmem:$0xACD0] =	vst v63  }
0x41: {  	_ = 	snop  }
0x42: {  	[spmem:s2] =	stream.indirect.scatter.add.f32 [tilespmem:s14], [sflag:$0x2], $0x10, s13, s13, $0xb8;
	[tilespmem:$0xACD0] =	vst v63  }
0x43: {  	_ =	swait.ge [sflag:s9], $0x3E80  }
0x44: {  	[sflag:s9] =	ssyncset.done $0x0  }
0x45: {  	[sflag:s9] =	ssyncadd.s32 $0xFFFFC180  }
0x46: {  	_ =	swait.ge [sflag:s12], $0x3E8  }
0x47: {  	[sflag:s12] =	ssyncset.done $0x0  }
0x48: {  	[sflag:s12] =	ssyncadd.s32 $0xFFFFFC18  }
0x49: {  	_ =	swait.ge [sflag:s12], $0x3E80  }
0x4a: {  	[sflag:s12] =	ssyncset.done $0x0  }
0x4b: {  	[sflag:s12] =	ssyncadd.s32 $0xFFFFC180  }
0x4c: {  	[tilespmem:s13], [sflag:$0x1] =	stream.linear.gather [hbm4b:s22+s3], $0x3E8, $0x38;
	[tilespmem:$0xACD0] =	vst v63  }
0x4d: {  	_ = 	snop  }
0x4e: {  	[tilespmem:s14], [sflag:$0x1] =	stream.linear.gather [hbm4b:s28+s3], $0x3E80, $0x38;
	[tilespmem:$0xACD0] =	vst v63  }
0x4f: {  	_ = 	snop  }
0x50: {  	[spmem:s2] =	stream.indirect.scatter.add.f32 [tilespmem:s17], [sflag:$0x2], $0x10, s3, s13, $0xb8;
	[tilespmem:$0xACD0] =	vst v63  }
0x51: {  	_ =	swait.ge [sflag:s9], $0x3E80  }
0x52: {  	[sflag:s9] =	ssyncset.done $0x0  }
0x53: {  	[sflag:s9] =	ssyncadd.s32 $0xFFFFC180  }
0x54: {  	_ =	swait.ge [sflag:s12], $0x3E8  }
0x55: {  	[sflag:s12] =	ssyncset.done $0x0  }
0x56: {  	[sflag:s12] =	ssyncadd.s32 $0xFFFFFC18  }
0x57: {  	_ =	swait.ge [sflag:s12], $0x3E80  }
0x58: {  	[sflag:s12] =	ssyncset.done $0x0  }
0x59: {  	[sflag:s12] =	ssyncadd.s32 $0xFFFFC180  }
0x5a: {  	[tilespmem:s3], [sflag:$0x1] =	stream.linear.gather [hbm4b:s20+s3], $0x3E8, $0x38;
	[tilespmem:$0xACD0] =	vst v63  }
0x5b: {  	_ = 	snop  }
0x5c: {  	[tilespmem:s17], [sflag:$0x1] =	stream.linear.gather [hbm4b:s25+s3], $0x3E80, $0x38;
	[tilespmem:$0xACD0] =	vst v63  }
0x5d: {  	_ = 	snop  }
0x5e: {  	[spmem:s2] =	stream.indirect.scatter.add.f32 [tilespmem:s14], [sflag:$0x2], $0x10, s13, s13, $0xb8;
	[tilespmem:$0xACD0] =	vst v63  }
0x5f: {  	_ =	swait.ge [sflag:s9], $0x3E80  }
0x60: {  	[sflag:s9] =	ssyncset.done $0x0  }
0x61: {  	[sflag:s9] =	ssyncadd.s32 $0xFFFFC180  }
0x62: {  	_ =	swait.ge [sflag:s12], $0x3E8  }
0x63: {  	[sflag:s12] =	ssyncset.done $0x0  }
0x64: {  	[sflag:s12] =	ssyncadd.s32 $0xFFFFFC18  }
0x65: {  	_ =	swait.ge [sflag:s12], $0x3E80  }
0x66: {  	[sflag:s12] =	ssyncset.done $0x0  }
0x67: {  	[sflag:s12] =	ssyncadd.s32 $0xFFFFC180  }
0x68: {  	[tilespmem:s13], [sflag:$0x1] =	stream.linear.gather [hbm4b:s18+s3], $0x3E8, $0x38;
	[tilespmem:$0xACD0] =	vst v63  }
0x69: {  	_ = 	snop  }
0x6a: {  	[tilespmem:s14], [sflag:$0x1] =	stream.linear.gather [hbm4b:s23+s3], $0x3E80, $0x38;
	[tilespmem:$0xACD0] =	vst v63  }
0x6b: {  	_ = 	snop  }
0x6c: {  	[spmem:s2] =	stream.indirect.scatter.add.f32 [tilespmem:s17], [sflag:$0x2], $0x10, s3, s13, $0xb8;
	[tilespmem:$0xACD0] =	vst v63  }
0x6d: {  	_ =	swait.ge [sflag:s9], $0x3E80  }
0x6e: {  	[sflag:s9] =	ssyncset.done $0x0  }
0x6f: {  	[sflag:s9] =	ssyncadd.s32 $0xFFFFC180  }
0x70: {  	_ =	swait.ge [sflag:s12], $0x3E8  }
0x71: {  	[sflag:s12] =	ssyncset.done $0x0  }
0x72: {  	[sflag:s12] =	ssyncadd.s32 $0xFFFFFC18  }
0x73: {  	_ =	swait.ge [sflag:s12], $0x3E80  }
0x74: {  	[sflag:s12] =	ssyncset.done $0x0  }
0x75: {  	[sflag:s12] =	ssyncadd.s32 $0xFFFFC180  }
0x76: {  	[tilespmem:s3], [sflag:$0x1] =	stream.linear.gather [hbm4b:s15+s3], $0x3E8, $0x38;
	[tilespmem:$0xACD0] =	vst v63  }
0x77: {  	_ = 	snop  }
0x78: {  	[tilespmem:s17], [sflag:$0x1] =	stream.linear.gather [hbm4b:s21+s3], $0x3E80, $0x38;
	[tilespmem:$0xACD0] =	vst v63  }
0x79: {  	_ = 	snop  }
0x7a: {  	[spmem:s2] =	stream.indirect.scatter.add.f32 [tilespmem:s14], [sflag:$0x2], $0x10, s13, s13, $0xb8;
	[tilespmem:$0xACD0] =	vst v63  }
0x7b: {  	_ =	swait.ge [sflag:s9], $0x3E80  }
0x7c: {  	[sflag:s9] =	ssyncset.done $0x0  }
0x7d: {  	[sflag:s9] =	ssyncadd.s32 $0xFFFFC180  }
0x7e: {  	_ =	swait.ge [sflag:s12], $0x3E8  }
0x7f: {  	[sflag:s12] =	ssyncset.done $0x0  }
0x80: {  	[sflag:s12] =	ssyncadd.s32 $0xFFFFFC18  }
0x81: {  	_ =	swait.ge [sflag:s12], $0x3E80  }
0x82: {  	[sflag:s12] =	ssyncset.done $0x0  }
0x83: {  	[sflag:s12] =	ssyncadd.s32 $0xFFFFC180  }
0x84: {  	[tilespmem:s13], [sflag:$0x1] =	stream.linear.gather [hbm4b:s10+s3], $0x3E8, $0x38;
	[tilespmem:$0xACD0] =	vst v63  }
0x85: {  	_ = 	snop  }
0x86: {  	[tilespmem:s14], [sflag:$0x1] =	stream.linear.gather [hbm4b:s19+s3], $0x3E80, $0x38;
	[tilespmem:$0xACD0] =	vst v63  }
0x87: {  	_ = 	snop  }
0x88: {  	[spmem:s2] =	stream.indirect.scatter.add.f32 [tilespmem:s17], [sflag:$0x2], $0x10, s3, s13, $0xb8;
	[tilespmem:$0xACD0] =	vst v63  }
0x89: {  	_ =	swait.ge [sflag:s9], $0x3E80  }
0x8a: {  	[sflag:s9] =	ssyncset.done $0x0  }
0x8b: {  	[sflag:s9] =	ssyncadd.s32 $0xFFFFC180  }
0x8c: {  	_ =	swait.ge [sflag:s12], $0x3E8  }
0x8d: {  	[sflag:s12] =	ssyncset.done $0x0  }
0x8e: {  	[sflag:s12] =	ssyncadd.s32 $0xFFFFFC18  }
0x8f: {  	_ =	swait.ge [sflag:s12], $0x3E80  }
0x90: {  	[sflag:s12] =	ssyncset.done $0x0  }
0x91: {  	[sflag:s12] =	ssyncadd.s32 $0xFFFFC180  }
0x92: {  	[tilespmem:s3], [sflag:$0x1] =	stream.linear.gather [hbm4b:s6+s3], $0x3E8, $0x38;
	[tilespmem:$0xACD0] =	vst v63  }
0x93: {  	_ = 	snop  }
0x94: {  	[tilespmem:s17], [sflag:$0x1] =	stream.linear.gather [hbm4b:s16+s3], $0x3E80, $0x38;
	[tilespmem:$0xACD0] =	vst v63  }
0x95: {  	_ = 	snop  }
0x96: {  	[spmem:s2] =	stream.indirect.scatter.add.f32 [tilespmem:s14], [sflag:$0x2], $0x10, s13, s13, $0xb8;
	[tilespmem:$0xACD0] =	vst v63  }
0x97: {  	_ =	swait.ge [sflag:s9], $0x3E80  }
0x98: {  	[sflag:s9] =	ssyncset.done $0x0  }
0x99: {  	[sflag:s9] =	ssyncadd.s32 $0xFFFFC180  }
0x9a: {  	_ =	swait.ge [sflag:s12], $0x3E8  }
0x9b: {  	[sflag:s12] =	ssyncset.done $0x0  }
0x9c: {  	[sflag:s12] =	ssyncadd.s32 $0xFFFFFC18  }
0x9d: {  	_ =	swait.ge [sflag:s12], $0x3E80  }
0x9e: {  	[sflag:s12] =	ssyncset.done $0x0  }
0x9f: {  	[sflag:s12] =	ssyncadd.s32 $0xFFFFC180  }
0xa0: {  	[tilespmem:s13], [sflag:$0x1] =	stream.linear.gather [hbm4b:s4+s3], $0x3E8, $0x38;
	[tilespmem:$0xACD0] =	vst v63  }
0xa1: {  	_ = 	snop  }
0xa2: {  	[tilespmem:s14], [sflag:$0x1] =	stream.linear.gather [hbm4b:s11+s3], $0x3E80, $0x38;
	[tilespmem:$0xACD0] =	vst v63  }
0xa3: {  	_ = 	snop  }
0xa4: {  	[spmem:s2] =	stream.indirect.scatter.add.f32 [tilespmem:s17], [sflag:$0x2], $0x10, s3, s13, $0xb8;
	[tilespmem:$0xACD0] =	vst v63  }
0xa5: {  	_ =	swait.ge [sflag:s9], $0x3E80  }
0xa6: {  	[sflag:s9] =	ssyncset.done $0x0  }
0xa7: {  	[sflag:s9] =	ssyncadd.s32 $0xFFFFC180  }
0xa8: {  	_ =	swait.ge [sflag:s12], $0x3E8  }
0xa9: {  	[sflag:s12] =	ssyncset.done $0x0  }
0xaa: {  	[sflag:s12] =	ssyncadd.s32 $0xFFFFFC18  }
0xab: {  	_ =	swait.ge [sflag:s12], $0x3E80  }
0xac: {  	[sflag:s12] =	ssyncset.done $0x0  }
0xad: {  	[sflag:s12] =	ssyncadd.s32 $0xFFFFC180  }
0xae: {  	[spmem:s2] =	stream.indirect.scatter.add.f32 [tilespmem:s14], [sflag:$0x2], $0x10, s13, s13, $0xb8;
	[tilespmem:$0xACD0] =	vst v63  }
0xaf: {  	_ =	swait.ge [sflag:s9], $0x3E80  }
0xb0: {  	p1 =	sne.s32 s0, $0x1;
	[sflag:s9] =	ssyncset.done $0x0  }
.Ltmp1:
0xb1: {  	[sflag:s9] =	ssyncadd.s32 $0xFFFFC180;
	(pc) =	sbr.rel @!p1 .LBB2_3-.Ltmp1, $4  }
0xb2: {  	[bflag:$0x0] =	sbarrier.arrive $0xFFFF  }
0xb3: {  	[hbm:s7], [sflag:s5] =	dma.local [spmem:s8], $0x500  }
0xb4: {  	s0 =	sadd.s32 $0xFFFFFFFF, s0;
	_ =	swait.ge [sflag:s9], $0x500  }
0xb5: {  	p0 =	por $0x1, $0x1;
	s1 =	rddreg [dreg:$0x3];
	[sflag:s9] =	ssyncset.done $0x0  }
.LBB2_2:
0xb6: {  	[sflag:s9] =	ssyncadd.s32 $0xFFFFFB00  }
0xb7: {  	[spmem:s8], [sflag:s5] =	dma.local [hbm:s1], $0x500  }
0xb8: {  	_ =	swait.ge [sflag:s9], $0x500  }
0xb9: {  	[sflag:s9] =	ssyncset.done $0x0  }
0xba: {  	[sflag:s9] =	ssyncadd.s32 $0xFFFFFB00  }
0xbb: {  	[bflag:$0x0] =	sbarrier.arrive $0xFFFF  }
0xbc: {  	s1 =	rddreg [dreg:$0x4]  }
0xbd: {  	[tilespmem:s3], [sflag:$0x1] =	stream.linear.gather [hbm4b:s1+s3], $0x3E8, $0x38;
	[tilespmem:$0xACD0] =	vst v63  }
0xbe: {  	_ = 	snop  }
0xbf: {  	[tilespmem:s17], [sflag:$0x1] =	stream.linear.gather [hbm4b:s31+s3], $0x3E80, $0x38;
	[tilespmem:$0xACD0] =	vst v63  }
0xc0: {  	_ =	swait.ge [sflag:s12], $0x3E8  }
0xc1: {  	[sflag:s12] =	ssyncset.done $0x0  }
0xc2: {  	[sflag:s12] =	ssyncadd.s32 $0xFFFFFC18  }
0xc3: {  	_ =	swait.ge [sflag:s12], $0x3E80  }
0xc4: {  	[sflag:s12] =	ssyncset.done $0x0  }
0xc5: {  	[sflag:s12] =	ssyncadd.s32 $0xFFFFC180  }
0xc6: {  	[tilespmem:s13], [sflag:$0x1] =	stream.linear.gather [hbm4b:s26+s3], $0x3E8, $0x38;
	[tilespmem:$0xACD0] =	vst v63  }
0xc7: {  	_ = 	snop  }
0xc8: {  	[tilespmem:s14], [sflag:$0x1] =	stream.linear.gather [hbm4b:s30+s3], $0x3E80, $0x38;
	[tilespmem:$0xACD0] =	vst v63  }
0xc9: {  	_ = 	snop  }
0xca: {  	[spmem:s2] =	stream.indirect.scatter.add.f32 [tilespmem:s17], [sflag:$0x2], $0x10, s3, s13, $0xb8;
	[tilespmem:$0xACD0] =	vst v63  }
0xcb: {  	_ =	swait.ge [sflag:s9], $0x3E80  }
0xcc: {  	[sflag:s9] =	ssyncset.done $0x0  }
0xcd: {  	[sflag:s9] =	ssyncadd.s32 $0xFFFFC180  }
0xce: {  	_ =	swait.ge [sflag:s12], $0x3E8  }
0xcf: {  	[sflag:s12] =	ssyncset.done $0x0  }
0xd0: {  	[sflag:s12] =	ssyncadd.s32 $0xFFFFFC18  }
0xd1: {  	_ =	swait.ge [sflag:s12], $0x3E80  }
0xd2: {  	[sflag:s12] =	ssyncset.done $0x0  }
0xd3: {  	[sflag:s12] =	ssyncadd.s32 $0xFFFFC180  }
0xd4: {  	[tilespmem:s3], [sflag:$0x1] =	stream.linear.gather [hbm4b:s24+s3], $0x3E8, $0x38;
	[tilespmem:$0xACD0] =	vst v63  }
0xd5: {  	_ = 	snop  }
0xd6: {  	[tilespmem:s17], [sflag:$0x1] =	stream.linear.gather [hbm4b:s29+s3], $0x3E80, $0x38;
	[tilespmem:$0xACD0] =	vst v63  }
0xd7: {  	_ = 	snop  }
0xd8: {  	[spmem:s2] =	stream.indirect.scatter.add.f32 [tilespmem:s14], [sflag:$0x2], $0x10, s13, s13, $0xb8;
	[tilespmem:$0xACD0] =	vst v63  }
0xd9: {  	_ =	swait.ge [sflag:s9], $0x3E80  }
0xda: {  	[sflag:s9] =	ssyncset.done $0x0  }
0xdb: {  	[sflag:s9] =	ssyncadd.s32 $0xFFFFC180  }
0xdc: {  	_ =	swait.ge [sflag:s12], $0x3E8  }
0xdd: {  	[sflag:s12] =	ssyncset.done $0x0  }
0xde: {  	[sflag:s12] =	ssyncadd.s32 $0xFFFFFC18  }
0xdf: {  	_ =	swait.ge [sflag:s12], $0x3E80  }
0xe0: {  	[sflag:s12] =	ssyncset.done $0x0  }
0xe1: {  	[sflag:s12] =	ssyncadd.s32 $0xFFFFC180  }
0xe2: {  	[tilespmem:s13], [sflag:$0x1] =	stream.linear.gather [hbm4b:s22+s3], $0x3E8, $0x38;
	[tilespmem:$0xACD0] =	vst v63  }
0xe3: {  	_ = 	snop  }
0xe4: {  	[tilespmem:s14], [sflag:$0x1] =	stream.linear.gather [hbm4b:s28+s3], $0x3E80, $0x38;
	[tilespmem:$0xACD0] =	vst v63  }
0xe5: {  	_ = 	snop  }
0xe6: {  	[spmem:s2] =	stream.indirect.scatter.add.f32 [tilespmem:s17], [sflag:$0x2], $0x10, s3, s13, $0xb8;
	[tilespmem:$0xACD0] =	vst v63  }
0xe7: {  	_ =	swait.ge [sflag:s9], $0x3E80  }
0xe8: {  	[sflag:s9] =	ssyncset.done $0x0  }
0xe9: {  	[sflag:s9] =	ssyncadd.s32 $0xFFFFC180  }
0xea: {  	_ =	swait.ge [sflag:s12], $0x3E8  }
0xeb: {  	[sflag:s12] =	ssyncset.done $0x0  }
0xec: {  	[sflag:s12] =	ssyncadd.s32 $0xFFFFFC18  }
0xed: {  	_ =	swait.ge [sflag:s12], $0x3E80  }
0xee: {  	[sflag:s12] =	ssyncset.done $0x0  }
0xef: {  	[sflag:s12] =	ssyncadd.s32 $0xFFFFC180  }
0xf0: {  	[tilespmem:s3], [sflag:$0x1] =	stream.linear.gather [hbm4b:s20+s3], $0x3E8, $0x38;
	[tilespmem:$0xACD0] =	vst v63  }
0xf1: {  	_ = 	snop  }
0xf2: {  	[tilespmem:s17], [sflag:$0x1] =	stream.linear.gather [hbm4b:s25+s3], $0x3E80, $0x38;
	[tilespmem:$0xACD0] =	vst v63  }
0xf3: {  	_ = 	snop  }
0xf4: {  	[spmem:s2] =	stream.indirect.scatter.add.f32 [tilespmem:s14], [sflag:$0x2], $0x10, s13, s13, $0xb8;
	[tilespmem:$0xACD0] =	vst v63  }
0xf5: {  	_ =	swait.ge [sflag:s9], $0x3E80  }
0xf6: {  	[sflag:s9] =	ssyncset.done $0x0  }
0xf7: {  	[sflag:s9] =	ssyncadd.s32 $0xFFFFC180  }
0xf8: {  	_ =	swait.ge [sflag:s12], $0x3E8  }
0xf9: {  	[sflag:s12] =	ssyncset.done $0x0  }
0xfa: {  	[sflag:s12] =	ssyncadd.s32 $0xFFFFFC18  }
0xfb: {  	_ =	swait.ge [sflag:s12], $0x3E80  }
0xfc: {  	[sflag:s12] =	ssyncset.done $0x0  }
0xfd: {  	[sflag:s12] =	ssyncadd.s32 $0xFFFFC180  }
0xfe: {  	[tilespmem:s13], [sflag:$0x1] =	stream.linear.gather [hbm4b:s18+s3], $0x3E8, $0x38;
	[tilespmem:$0xACD0] =	vst v63  }
0xff: {  	_ = 	snop  }
0x100: {  	[tilespmem:s14], [sflag:$0x1] =	stream.linear.gather [hbm4b:s23+s3], $0x3E80, $0x38;
	[tilespmem:$0xACD0] =	vst v63  }
0x101: {  	_ = 	snop  }
0x102: {  	[spmem:s2] =	stream.indirect.scatter.add.f32 [tilespmem:s17], [sflag:$0x2], $0x10, s3, s13, $0xb8;
	[tilespmem:$0xACD0] =	vst v63  }
0x103: {  	_ =	swait.ge [sflag:s9], $0x3E80  }
0x104: {  	[sflag:s9] =	ssyncset.done $0x0  }
0x105: {  	[sflag:s9] =	ssyncadd.s32 $0xFFFFC180  }
0x106: {  	_ =	swait.ge [sflag:s12], $0x3E8  }
0x107: {  	[sflag:s12] =	ssyncset.done $0x0  }
0x108: {  	[sflag:s12] =	ssyncadd.s32 $0xFFFFFC18  }
0x109: {  	_ =	swait.ge [sflag:s12], $0x3E80  }
0x10a: {  	[sflag:s12] =	ssyncset.done $0x0  }
0x10b: {  	[sflag:s12] =	ssyncadd.s32 $0xFFFFC180  }
0x10c: {  	[tilespmem:s3], [sflag:$0x1] =	stream.linear.gather [hbm4b:s15+s3], $0x3E8, $0x38;
	[tilespmem:$0xACD0] =	vst v63  }
0x10d: {  	_ = 	snop  }
0x10e: {  	[tilespmem:s17], [sflag:$0x1] =	stream.linear.gather [hbm4b:s21+s3], $0x3E80, $0x38;
	[tilespmem:$0xACD0] =	vst v63  }
0x10f: {  	_ = 	snop  }
0x110: {  	[spmem:s2] =	stream.indirect.scatter.add.f32 [tilespmem:s14], [sflag:$0x2], $0x10, s13, s13, $0xb8;
	[tilespmem:$0xACD0] =	vst v63  }
0x111: {  	_ =	swait.ge [sflag:s9], $0x3E80  }
0x112: {  	[sflag:s9] =	ssyncset.done $0x0  }
0x113: {  	[sflag:s9] =	ssyncadd.s32 $0xFFFFC180  }
0x114: {  	_ =	swait.ge [sflag:s12], $0x3E8  }
0x115: {  	[sflag:s12] =	ssyncset.done $0x0  }
0x116: {  	[sflag:s12] =	ssyncadd.s32 $0xFFFFFC18  }
0x117: {  	_ =	swait.ge [sflag:s12], $0x3E80  }
0x118: {  	[sflag:s12] =	ssyncset.done $0x0  }
0x119: {  	[sflag:s12] =	ssyncadd.s32 $0xFFFFC180  }
0x11a: {  	[tilespmem:s13], [sflag:$0x1] =	stream.linear.gather [hbm4b:s10+s3], $0x3E8, $0x38;
	[tilespmem:$0xACD0] =	vst v63  }
0x11b: {  	_ = 	snop  }
0x11c: {  	[tilespmem:s14], [sflag:$0x1] =	stream.linear.gather [hbm4b:s19+s3], $0x3E80, $0x38;
	[tilespmem:$0xACD0] =	vst v63  }
0x11d: {  	_ = 	snop  }
0x11e: {  	[spmem:s2] =	stream.indirect.scatter.add.f32 [tilespmem:s17], [sflag:$0x2], $0x10, s3, s13, $0xb8;
	[tilespmem:$0xACD0] =	vst v63  }
0x11f: {  	_ =	swait.ge [sflag:s9], $0x3E80  }
0x120: {  	[sflag:s9] =	ssyncset.done $0x0  }
0x121: {  	[sflag:s9] =	ssyncadd.s32 $0xFFFFC180  }
0x122: {  	_ =	swait.ge [sflag:s12], $0x3E8  }
0x123: {  	[sflag:s12] =	ssyncset.done $0x0  }
0x124: {  	[sflag:s12] =	ssyncadd.s32 $0xFFFFFC18  }
0x125: {  	_ =	swait.ge [sflag:s12], $0x3E80  }
0x126: {  	[sflag:s12] =	ssyncset.done $0x0  }
0x127: {  	[sflag:s12] =	ssyncadd.s32 $0xFFFFC180  }
0x128: {  	[tilespmem:s3], [sflag:$0x1] =	stream.linear.gather [hbm4b:s6+s3], $0x3E8, $0x38;
	[tilespmem:$0xACD0] =	vst v63  }
0x129: {  	_ = 	snop  }
0x12a: {  	[tilespmem:s17], [sflag:$0x1] =	stream.linear.gather [hbm4b:s16+s3], $0x3E80, $0x38;
	[tilespmem:$0xACD0] =	vst v63  }
0x12b: {  	_ = 	snop  }
0x12c: {  	[spmem:s2] =	stream.indirect.scatter.add.f32 [tilespmem:s14], [sflag:$0x2], $0x10, s13, s13, $0xb8;
	[tilespmem:$0xACD0] =	vst v63  }
0x12d: {  	_ =	swait.ge [sflag:s9], $0x3E80  }
0x12e: {  	[sflag:s9] =	ssyncset.done $0x0  }
0x12f: {  	[sflag:s9] =	ssyncadd.s32 $0xFFFFC180  }
0x130: {  	_ =	swait.ge [sflag:s12], $0x3E8  }
0x131: {  	[sflag:s12] =	ssyncset.done $0x0  }
0x132: {  	[sflag:s12] =	ssyncadd.s32 $0xFFFFFC18  }
0x133: {  	_ =	swait.ge [sflag:s12], $0x3E80  }
0x134: {  	[sflag:s12] =	ssyncset.done $0x0  }
0x135: {  	[sflag:s12] =	ssyncadd.s32 $0xFFFFC180  }
0x136: {  	[tilespmem:s13], [sflag:$0x1] =	stream.linear.gather [hbm4b:s4+s3], $0x3E8, $0x38;
	[tilespmem:$0xACD0] =	vst v63  }
0x137: {  	_ = 	snop  }
0x138: {  	[tilespmem:s14], [sflag:$0x1] =	stream.linear.gather [hbm4b:s11+s3], $0x3E80, $0x38;
	[tilespmem:$0xACD0] =	vst v63  }
0x139: {  	_ = 	snop  }
0x13a: {  	[spmem:s2] =	stream.indirect.scatter.add.f32 [tilespmem:s17], [sflag:$0x2], $0x10, s3, s13, $0xb8;
	[tilespmem:$0xACD0] =	vst v63  }
0x13b: {  	_ =	swait.ge [sflag:s9], $0x3E80  }
0x13c: {  	[sflag:s9] =	ssyncset.done $0x0  }
0x13d: {  	[sflag:s9] =	ssyncadd.s32 $0xFFFFC180  }
0x13e: {  	_ =	swait.ge [sflag:s12], $0x3E8  }
0x13f: {  	[sflag:s12] =	ssyncset.done $0x0  }
0x140: {  	[sflag:s12] =	ssyncadd.s32 $0xFFFFFC18  }
0x141: {  	_ =	swait.ge [sflag:s12], $0x3E80  }
0x142: {  	[sflag:s12] =	ssyncset.done $0x0  }
0x143: {  	[sflag:s12] =	ssyncadd.s32 $0xFFFFC180  }
0x144: {  	[spmem:s2] =	stream.indirect.scatter.add.f32 [tilespmem:s14], [sflag:$0x2], $0x10, s13, s13, $0xb8;
	[tilespmem:$0xACD0] =	vst v63  }
0x145: {  	_ =	swait.ge [sflag:s9], $0x3E80  }
0x146: {  	p1 =	sne.s32 s0, $0x1;
	[sflag:s9] =	ssyncset.done $0x0  }
.Ltmp2:
0x147: {  	[sflag:s9] =	ssyncadd.s32 $0xFFFFC180;
	(pc) =	sbr.rel @p1 .LBB2_2-.Ltmp2, $4  }
0x148: {  	[bflag:$0x0] =	sbarrier.arrive $0xFFFF  }
0x149: {  	[hbm:s7], [sflag:s5] =	dma.local [spmem:s8], $0x500  }
0x14a: {  	_ =	swait.ge [sflag:s9], $0x500  }
0x14b: {  	s0 =	sadd.s32 $0xFFFFFFFF, s0;
	s1 =	rddreg [dreg:$0x3];
	[sflag:s9] =	ssyncset.done $0x0  }
.LBB2_3:
0x14c: {  	[sflag:s9] =	ssyncadd.s32 @p0 $0xFFFFFB00  }
0x14d: {  	[spmem:s8], [sflag:s5] =	dma.local [hbm:s1], $0x500  }
0x14e: {  	_ =	swait.ge [sflag:s9], $0x500  }
0x14f: {  	[sflag:s9] =	ssyncset.done $0x0  }
0x150: {  	[sflag:s9] =	ssyncadd.s32 $0xFFFFFB00  }
0x151: {  	[bflag:$0x0] =	sbarrier.arrive $0xFFFF  }
0x152: {  	s0 =	rddreg [dreg:$0x4]  }
0x153: {  	[tilespmem:s3], [sflag:$0x1] =	stream.linear.gather [hbm4b:s0+s3], $0x3E8, $0x38;
	[tilespmem:$0xACD0] =	vst v63  }
0x154: {  	_ = 	snop  }
0x155: {  	[tilespmem:s17], [sflag:$0x1] =	stream.linear.gather [hbm4b:s31+s3], $0x3E80, $0x38;
	[tilespmem:$0xACD0] =	vst v63  }
0x156: {  	_ =	swait.ge [sflag:s12], $0x3E8  }
0x157: {  	[sflag:s12] =	ssyncset.done $0x0  }
0x158: {  	[sflag:s12] =	ssyncadd.s32 $0xFFFFFC18  }
0x159: {  	_ =	swait.ge [sflag:s12], $0x3E80  }
0x15a: {  	[sflag:s12] =	ssyncset.done $0x0  }
0x15b: {  	[sflag:s12] =	ssyncadd.s32 $0xFFFFC180  }
0x15c: {  	[tilespmem:s13], [sflag:$0x1] =	stream.linear.gather [hbm4b:s26+s3], $0x3E8, $0x38;
	[tilespmem:$0xACD0] =	vst v63  }
0x15d: {  	_ = 	snop  }
0x15e: {  	[tilespmem:s14], [sflag:$0x1] =	stream.linear.gather [hbm4b:s30+s3], $0x3E80, $0x38;
	[tilespmem:$0xACD0] =	vst v63  }
0x15f: {  	_ = 	snop  }
0x160: {  	[spmem:s2] =	stream.indirect.scatter.add.f32 [tilespmem:s17], [sflag:$0x2], $0x10, s3, s13, $0xb8;
	[tilespmem:$0xACD0] =	vst v63  }
0x161: {  	_ =	swait.ge [sflag:s9], $0x3E80  }
0x162: {  	[sflag:s9] =	ssyncset.done $0x0  }
0x163: {  	[sflag:s9] =	ssyncadd.s32 $0xFFFFC180  }
0x164: {  	_ =	swait.ge [sflag:s12], $0x3E8  }
0x165: {  	[sflag:s12] =	ssyncset.done $0x0  }
0x166: {  	[sflag:s12] =	ssyncadd.s32 $0xFFFFFC18  }
0x167: {  	_ =	swait.ge [sflag:s12], $0x3E80  }
0x168: {  	[sflag:s12] =	ssyncset.done $0x0  }
0x169: {  	[sflag:s12] =	ssyncadd.s32 $0xFFFFC180  }
0x16a: {  	[tilespmem:s3], [sflag:$0x1] =	stream.linear.gather [hbm4b:s24+s3], $0x3E8, $0x38;
	[tilespmem:$0xACD0] =	vst v63  }
0x16b: {  	_ = 	snop  }
0x16c: {  	[tilespmem:s17], [sflag:$0x1] =	stream.linear.gather [hbm4b:s29+s3], $0x3E80, $0x38;
	[tilespmem:$0xACD0] =	vst v63  }
0x16d: {  	_ = 	snop  }
0x16e: {  	[spmem:s2] =	stream.indirect.scatter.add.f32 [tilespmem:s14], [sflag:$0x2], $0x10, s13, s13, $0xb8;
	[tilespmem:$0xACD0] =	vst v63  }
0x16f: {  	_ =	swait.ge [sflag:s9], $0x3E80  }
0x170: {  	[sflag:s9] =	ssyncset.done $0x0  }
0x171: {  	[sflag:s9] =	ssyncadd.s32 $0xFFFFC180  }
0x172: {  	_ =	swait.ge [sflag:s12], $0x3E8  }
0x173: {  	[sflag:s12] =	ssyncset.done $0x0  }
0x174: {  	[sflag:s12] =	ssyncadd.s32 $0xFFFFFC18  }
0x175: {  	_ =	swait.ge [sflag:s12], $0x3E80  }
0x176: {  	[sflag:s12] =	ssyncset.done $0x0  }
0x177: {  	[sflag:s12] =	ssyncadd.s32 $0xFFFFC180  }
0x178: {  	[tilespmem:s13], [sflag:$0x1] =	stream.linear.gather [hbm4b:s22+s3], $0x3E8, $0x38;
	[tilespmem:$0xACD0] =	vst v63  }
0x179: {  	_ = 	snop  }
0x17a: {  	[tilespmem:s14], [sflag:$0x1] =	stream.linear.gather [hbm4b:s28+s3], $0x3E80, $0x38;
	[tilespmem:$0xACD0] =	vst v63  }
0x17b: {  	_ = 	snop  }
0x17c: {  	[spmem:s2] =	stream.indirect.scatter.add.f32 [tilespmem:s17], [sflag:$0x2], $0x10, s3, s13, $0xb8;
	[tilespmem:$0xACD0] =	vst v63  }
0x17d: {  	_ =	swait.ge [sflag:s9], $0x3E80  }
0x17e: {  	[sflag:s9] =	ssyncset.done $0x0  }
0x17f: {  	[sflag:s9] =	ssyncadd.s32 $0xFFFFC180  }
0x180: {  	_ =	swait.ge [sflag:s12], $0x3E8  }
0x181: {  	[sflag:s12] =	ssyncset.done $0x0  }
0x182: {  	[sflag:s12] =	ssyncadd.s32 $0xFFFFFC18  }
0x183: {  	_ =	swait.ge [sflag:s12], $0x3E80  }
0x184: {  	[sflag:s12] =	ssyncset.done $0x0  }
0x185: {  	[sflag:s12] =	ssyncadd.s32 $0xFFFFC180  }
0x186: {  	[tilespmem:s3], [sflag:$0x1] =	stream.linear.gather [hbm4b:s20+s3], $0x3E8, $0x38;
	[tilespmem:$0xACD0] =	vst v63  }
0x187: {  	_ = 	snop  }
0x188: {  	[tilespmem:s17], [sflag:$0x1] =	stream.linear.gather [hbm4b:s25+s3], $0x3E80, $0x38;
	[tilespmem:$0xACD0] =	vst v63  }
0x189: {  	_ = 	snop  }
0x18a: {  	[spmem:s2] =	stream.indirect.scatter.add.f32 [tilespmem:s14], [sflag:$0x2], $0x10, s13, s13, $0xb8;
	[tilespmem:$0xACD0] =	vst v63  }
0x18b: {  	_ =	swait.ge [sflag:s9], $0x3E80  }
0x18c: {  	[sflag:s9] =	ssyncset.done $0x0  }
0x18d: {  	[sflag:s9] =	ssyncadd.s32 $0xFFFFC180  }
0x18e: {  	_ =	swait.ge [sflag:s12], $0x3E8  }
0x18f: {  	[sflag:s12] =	ssyncset.done $0x0  }
0x190: {  	[sflag:s12] =	ssyncadd.s32 $0xFFFFFC18  }
0x191: {  	_ =	swait.ge [sflag:s12], $0x3E80  }
0x192: {  	[sflag:s12] =	ssyncset.done $0x0  }
0x193: {  	[sflag:s12] =	ssyncadd.s32 $0xFFFFC180  }
0x194: {  	[tilespmem:s13], [sflag:$0x1] =	stream.linear.gather [hbm4b:s18+s3], $0x3E8, $0x38;
	[tilespmem:$0xACD0] =	vst v63  }
0x195: {  	_ = 	snop  }
0x196: {  	[tilespmem:s14], [sflag:$0x1] =	stream.linear.gather [hbm4b:s23+s3], $0x3E80, $0x38;
	[tilespmem:$0xACD0] =	vst v63  }
0x197: {  	_ = 	snop  }
0x198: {  	[spmem:s2] =	stream.indirect.scatter.add.f32 [tilespmem:s17], [sflag:$0x2], $0x10, s3, s13, $0xb8;
	[tilespmem:$0xACD0] =	vst v63  }
0x199: {  	_ =	swait.ge [sflag:s9], $0x3E80  }
0x19a: {  	[sflag:s9] =	ssyncset.done $0x0  }
0x19b: {  	[sflag:s9] =	ssyncadd.s32 $0xFFFFC180  }
0x19c: {  	_ =	swait.ge [sflag:s12], $0x3E8  }
0x19d: {  	[sflag:s12] =	ssyncset.done $0x0  }
0x19e: {  	[sflag:s12] =	ssyncadd.s32 $0xFFFFFC18  }
0x19f: {  	_ =	swait.ge [sflag:s12], $0x3E80  }
0x1a0: {  	[sflag:s12] =	ssyncset.done $0x0  }
0x1a1: {  	[sflag:s12] =	ssyncadd.s32 $0xFFFFC180  }
0x1a2: {  	[tilespmem:s3], [sflag:$0x1] =	stream.linear.gather [hbm4b:s15+s3], $0x3E8, $0x38;
	[tilespmem:$0xACD0] =	vst v63  }
0x1a3: {  	_ = 	snop  }
0x1a4: {  	[tilespmem:s17], [sflag:$0x1] =	stream.linear.gather [hbm4b:s21+s3], $0x3E80, $0x38;
	[tilespmem:$0xACD0] =	vst v63  }
0x1a5: {  	_ = 	snop  }
0x1a6: {  	[spmem:s2] =	stream.indirect.scatter.add.f32 [tilespmem:s14], [sflag:$0x2], $0x10, s13, s13, $0xb8;
	[tilespmem:$0xACD0] =	vst v63  }
0x1a7: {  	_ =	swait.ge [sflag:s9], $0x3E80  }
0x1a8: {  	[sflag:s9] =	ssyncset.done $0x0  }
0x1a9: {  	[sflag:s9] =	ssyncadd.s32 $0xFFFFC180  }
0x1aa: {  	_ =	swait.ge [sflag:s12], $0x3E8  }
0x1ab: {  	[sflag:s12] =	ssyncset.done $0x0  }
0x1ac: {  	[sflag:s12] =	ssyncadd.s32 $0xFFFFFC18  }
0x1ad: {  	_ =	swait.ge [sflag:s12], $0x3E80  }
0x1ae: {  	[sflag:s12] =	ssyncset.done $0x0  }
0x1af: {  	[sflag:s12] =	ssyncadd.s32 $0xFFFFC180  }
0x1b0: {  	[tilespmem:s13], [sflag:$0x1] =	stream.linear.gather [hbm4b:s10+s3], $0x3E8, $0x38;
	[tilespmem:$0xACD0] =	vst v63  }
0x1b1: {  	_ = 	snop  }
0x1b2: {  	[tilespmem:s14], [sflag:$0x1] =	stream.linear.gather [hbm4b:s19+s3], $0x3E80, $0x38;
	[tilespmem:$0xACD0] =	vst v63  }
0x1b3: {  	_ = 	snop  }
0x1b4: {  	[spmem:s2] =	stream.indirect.scatter.add.f32 [tilespmem:s17], [sflag:$0x2], $0x10, s3, s13, $0xb8;
	[tilespmem:$0xACD0] =	vst v63  }
0x1b5: {  	_ =	swait.ge [sflag:s9], $0x3E80  }
0x1b6: {  	[sflag:s9] =	ssyncset.done $0x0  }
0x1b7: {  	[sflag:s9] =	ssyncadd.s32 $0xFFFFC180  }
0x1b8: {  	_ =	swait.ge [sflag:s12], $0x3E8  }
0x1b9: {  	[sflag:s12] =	ssyncset.done $0x0  }
0x1ba: {  	[sflag:s12] =	ssyncadd.s32 $0xFFFFFC18  }
0x1bb: {  	_ =	swait.ge [sflag:s12], $0x3E80  }
0x1bc: {  	[sflag:s12] =	ssyncset.done $0x0  }
0x1bd: {  	[sflag:s12] =	ssyncadd.s32 $0xFFFFC180  }
0x1be: {  	[tilespmem:s3], [sflag:$0x1] =	stream.linear.gather [hbm4b:s6+s3], $0x3E8, $0x38;
	[tilespmem:$0xACD0] =	vst v63  }
0x1bf: {  	_ = 	snop  }
0x1c0: {  	[tilespmem:s17], [sflag:$0x1] =	stream.linear.gather [hbm4b:s16+s3], $0x3E80, $0x38;
	[tilespmem:$0xACD0] =	vst v63  }
0x1c1: {  	_ = 	snop  }
0x1c2: {  	[spmem:s2] =	stream.indirect.scatter.add.f32 [tilespmem:s14], [sflag:$0x2], $0x10, s13, s13, $0xb8;
	[tilespmem:$0xACD0] =	vst v63  }
0x1c3: {  	_ =	swait.ge [sflag:s9], $0x3E80  }
0x1c4: {  	[sflag:s9] =	ssyncset.done $0x0  }
0x1c5: {  	[sflag:s9] =	ssyncadd.s32 $0xFFFFC180  }
0x1c6: {  	_ =	swait.ge [sflag:s12], $0x3E8  }
0x1c7: {  	[sflag:s12] =	ssyncset.done $0x0  }
0x1c8: {  	[sflag:s12] =	ssyncadd.s32 $0xFFFFFC18  }
0x1c9: {  	_ =	swait.ge [sflag:s12], $0x3E80  }
0x1ca: {  	[sflag:s12] =	ssyncset.done $0x0  }
0x1cb: {  	[sflag:s12] =	ssyncadd.s32 $0xFFFFC180  }
0x1cc: {  	[tilespmem:s13], [sflag:$0x1] =	stream.linear.gather [hbm4b:s4+s3], $0x3E8, $0x38;
	[tilespmem:$0xACD0] =	vst v63  }
0x1cd: {  	_ = 	snop  }
0x1ce: {  	[tilespmem:s14], [sflag:$0x1] =	stream.linear.gather [hbm4b:s11+s3], $0x3E80, $0x38;
	[tilespmem:$0xACD0] =	vst v63  }
0x1cf: {  	_ = 	snop  }
0x1d0: {  	[spmem:s2] =	stream.indirect.scatter.add.f32 [tilespmem:s17], [sflag:$0x2], $0x10, s3, s13, $0xb8;
	[tilespmem:$0xACD0] =	vst v63  }
0x1d1: {  	_ =	swait.ge [sflag:s9], $0x3E80  }
0x1d2: {  	[sflag:s9] =	ssyncset.done $0x0  }
0x1d3: {  	[sflag:s9] =	ssyncadd.s32 $0xFFFFC180  }
0x1d4: {  	_ =	swait.ge [sflag:s12], $0x3E8  }
0x1d5: {  	[sflag:s12] =	ssyncset.done $0x0  }
0x1d6: {  	[sflag:s12] =	ssyncadd.s32 $0xFFFFFC18  }
0x1d7: {  	_ =	swait.ge [sflag:s12], $0x3E80  }
0x1d8: {  	[sflag:s12] =	ssyncset.done $0x0  }
0x1d9: {  	[sflag:s12] =	ssyncadd.s32 $0xFFFFC180  }
0x1da: {  	[spmem:s2] =	stream.indirect.scatter.add.f32 [tilespmem:s14], [sflag:$0x2], $0x10, s13, s13, $0xb8;
	[tilespmem:$0xACD0] =	vst v63  }
0x1db: {  	_ =	swait.ge [sflag:s9], $0x3E80  }
0x1dc: {  	[sflag:s9] =	ssyncset.done $0x0  }
0x1dd: {  	[sflag:s9] =	ssyncadd.s32 $0xFFFFC180  }
0x1de: {  	[bflag:$0x0] =	sbarrier.arrive $0xFFFF  }
0x1df: {  	[hbm:s7], [sflag:s5] =	dma.local [spmem:s8], $0x500  }
0x1e0: {  	_ =	swait.ge [sflag:s9], $0x500  }
0x1e1: {  	[sflag:s9] =	ssyncset.done $0x0  }
0x1e2: {  	[sflag:s9] =	ssyncadd.s32 $0xFFFFFB00  }
0x1e3: {  	_ =	sfence.sel $0x180000  }
0x1e4: {  	[bflag:$0x0] =	sbarrier.arrive $0xFFFF  }
0x1e5: {  	_ =	strace $0x9000004A  }
0x1e6: {  	s31 =	stileid.u32;
	[bflag:$0x2] =	sbarrier.arrive $0xFFFF  }
0x1e7: {  	p0 =	sne.s32 s31, $0x0;
	s0 =	rddreg [dreg:$0x2]  }
0x1e8: {  	s0 =	sadd.s32 @!p0 $0x100000, s0  }
0x1e9: {  	[sflag:s0] =	ssyncadd.tile.s32 @!p0 $0x1;
	_ =	shalt  }
.Lfunc_end2:
_tile_overlayer_lowered:
.L_overlay_start_2:
0x1ea: {  	(tag) =	ssettag $0x2  }
0x1eb: {  	s0 =	rddreg [dreg:$0x0];
	s2 =	stileid.u32  }
0x1ec: {  	s1 =	rddreg [dreg:$0x1];
	p0 =	sne.s32 s2, $0x0  }
0x1ed: {  	s3 =	rddreg [dreg:$0x2];
	[bflag:$0x3] =	sbarrier.arrive $0xFFFF;
	s2 =	simm.s32 @!p0 $0x1C02  }
0x1ee: {  	[timem:s3], [sflag:s2] =	dma.local @!p0 [hbm:s0], s1  }
0x1ef: {  	s0 =	simm.s32 @!p0 $0x2  }
0x1f0: {  	_ =	swait.ge @!p0 [sflag:s0], s1  }
0x1f1: {  	s1 =	ssub.s32 @!p0 $0x0, s1;
	[sflag:s0] =	ssyncset.done @!p0 $0x0  }
0x1f2: {  	[sflag:s0] =	ssyncadd.s32 @!p0 s1  }
0x1f3: {  	[bflag:$0x3] =	sbarrier.arrive $0xFFFF  }
0x1f4: {  	_ =	shalt  }

// kernel: kernel.7.cloned.1.call-start
scs
__scs_entry_jumppad:
0x0: {  	(pc) =	sbr.rel $0x88, $3  }
0x1: {  	(tag) =	ssettag $0x0;
	lr =	simm.s32 $0x1  }
0x2: {  	[smem:$0x3F94] =	sst lr;
	_ =	strace $0xD0000000  }
0x3: {  	_ = 	snop  }
0x4: {  	_ = 	snop  }
0x5: {  	_ = 	snop  }
0x6: {  	_ = 	snop  }
0x7: {  	_ = 	snop  }
__scs_overlays_trampoline_lowered:
0x8: {  	[smem:$0x3FA3] =	sst s0  }
0x9: {  	[smem:$0x3FA4] =	sst s1  }
0xa: {  	[smem:$0x3FA5] =	sst s2  }
0xb: {  	[smem:$0x3FA6] =	sst s3  }
0xc: {  	[smem:$0x3FA7] =	sst s4  }
0xd: {  	[smem:$0x3FA8] =	sst s5  }
0xe: {  	[smem:$0x3FA9] =	sst s6  }
0xf: {  	[smem:$0x3FAA] =	sst s7  }
0x10: {  	[smem:$0x3FAB] =	sst s8  }
0x11: {  	[smem:$0x3FAC] =	sst s9;
	s0 =	simm.s32 @!p0 $0x0  }
0x12: {  	s1 =	sld [smem:$0x3F92];
	s0 =	simm.s32 @p0 $0x1  }
0x13: {  	[smem:$0x3FAD] =	sst s0;
	s0 =	simm.s32 @!p1 $0x0  }
0x14: {  	s2 =	sld [smem:$0x3F91];
	s0 =	simm.s32 @p1 $0x1  }
0x15: {  	[smem:$0x3FAE] =	sst s0;
	s0 =	simm.s32 @!p2 $0x0  }
0x16: {  	s3 =	sld [smem:$0x3FDB];
	s0 =	simm.s32 @p2 $0x1  }
0x17: {  	s4 =	simm.s32 $0x1BF5;
	[smem:$0x3FB0] =	sst s0  }
0x18: {  	s0 =	sld [smem:$0x3F93];
	_ =	swait.ge [sflag:s4], $0x0  }
0x19: {  	s7 =	sld [smem:$0x3F94]  }
0x1a: {  	s8 =	sadd.s32 $0xFFFFE003, lr  }
0x1b: {  	s9 =	sadd.s32 $0xFFFFFEF7, lr;
	s5 =	simm.s32 $0xFFFFFFFF;
	p2 =	slt.u32 s8, $0xFFFFF086  }
0x1c: {  	p1 =	slt.u32 s9, $0xF7A;
	s5 =	simm.s32 @!p2 $0x0  }
0x1d: {  	s5 =	simm.s32 @p1 $0x1;
	p0 =	seq.s32 s7, s2  }
0x1e: {  	s7 =	smul.u32 @!p0 $0xF7A, s2;
	p2 =	seq.s32 @!p0 s5, $0x0  }
0x1f: {  	s9 =	smul.u32 $0xF7A, s1;
	s8 =	simm.s32 @!p0 $0x1BF5;
	p2 =	por !p2, p0  }
0x20: {  	[sflag:s8] =	ssyncset.s32 @!p0 $0xFFFFF086;
	s6 =	sadd.s32 @!p0 s3, s7;
	s7 =	simm.s32 @!p0 $0x108  }
0x21: {  	s3 =	sadd.s32 s3, s9;
	s6 =	sadd.s32 @!p0 $0x88, s6;
	s7 =	simm.s32 @p2 $0x1082  }
0x22: {  	[simem:s7], [sflag:s8] =	dma.local @!p0 [hbm:s6], $0xF7A  }
0x23: {  	s9 =	sor.u32 $0xD0000000, s2;
	s6 =	simm.s32 $0x108;
	_ =	swait.ge @!p0 [sflag:s8], $0x0  }
0x24: {  	s3 =	sadd.s32 $0x88, s3;
	s6 =	simm.s32 @!p1 $0x1082;
	[sflag:s4] =	ssyncset.s32 $0xFFFFF086  }
0x25: {  	[simem:s6], [sflag:s4] =	dma.local [hbm:s3], $0xF7A  }
0x26: {  	[smem:$0x3F94] =	sst s1;
	(tag) =	ssettag s2;
	_ =	strace s9  }
0x27: {  	s1 =	sld [smem:$0x3FA4]  }
0x28: {  	s2 =	sld [smem:$0x3FA5]  }
0x29: {  	s4 =	sld [smem:$0x3FA7]  }
0x2a: {  	p0 =	seq.s32 s5, $0x0;
	s5 =	sld [smem:$0x3FA8]  }
0x2b: {  	s6 =	sld [smem:$0x3FA9]  }
0x2c: {  	s7 =	sld [smem:$0x3FAA]  }
0x2d: {  	s3 =	simm.s32 $0x108;
	s8 =	sld [smem:$0x3FAB]  }
0x2e: {  	s3 =	simm.s32 @!p0 $0x1082;
	s9 =	sld [smem:$0x3FAC]  }
0x2f: {  	lr =	sadd.s32 s0, s3;
	s0 =	sld [smem:$0x3FA3]  }
0x30: {  	s3 =	sld [smem:$0x3FA6]  }
0x31: {  	[smem:$0x3FAF] =	sst s10  }
0x32: {  	s10 =	sld [smem:$0x3FAD];
	_ =	sdelay $0x3  }
0x33: {  	p0 =	seq.s32 s10, $0x1;
	s10 =	sld [smem:$0x3FAF];
	_ =	sdelay $0x3  }
0x34: {  	[smem:$0x3FAF] =	sst s10  }
0x35: {  	s10 =	sld [smem:$0x3FAE];
	_ =	sdelay $0x3  }
0x36: {  	p1 =	seq.s32 s10, $0x1;
	s10 =	sld [smem:$0x3FAF];
	_ =	sdelay $0x3  }
0x37: {  	[smem:$0x3FAF] =	sst s10  }
0x38: {  	s10 =	sld [smem:$0x3FB0]  }
0x39: {  	_ = 	snop;
	(pc) =	sbr.ind lr, $3  }
0x3a: {  	_ = 	snop  }
0x3b: {  	_ = 	snop  }
0x3c: {  	p2 =	seq.s32 s10, $0x1;
	s10 =	sld [smem:$0x3FAF]  }
0x3d: {  	_ =	shalt  }
0x3e: {  	_ =	shalt  }
0x3f: {  	_ =	shalt  }
0x40: {  	_ =	shalt  }
0x41: {  	_ =	shalt  }
0x42: {  	_ =	shalt  }
0x43: {  	_ =	shalt  }
0x44: {  	_ =	shalt  }
0x45: {  	_ =	shalt  }
0x46: {  	_ =	shalt  }
0x47: {  	_ =	shalt  }
0x48: {  	_ =	shalt  }
0x49: {  	_ =	shalt  }
0x4a: {  	_ =	shalt  }
0x4b: {  	_ =	shalt  }
0x4c: {  	_ =	shalt  }
0x4d: {  	_ =	shalt  }
0x4e: {  	_ =	shalt  }
0x4f: {  	_ =	shalt  }
0x50: {  	_ =	shalt  }
0x51: {  	_ =	shalt  }
0x52: {  	_ =	shalt  }
0x53: {  	_ =	shalt  }
0x54: {  	_ =	shalt  }
0x55: {  	_ =	shalt  }
0x56: {  	_ =	shalt  }
0x57: {  	_ =	shalt  }
0x58: {  	_ =	shalt  }
0x59: {  	_ =	shalt  }
0x5a: {  	_ =	shalt  }
0x5b: {  	_ =	shalt  }
0x5c: {  	_ =	shalt  }
0x5d: {  	_ =	shalt  }
0x5e: {  	_ =	shalt  }
0x5f: {  	_ =	shalt  }
0x60: {  	_ =	shalt  }
0x61: {  	_ =	shalt  }
0x62: {  	_ =	shalt  }
0x63: {  	_ =	shalt  }
0x64: {  	_ =	shalt  }
0x65: {  	_ =	shalt  }
0x66: {  	_ =	shalt  }
0x67: {  	_ =	shalt  }
0x68: {  	_ =	shalt  }
0x69: {  	_ =	shalt  }
0x6a: {  	_ =	shalt  }
0x6b: {  	_ =	shalt  }
0x6c: {  	_ =	shalt  }
0x6d: {  	_ =	shalt  }
0x6e: {  	_ =	shalt  }
0x6f: {  	_ =	shalt  }
0x70: {  	_ =	shalt  }
0x71: {  	_ =	shalt  }
0x72: {  	_ =	shalt  }
0x73: {  	_ =	shalt  }
0x74: {  	_ =	shalt  }
0x75: {  	_ =	shalt  }
0x76: {  	_ =	shalt  }
0x77: {  	_ =	shalt  }
0x78: {  	_ =	shalt  }
0x79: {  	_ =	shalt  }
0x7a: {  	_ =	shalt  }
0x7b: {  	_ =	shalt  }
0x7c: {  	_ =	shalt  }
0x7d: {  	_ =	shalt  }
0x7e: {  	_ =	shalt  }
0x7f: {  	_ =	shalt  }
0x80: {  	_ =	shalt  }
0x81: {  	_ =	shalt  }
0x82: {  	_ =	shalt  }
0x83: {  	_ =	shalt  }
0x84: {  	_ =	shalt  }
0x85: {  	_ =	shalt  }
0x86: {  	_ =	shalt  }
0x87: {  	_ =	shalt  }
.Lfunc_end0:
.L_simem_size_0:
called_computation_lowered:
.L_overlay_start_0:
0x88: {  	s2 =	sld [smem:$0x3FD9]  }
0x89: {  	s3 =	sld [smem:$0x3FFE];
	_ =	sdelay $0x1  }
0x8a: {  	s1 =	srdreg.scid  }
0x8b: {  	s0 =	sand.u32 $0x1, s1  }
0x8c: {  	s14 =	sshll.u32 s0, $0xA;
	s2 =	sadd.s32 s3, s2  }
0x8d: {  	s2 =	sadd.s32 s2, s14  }
0x8e: {  	[smem:$0x3FBB] =	sst s2  }
0x8f: {  	_ = 	snop  }
0x90: {  	s2 =	sld [smem:$0x3FD0];
	_ =	sdelay $0x2  }
0x91: {  	s15 =	simm.s32 $0xA;
	s4 =	simm.s32 $0x10  }
0x92: {  	[smem:s4], [sflag:s15] =	dma.local [hbm:s2], $0x1  }
0x93: {  	_ =	swait.eq [sflag:s15], $0x1  }
0x94: {  	[sflag:s15] =	ssyncset.done $0x0  }
0x95: {  	s16 =	sld [smem:$0x10];
	[sflag:s15] =	ssyncadd.s32 $0xFFFFFFFF  }
0x96: {  	s17 =	sld [smem:$0x11];
	(tm) =	ssettm $0x1  }
0x97: {  	s18 =	sld [smem:$0x3FFB];
	_ =	sdelay $0x3  }
0x98: {  	_ =	strace s18  }
0x99: {  	s4 =	sld [smem:$0x3FFC];
	_ =	sdelay $0x3  }
0x9a: {  	_ =	strace s4  }
0x9b: {  	s4 =	sld [smem:$0x3FFD];
	_ =	sdelay $0x3  }
0x9c: {  	_ =	strace s4  }
0x9d: {  	_ =	strace $0x8FFFFFFF  }
0x9e: {  	s19 =	sld [smem:$0x3FDB];
	_ =	sdelay $0x1  }
0x9f: {  	s5 =	simm.s32 $_scs_section_size  }
0xa0: {  	s6 =	simm.s32 $_size__tile_overlayer_lowered;
	s7 =	simm.s32 $_tile_overlayer_lowered  }
0xa1: {  	s22 =	simm.s32 $0x1BFF;
	s21 =	sshll.u32 s7, $0x1;
	s4 =	sadd.s32 s5, s19  }
0xa2: {  	s8 =	simm.s32 $0x0;
	s20 =	sshll.u32 s6, $0x1;
	s6 =	sadd.s32 s21, s4  }
0xa3: {  	[timem:s8], [sflag:s22] =	dma.local [hbm:s6], s20  }
0xa4: {  	_ =	swait.ge [sflag:s22], s20  }
0xa5: {  	s5 =	ssub.s32 $0x0, s20;
	[sflag:s22] =	ssyncset.done $0x0  }
0xa6: {  	[sflag:s22] =	ssyncadd.s32 s5;
	_ =	sdelay $0x1  }
0xa7: {  	s23 =	simm.s32 $0x1B8B  }
0xa8: {  	_ =	swait.ge [sflag:s23], $0x1  }
0xa9: {  	[sflag:s23] =	ssyncset.done $0x0  }
0xaa: {  	s25 =	simm.s32 $0x1B8E;
	s24 =	sld [smem:$0x3FFE];
	[sflag:s23] =	ssyncadd.s32 $0xFFFFFFFF  }
0xab: {  	s26 =	simm.s32 $execute0_lowered;
	[smem:$0x3FD2] =	sst s25  }
0xac: {  	s6 =	sshll.u32 s26, $0x1;
	_ =	strace $0x80000046;
	[dreg:$0x1] =	wrdreg $0xFFFFFFFF  }
0xad: {  	s28 =	simm.s32 $_size_execute0_lowered;
	s4 =	sadd.s32 s4, s6;
	[dreg:$0x0] =	wrdreg $0x0  }
0xae: {  	s6 =	sshll.u32 s28, $0x1;
	[dreg:$0x2] =	wrdreg s4  }
0xaf: {  	[dreg:$0x3] =	wrdreg s6  }
0xb0: {  	[dreg:$0x4] =	wrdreg $0xC0  }
0xb1: {  	_ =	task [dreg:s8], $0x5FFFF  }
0xb2: {  	[dreg:$0x1] =	wrdreg $0xFFFFFFFF  }
0xb3: {  	[dreg:$0x0] =	wrdreg $0x60  }
0xb4: {  	[dreg:$0x2] =	wrdreg s16  }
0xb5: {  	[dreg:$0x3] =	wrdreg s24  }
0xb6: {  	[dreg:$0x4] =	wrdreg s17  }
0xb7: {  	[dreg:$0x5] =	wrdreg $0x9  }
0xb8: {  	_ =	task.clear_ibuf [dreg:s8], $0x6FFFF;
	_ =	strace $0x90000046  }
0xb9: {  	s29 =	simm.s32 $0x9;
	_ =	strace $0x80000048  }
0xba: {  	_ =	swait.ge [sflag:s29], $0x1  }
0xbb: {  	[sflag:s29] =	ssyncadd.s32 $0xFFFFFFFF  }
0xbc: {  	_ =	strace $0x90000048  }
0xbd: {  	_ =	sfence  }
0xbe: {  	s30 =	sld [smem:$0x0];
	_ =	sdelay $0x2  }
0xbf: {  	s31 =	sshll.u32 s1, $0xD;
	s1 =	sshrl.u32 s1, $0x2  }
0xc0: {  	s3 =	sand.u32 $0x4000, s31;
	s1 =	sadd.s32 s1, s30  }
0xc1: {  	s0 =	sor.u32 s3, s0;
	s1 =	sshll.u32 s1, $0x11  }
0xc2: {  	s0 =	sor.u32 s1, s0  }
0xc3: {  	s0 =	sadd.s32 $0x8F2B, s0  }
0xc4: {  	[sflag:s0] =	ssyncadd.remote.s32 $0x1  }
0xc5: {  	_ =	sfence.sel $0xFFFF  }
0xc6: {  	[dreg:$0x0] =	wrdreg $0xFFFFFFFF;
	(pc) =	sbr.abs _section_cstart, $3  }
0xc7: {  	[dreg:$0x1] =	wrdreg $0xFFFFFFFF  }
0xc8: {  	_ =	task.clear_ibuf [dreg:s8], $0x2FFFF;
	_ =	strace $0x9FFFFFFF  }
0xc9: {  	(tm) =	ssettm $0x7FFFFFFF  }
tec
execute0_lowered:
.L_overlay_start_1:
0x0: {  	(tag) =	ssettag $0x1  }
0x1: {  	s31 =	rddreg [dreg:$0x0]  }
0x2: {  	s0 =	srdreg.scid;
	s1 =	stileid.u32  }
0x3: {  	s7 =	rddreg [dreg:$0x1];
	s0 =	sand.u32 $0x1, s0;
	s2 =	sshll.u32 s1, $0x1  }
0x4: {  	p0 =	por $0x0, $0x0;
	s1 =	rddreg [dreg:$0x2];
	s8 =	sor.u32 s0, s2  }
0x5: {  	s5 =	sadd.s32 $0x2C00, s7;
	s2 =	simm.s32 $0x0;
	s6 =	smul.u32 $0x2710, s8  }
0x6: {  	s3 =	sadd.s32 $0xCA00, s7;
	[smem:$0x7FF] =	sst s2;
	s8 =	smul.u32 $0x4E20, s8  }
0x7: {  	s0 =	ssub.s32 $0x2, s0;
	_ =	strace $0x80000047;
	s9 =	sshrl.u32 s6, $0x3  }
0x8: {  	s11 =	sadd.s32 $0x3E8, s6;
	s26 =	sadd.s32 s3, s8;
	s4 =	sadd.s32 $0x7D0, s6  }
0x9: {  	s17 =	sadd.s32 $0xBB8, s6;
	s10 =	sadd.s32 s5, s9;
	[dreg:$0x8] =	wrdreg s26  }
0xa: {  	s9 =	sadd.s32 s1, s9;
	s24 =	sshrl.u32 s11, $0x3;
	[dreg:$0x4] =	wrdreg s10  }
0xb: {  	s15 =	sshll.u32 s11, $0x1;
	[dreg:$0x5] =	wrdreg s9;
	s12 =	sadd.s32 s5, s24  }
0xc: {  	s19 =	sshrl.u32 s17, $0x3;
	s25 =	sadd.s32 s1, s24;
	[dreg:$0x6] =	wrdreg s12  }
0xd: {  	s22 =	sshll.u32 s4, $0x1;
	s16 =	sadd.s32 s3, s15;
	[dreg:$0x7] =	wrdreg s25  }
0xe: {  	s11 =	sshll.u32 s17, $0x1;
	s20 =	sadd.s32 s5, s19;
	[dreg:$0xc] =	wrdreg s16  }
0xf: {  	s9 =	sadd.s32 $0xA8E00, s7;
	s21 =	sadd.s32 s1, s19;
	[dreg:$0xe] =	wrdreg s20  }
0x10: {  	s23 =	sadd.s32 s3, s22;
	s24 =	sadd.s32 $0xFA0, s6;
	[dreg:$0xf] =	wrdreg s21  }
0x11: {  	s10 =	simm.s32 $0xCB20;
	s8 =	sadd.s32 s9, s8;
	[dreg:$0x10] =	wrdreg s23  }
0x12: {  	s12 =	sshrl.u32 s4, $0x3;
	s18 =	sadd.s32 s9, s15;
	[dreg:$0x9] =	wrdreg s8  }
0x13: {  	s25 =	sadd.s32 s9, s22;
	s26 =	sshrl.u32 s24, $0x3;
	[dreg:$0xd] =	wrdreg s18  }
0x14: {  	s20 =	sadd.s32 $0x1770, s6;
	s13 =	sadd.s32 s5, s12;
	[dreg:$0x11] =	wrdreg s25  }
0x15: {  	s23 =	sshrl.u32 s0, $0x1;
	s14 =	sadd.s32 s1, s12;
	[dreg:$0xa] =	wrdreg s13  }
0x16: {  	s4 =	sadd.s32 s5, s26;
	s8 =	sadd.s32 s1, s26;
	[dreg:$0xb] =	wrdreg s14  }
0x17: {  	s12 =	sadd.s32 s3, s11;
	s18 =	sshll.u32 s24, $0x1;
	[dreg:$0x12] =	wrdreg s4  }
0x18: {  	s22 =	sshrl.u32 s20, $0x3;
	s0 =	ssub.s32 s0, s23;
	[dreg:$0x13] =	wrdreg s8  }
0x19: {  	s25 =	sadd.s32 $0x1B58, s6;
	s13 =	sadd.s32 $0x1388, s6;
	[dreg:$0x14] =	wrdreg s12  }
0x1a: {  	s14 =	sadd.s32 s9, s11;
	s19 =	sadd.s32 s3, s18;
	s21 =	sadd.s32 s9, s18  }
0x1b: {  	s24 =	sadd.s32 s5, s22;
	s4 =	sadd.s32 s1, s22;
	[dreg:$0x15] =	wrdreg s14  }
0x1c: {  	s7 =	sshll.u32 s25, $0x1;
	s0 =	smax.u32 s0, $0x1;
	[dreg:$0x18] =	wrdreg s19  }
0x1d: {  	s11 =	simm.s32 $0xFA0;
	s15 =	sshrl.u32 s13, $0x3;
	[dreg:$0x19] =	wrdreg s21  }
0x1e: {  	[dreg:$0x1a] =	wrdreg s24;
	s12 =	sshll.u32 s13, $0x1;
	s13 =	sshrl.u32 s25, $0x3  }
0x1f: {  	s14 =	sshll.u32 s20, $0x1;
	s19 =	sadd.s32 s9, s7;
	p1 =	sne.s32 s0, $0x1  }
0x20: {  	s16 =	sadd.s32 s5, s15;
	s17 =	sadd.s32 s1, s15;
	s29 =	sadd.s32 s3, s12  }
0x21: {  	s30 =	sadd.s32 s9, s12;
	s28 =	sadd.s32 s5, s13;
	s26 =	sadd.s32 s1, s13  }
0x22: {  	s15 =	sadd.s32 $0x1F40, s6;
	s23 =	sadd.s32 s3, s14;
	s24 =	sadd.s32 s9, s14  }
0x23: {  	s6 =	sadd.s32 $0x2328, s6;
	s14 =	simm.s32 $0x8CA0;
	[dreg:$0x16] =	wrdreg s16  }
0x24: {  	s12 =	simm.s32 $0x1;
	[dreg:$0x17] =	wrdreg s17;
	s16 =	sshrl.u32 s15, $0x3  }
0x25: {  	s17 =	sadd.s32 s3, s7;
	s18 =	sshrl.u32 s6, $0x3;
	s20 =	sshll.u32 s15, $0x1  }
0x26: {  	s25 =	sshll.u32 s6, $0x1;
	s6 =	simm.s32 $0x2;
	s22 =	sadd.s32 s5, s16  }
0x27: {  	s21 =	sadd.s32 s1, s16;
	[dreg:$0x1e] =	wrdreg s17;
	s5 =	sadd.s32 s5, s18  }
.Ltmp0:
0x28: {  	s1 =	sadd.s32 s1, s18;
	s8 =	sadd.s32 s3, s20;
	(pc) =	sbr.rel @!p1 .LBB2_3-.Ltmp0, $4  }
0x29: {  	s15 =	sadd.s32 s9, s20;
	s18 =	sadd.s32 s9, s25;
	s16 =	simm.s32 $0x3  }
0x2a: {  	s17 =	simm.s32 $0x3E8;
	s20 =	simm.s32 $0xBB8;
	[dreg:$0x1d] =	wrdreg s5  }
0x2b: {  	s9 =	simm.s32 $0x4E20;
	[dreg:$0x1c] =	wrdreg s1;
	s5 =	sadd.s32 s3, s25  }
0x2c: {  	s25 =	simm.s32 $0x7D0;
	s3 =	sadd.s32 $0xFFFFFFFF, s0;
	s0 =	rddreg [dreg:$0x4]  }
0x2d: {  	[tilespmem:s2], [sflag:$0x3] =	stream.linear.gather [hbm4b:s0+s2], $0x3E8, $0x38;
	[tilespmem:$0x109A0] =	vst v63  }
0x2e: {  	_ =	swait.ge [sflag:s16], $0x3E8  }
0x2f: {  	[sflag:s16] =	ssyncset.done $0x0  }
0x30: {  	s7 =	rddreg [dreg:$0x5];
	[sflag:s16] =	ssyncadd.s32 $0xFFFFFC18  }
0x31: {  	[tilespmem:s25], [sflag:$0x3] =	stream.linear.gather [hbm4b:s7+s2], $0x3E8, $0x38;
	[tilespmem:$0x109A0] =	vst v63  }
0x32: {  	_ =	swait.ge [sflag:s16], $0x3E8  }
0x33: {  	[sflag:s16] =	ssyncset.done $0x0  }
0x34: {  	[sflag:s16] =	ssyncadd.s32 $0xFFFFFC18  }
0x35: {  	[tilespmem:s11], [sflag:$0x1] =	stream.indirect.gather [hbm4b:s31+s17], $0x10, s2, s17, $0xb8;
	[tilespmem:$0x109A0] =	vst v63  }
0x36: {  	_ = 	snop  }
0x37: {  	[tilespmem:s14], [sflag:$0x1] =	stream.indirect.gather [hbm4b:s31+s17], $0x10, s25, s17, $0xb8;
	[tilespmem:$0x109A0] =	vst v63  }
0x38: {  	s13 =	rddreg [dreg:$0x6]  }
0x39: {  	[tilespmem:s17], [sflag:$0x3] =	stream.linear.gather [hbm4b:s13+s2], $0x3E8, $0x38;
	[tilespmem:$0x109A0] =	vst v63  }
0x3a: {  	_ =	swait.ge [sflag:s16], $0x3E8  }
0x3b: {  	[sflag:s16] =	ssyncset.done $0x0  }
0x3c: {  	s1 =	rddreg [dreg:$0x7];
	[sflag:s16] =	ssyncadd.s32 $0xFFFFFC18  }
0x3d: {  	[tilespmem:s20], [sflag:$0x3] =	stream.linear.gather [hbm4b:s1+s2], $0x3E8, $0x38;
	[tilespmem:$0x109A0] =	vst v63  }
0x3e: {  	_ =	swait.ge [sflag:s16], $0x3E8  }
0x3f: {  	[sflag:s16] =	ssyncset.done $0x0  }
0x40: {  	[sflag:s16] =	ssyncadd.s32 $0xFFFFFC18  }
0x41: {  	[tilespmem:s9], [sflag:$0x1] =	stream.indirect.gather [hbm4b:s31+s17], $0x10, s17, s17, $0xb8;
	[tilespmem:$0x109A0] =	vst v63  }
0x42: {  	_ = 	snop  }
0x43: {  	[tilespmem:s10], [sflag:$0x1] =	stream.indirect.gather [hbm4b:s31+s17], $0x10, s20, s17, $0xb8;
	[tilespmem:$0x109A0] =	vst v63  }
0x44: {  	_ =	swait.ge [sflag:s12], $0x3E80  }
0x45: {  	[sflag:s12] =	ssyncset.done $0x0  }
0x46: {  	[sflag:s12] =	ssyncadd.s32 $0xFFFFC180  }
0x47: {  	_ =	swait.ge [sflag:s12], $0x3E80  }
0x48: {  	[sflag:s12] =	ssyncset.done $0x0  }
0x49: {  	s7 =	rddreg [dreg:$0x8];
	[sflag:s12] =	ssyncadd.s32 $0xFFFFC180  }
0x4a: {  	[hbm4b:s7+s2] =	stream.linear.scatter [tilespmem:s11], [sflag:$0x2], $0x3E80, $0x38;
	[tilespmem:$0x109A0] =	vst v63  }
0x4b: {  	s1 =	rddreg [dreg:$0x9]  }
0x4c: {  	[hbm4b:s1+s2] =	stream.linear.scatter [tilespmem:s14], [sflag:$0x2], $0x3E80, $0x38;
	[tilespmem:$0x109A0] =	vst v63  }
0x4d: {  	_ =	swait.ge [sflag:s6], $0x3E80  }
0x4e: {  	[sflag:s6] =	ssyncset.done $0x0  }
0x4f: {  	[sflag:s6] =	ssyncadd.s32 $0xFFFFC180  }
0x50: {  	_ =	swait.ge [sflag:s6], $0x3E80  }
0x51: {  	[sflag:s6] =	ssyncset.done $0x0  }
0x52: {  	s13 =	rddreg [dreg:$0xa];
	[sflag:s6] =	ssyncadd.s32 $0xFFFFC180  }
0x53: {  	[tilespmem:s2], [sflag:$0x3] =	stream.linear.gather [hbm4b:s13+s2], $0x3E8, $0x38;
	[tilespmem:$0x109A0] =	vst v63  }
0x54: {  	_ =	swait.ge [sflag:s16], $0x3E8  }
0x55: {  	[sflag:s16] =	ssyncset.done $0x0  }
0x56: {  	s1 =	rddreg [dreg:$0xb];
	[sflag:s16] =	ssyncadd.s32 $0xFFFFFC18  }
0x57: {  	[tilespmem:s25], [sflag:$0x3] =	stream.linear.gather [hbm4b:s1+s2], $0x3E8, $0x38;
	[tilespmem:$0x109A0] =	vst v63  }
0x58: {  	_ =	swait.ge [sflag:s16], $0x3E8  }
0x59: {  	[sflag:s16] =	ssyncset.done $0x0  }
0x5a: {  	[sflag:s16] =	ssyncadd.s32 $0xFFFFFC18  }
0x5b: {  	[tilespmem:s11], [sflag:$0x1] =	stream.indirect.gather [hbm4b:s31+s17], $0x10, s2, s17, $0xb8;
	[tilespmem:$0x109A0] =	vst v63  }
0x5c: {  	_ = 	snop  }
0x5d: {  	[tilespmem:s14], [sflag:$0x1] =	stream.indirect.gather [hbm4b:s31+s17], $0x10, s25, s17, $0xb8;
	[tilespmem:$0x109A0] =	vst v63  }
0x5e: {  	_ =	swait.ge [sflag:s12], $0x3E80  }
0x5f: {  	[sflag:s12] =	ssyncset.done $0x0  }
0x60: {  	[sflag:s12] =	ssyncadd.s32 $0xFFFFC180  }
0x61: {  	_ =	swait.ge [sflag:s12], $0x3E80  }
0x62: {  	[sflag:s12] =	ssyncset.done $0x0  }
0x63: {  	s7 =	rddreg [dreg:$0xc];
	[sflag:s12] =	ssyncadd.s32 $0xFFFFC180  }
0x64: {  	[hbm4b:s7+s2] =	stream.linear.scatter [tilespmem:s9], [sflag:$0x2], $0x3E80, $0x38;
	[tilespmem:$0x109A0] =	vst v63  }
0x65: {  	s13 =	rddreg [dreg:$0xd]  }
0x66: {  	[hbm4b:s13+s2] =	stream.linear.scatter [tilespmem:s10], [sflag:$0x2], $0x3E80, $0x38;
	[tilespmem:$0x109A0] =	vst v63  }
0x67: {  	_ =	swait.ge [sflag:s6], $0x3E80  }
0x68: {  	[sflag:s6] =	ssyncset.done $0x0  }
0x69: {  	[sflag:s6] =	ssyncadd.s32 $0xFFFFC180  }
0x6a: {  	_ =	swait.ge [sflag:s6], $0x3E80  }
0x6b: {  	[sflag:s6] =	ssyncset.done $0x0  }
0x6c: {  	s7 =	rddreg [dreg:$0xe];
	[sflag:s6] =	ssyncadd.s32 $0xFFFFC180  }
0x6d: {  	[tilespmem:s17], [sflag:$0x3] =	stream.linear.gather [hbm4b:s7+s2], $0x3E8, $0x38;
	[tilespmem:$0x109A0] =	vst v63  }
0x6e: {  	_ =	swait.ge [sflag:s16], $0x3E8  }
0x6f: {  	[sflag:s16] =	ssyncset.done $0x0  }
0x70: {  	s13 =	rddreg [dreg:$0xf];
	[sflag:s16] =	ssyncadd.s32 $0xFFFFFC18  }
0x71: {  	[tilespmem:s20], [sflag:$0x3] =	stream.linear.gather [hbm4b:s13+s2], $0x3E8, $0x38;
	[tilespmem:$0x109A0] =	vst v63  }
0x72: {  	_ =	swait.ge [sflag:s16], $0x3E8  }
0x73: {  	[sflag:s16] =	ssyncset.done $0x0  }
0x74: {  	[sflag:s16] =	ssyncadd.s32 $0xFFFFFC18  }
0x75: {  	[tilespmem:s9], [sflag:$0x1] =	stream.indirect.gather [hbm4b:s31+s17], $0x10, s17, s17, $0xb8;
	[tilespmem:$0x109A0] =	vst v63  }
0x76: {  	_ = 	snop  }
0x77: {  	[tilespmem:s10], [sflag:$0x1] =	stream.indirect.gather [hbm4b:s31+s17], $0x10, s20, s17, $0xb8;
	[tilespmem:$0x109A0] =	vst v63  }
0x78: {  	_ =	swait.ge [sflag:s12], $0x3E80  }
0x79: {  	[sflag:s12] =	ssyncset.done $0x0  }
0x7a: {  	[sflag:s12] =	ssyncadd.s32 $0xFFFFC180  }
0x7b: {  	_ =	swait.ge [sflag:s12], $0x3E80  }
0x7c: {  	[sflag:s12] =	ssyncset.done $0x0  }
0x7d: {  	s1 =	rddreg [dreg:$0x10];
	[sflag:s12] =	ssyncadd.s32 $0xFFFFC180  }
0x7e: {  	[hbm4b:s1+s2] =	stream.linear.scatter [tilespmem:s11], [sflag:$0x2], $0x3E80, $0x38;
	[tilespmem:$0x109A0] =	vst v63  }
0x7f: {  	s7 =	rddreg [dreg:$0x11]  }
0x80: {  	[hbm4b:s7+s2] =	stream.linear.scatter [tilespmem:s14], [sflag:$0x2], $0x3E80, $0x38;
	[tilespmem:$0x109A0] =	vst v63  }
0x81: {  	_ =	swait.ge [sflag:s6], $0x3E80  }
0x82: {  	[sflag:s6] =	ssyncset.done $0x0  }
0x83: {  	[sflag:s6] =	ssyncadd.s32 $0xFFFFC180  }
0x84: {  	_ =	swait.ge [sflag:s6], $0x3E80  }
0x85: {  	[sflag:s6] =	ssyncset.done $0x0  }
0x86: {  	s13 =	rddreg [dreg:$0x12];
	[sflag:s6] =	ssyncadd.s32 $0xFFFFC180  }
0x87: {  	[tilespmem:s2], [sflag:$0x3] =	stream.linear.gather [hbm4b:s13+s2], $0x3E8, $0x38;
	[tilespmem:$0x109A0] =	vst v63  }
0x88: {  	_ =	swait.ge [sflag:s16], $0x3E8  }
0x89: {  	[sflag:s16] =	ssyncset.done $0x0  }
0x8a: {  	s1 =	rddreg [dreg:$0x13];
	[sflag:s16] =	ssyncadd.s32 $0xFFFFFC18  }
0x8b: {  	[tilespmem:s25], [sflag:$0x3] =	stream.linear.gather [hbm4b:s1+s2], $0x3E8, $0x38;
	[tilespmem:$0x109A0] =	vst v63  }
0x8c: {  	_ =	swait.ge [sflag:s16], $0x3E8  }
0x8d: {  	[sflag:s16] =	ssyncset.done $0x0  }
0x8e: {  	[sflag:s16] =	ssyncadd.s32 $0xFFFFFC18  }
0x8f: {  	[tilespmem:s11], [sflag:$0x1] =	stream.indirect.gather [hbm4b:s31+s17], $0x10, s2, s17, $0xb8;
	[tilespmem:$0x109A0] =	vst v63  }
0x90: {  	_ = 	snop  }
0x91: {  	[tilespmem:s14], [sflag:$0x1] =	stream.indirect.gather [hbm4b:s31+s17], $0x10, s25, s17, $0xb8;
	[tilespmem:$0x109A0] =	vst v63  }
0x92: {  	_ =	swait.ge [sflag:s12], $0x3E80  }
0x93: {  	[sflag:s12] =	ssyncset.done $0x0  }
0x94: {  	[sflag:s12] =	ssyncadd.s32 $0xFFFFC180  }
0x95: {  	_ =	swait.ge [sflag:s12], $0x3E80  }
0x96: {  	[sflag:s12] =	ssyncset.done $0x0  }
0x97: {  	s7 =	rddreg [dreg:$0x14];
	[sflag:s12] =	ssyncadd.s32 $0xFFFFC180  }
0x98: {  	[hbm4b:s7+s2] =	stream.linear.scatter [tilespmem:s9], [sflag:$0x2], $0x3E80, $0x38;
	[tilespmem:$0x109A0] =	vst v63  }
0x99: {  	s13 =	rddreg [dreg:$0x15]  }
0x9a: {  	[hbm4b:s13+s2] =	stream.linear.scatter [tilespmem:s10], [sflag:$0x2], $0x3E80, $0x38;
	[tilespmem:$0x109A0] =	vst v63  }
0x9b: {  	_ =	swait.ge [sflag:s6], $0x3E80  }
0x9c: {  	[sflag:s6] =	ssyncset.done $0x0  }
0x9d: {  	[sflag:s6] =	ssyncadd.s32 $0xFFFFC180  }
0x9e: {  	_ =	swait.ge [sflag:s6], $0x3E80  }
0x9f: {  	[sflag:s6] =	ssyncset.done $0x0  }
0xa0: {  	s7 =	rddreg [dreg:$0x16];
	[sflag:s6] =	ssyncadd.s32 $0xFFFFC180  }
0xa1: {  	[tilespmem:s17], [sflag:$0x3] =	stream.linear.gather [hbm4b:s7+s2], $0x3E8, $0x38;
	[tilespmem:$0x109A0] =	vst v63  }
0xa2: {  	_ =	swait.ge [sflag:s16], $0x3E8  }
0xa3: {  	[sflag:s16] =	ssyncset.done $0x0  }
0xa4: {  	s13 =	rddreg [dreg:$0x17];
	[sflag:s16] =	ssyncadd.s32 $0xFFFFFC18  }
0xa5: {  	[tilespmem:s20], [sflag:$0x3] =	stream.linear.gather [hbm4b:s13+s2], $0x3E8, $0x38;
	[tilespmem:$0x109A0] =	vst v63  }
0xa6: {  	_ =	swait.ge [sflag:s16], $0x3E8  }
0xa7: {  	[sflag:s16] =	ssyncset.done $0x0  }
0xa8: {  	[sflag:s16] =	ssyncadd.s32 $0xFFFFFC18  }
0xa9: {  	[tilespmem:s9], [sflag:$0x1] =	stream.indirect.gather [hbm4b:s31+s17], $0x10, s17, s17, $0xb8;
	[tilespmem:$0x109A0] =	vst v63  }
0xaa: {  	_ = 	snop  }
0xab: {  	[tilespmem:s10], [sflag:$0x1] =	stream.indirect.gather [hbm4b:s31+s17], $0x10, s20, s17, $0xb8;
	[tilespmem:$0x109A0] =	vst v63  }
0xac: {  	_ =	swait.ge [sflag:s12], $0x3E80  }
0xad: {  	[sflag:s12] =	ssyncset.done $0x0  }
0xae: {  	[sflag:s12] =	ssyncadd.s32 $0xFFFFC180  }
0xaf: {  	_ =	swait.ge [sflag:s12], $0x3E80  }
0xb0: {  	[sflag:s12] =	ssyncset.done $0x0  }
0xb1: {  	s1 =	rddreg [dreg:$0x18];
	[sflag:s12] =	ssyncadd.s32 $0xFFFFC180  }
0xb2: {  	[hbm4b:s1+s2] =	stream.linear.scatter [tilespmem:s11], [sflag:$0x2], $0x3E80, $0x38;
	[tilespmem:$0x109A0] =	vst v63  }
0xb3: {  	s7 =	rddreg [dreg:$0x19]  }
0xb4: {  	[hbm4b:s7+s2] =	stream.linear.scatter [tilespmem:s14], [sflag:$0x2], $0x3E80, $0x38;
	[tilespmem:$0x109A0] =	vst v63  }
0xb5: {  	_ =	swait.ge [sflag:s6], $0x3E80  }
0xb6: {  	[sflag:s6] =	ssyncset.done $0x0  }
0xb7: {  	[sflag:s6] =	ssyncadd.s32 $0xFFFFC180  }
0xb8: {  	_ =	swait.ge [sflag:s6], $0x3E80  }
0xb9: {  	[sflag:s6] =	ssyncset.done $0x0  }
0xba: {  	s13 =	rddreg [dreg:$0x1a];
	[sflag:s6] =	ssyncadd.s32 $0xFFFFC180  }
0xbb: {  	[tilespmem:s2], [sflag:$0x3] =	stream.linear.gather [hbm4b:s13+s2], $0x3E8, $0x38;
	[tilespmem:$0x109A0] =	vst v63  }
0xbc: {  	_ =	swait.ge [sflag:s16], $0x3E8  }
0xbd: {  	[sflag:s16] =	ssyncset.done $0x0  }
0xbe: {  	[sflag:s16] =	ssyncadd.s32 $0xFFFFFC18  }
0xbf: {  	[tilespmem:s25], [sflag:$0x3] =	stream.linear.gather [hbm4b:s4+s2], $0x3E8, $0x38;
	[tilespmem:$0x109A0] =	vst v63  }
0xc0: {  	_ =	swait.ge [sflag:s16], $0x3E8  }
0xc1: {  	[sflag:s16] =	ssyncset.done $0x0  }
0xc2: {  	[sflag:s16] =	ssyncadd.s32 $0xFFFFFC18  }
0xc3: {  	[tilespmem:s11], [sflag:$0x1] =	stream.indirect.gather [hbm4b:s31+s17], $0x10, s2, s17, $0xb8;
	[tilespmem:$0x109A0] =	vst v63  }
0xc4: {  	_ = 	snop  }
0xc5: {  	[tilespmem:s14], [sflag:$0x1] =	stream.indirect.gather [hbm4b:s31+s17], $0x10, s25, s17, $0xb8;
	[tilespmem:$0x109A0] =	vst v63  }
0xc6: {  	_ =	swait.ge [sflag:s12], $0x3E80  }
0xc7: {  	[sflag:s12] =	ssyncset.done $0x0  }
0xc8: {  	[sflag:s12] =	ssyncadd.s32 $0xFFFFC180  }
0xc9: {  	_ =	swait.ge [sflag:s12], $0x3E80  }
0xca: {  	[sflag:s12] =	ssyncset.done $0x0  }
0xcb: {  	[sflag:s12] =	ssyncadd.s32 $0xFFFFC180  }
0xcc: {  	[hbm4b:s29+s2] =	stream.linear.scatter [tilespmem:s9], [sflag:$0x2], $0x3E80, $0x38;
	[tilespmem:$0x109A0] =	vst v63  }
0xcd: {  	_ = 	snop  }
0xce: {  	[hbm4b:s30+s2] =	stream.linear.scatter [tilespmem:s10], [sflag:$0x2], $0x3E80, $0x38;
	[tilespmem:$0x109A0] =	vst v63  }
0xcf: {  	_ =	swait.ge [sflag:s6], $0x3E80  }
0xd0: {  	[sflag:s6] =	ssyncset.done $0x0  }
0xd1: {  	[sflag:s6] =	ssyncadd.s32 $0xFFFFC180  }
0xd2: {  	_ =	swait.ge [sflag:s6], $0x3E80  }
0xd3: {  	[sflag:s6] =	ssyncset.done $0x0  }
0xd4: {  	[sflag:s6] =	ssyncadd.s32 $0xFFFFC180  }
0xd5: {  	[tilespmem:s17], [sflag:$0x3] =	stream.linear.gather [hbm4b:s28+s2], $0x3E8, $0x38;
	[tilespmem:$0x109A0] =	vst v63  }
0xd6: {  	_ =	swait.ge [sflag:s16], $0x3E8  }
0xd7: {  	[sflag:s16] =	ssyncset.done $0x0  }
0xd8: {  	[sflag:s16] =	ssyncadd.s32 $0xFFFFFC18  }
0xd9: {  	[tilespmem:s20], [sflag:$0x3] =	stream.linear.gather [hbm4b:s26+s2], $0x3E8, $0x38;
	[tilespmem:$0x109A0] =	vst v63  }
0xda: {  	_ =	swait.ge [sflag:s16], $0x3E8  }
0xdb: {  	[sflag:s16] =	ssyncset.done $0x0  }
0xdc: {  	[sflag:s16] =	ssyncadd.s32 $0xFFFFFC18  }
0xdd: {  	[tilespmem:s9], [sflag:$0x1] =	stream.indirect.gather [hbm4b:s31+s17], $0x10, s17, s17, $0xb8;
	[tilespmem:$0x109A0] =	vst v63  }
0xde: {  	_ = 	snop  }
0xdf: {  	[tilespmem:s10], [sflag:$0x1] =	stream.indirect.gather [hbm4b:s31+s17], $0x10, s20, s17, $0xb8;
	[tilespmem:$0x109A0] =	vst v63  }
0xe0: {  	_ =	swait.ge [sflag:s12], $0x3E80  }
0xe1: {  	[sflag:s12] =	ssyncset.done $0x0  }
0xe2: {  	[sflag:s12] =	ssyncadd.s32 $0xFFFFC180  }
0xe3: {  	_ =	swait.ge [sflag:s12], $0x3E80  }
0xe4: {  	[sflag:s12] =	ssyncset.done $0x0  }
0xe5: {  	[sflag:s12] =	ssyncadd.s32 $0xFFFFC180  }
0xe6: {  	[hbm4b:s23+s2] =	stream.linear.scatter [tilespmem:s11], [sflag:$0x2], $0x3E80, $0x38;
	[tilespmem:$0x109A0] =	vst v63  }
0xe7: {  	_ = 	snop  }
0xe8: {  	[hbm4b:s24+s2] =	stream.linear.scatter [tilespmem:s14], [sflag:$0x2], $0x3E80, $0x38;
	[tilespmem:$0x109A0] =	vst v63  }
0xe9: {  	_ =	swait.ge [sflag:s6], $0x3E80  }
0xea: {  	[sflag:s6] =	ssyncset.done $0x0  }
0xeb: {  	[sflag:s6] =	ssyncadd.s32 $0xFFFFC180  }
0xec: {  	_ =	swait.ge [sflag:s6], $0x3E80  }
0xed: {  	[sflag:s6] =	ssyncset.done $0x0  }
0xee: {  	[sflag:s6] =	ssyncadd.s32 $0xFFFFC180  }
0xef: {  	[tilespmem:s2], [sflag:$0x3] =	stream.linear.gather [hbm4b:s22+s2], $0x3E8, $0x38;
	[tilespmem:$0x109A0] =	vst v63  }
0xf0: {  	_ =	swait.ge [sflag:s16], $0x3E8  }
0xf1: {  	[sflag:s16] =	ssyncset.done $0x0  }
0xf2: {  	[sflag:s16] =	ssyncadd.s32 $0xFFFFFC18  }
0xf3: {  	[tilespmem:s25], [sflag:$0x3] =	stream.linear.gather [hbm4b:s21+s2], $0x3E8, $0x38;
	[tilespmem:$0x109A0] =	vst v63  }
0xf4: {  	_ =	swait.ge [sflag:s16], $0x3E8  }
0xf5: {  	[sflag:s16] =	ssyncset.done $0x0  }
0xf6: {  	[sflag:s16] =	ssyncadd.s32 $0xFFFFFC18  }
0xf7: {  	[tilespmem:s11], [sflag:$0x1] =	stream.indirect.gather [hbm4b:s31+s17], $0x10, s2, s17, $0xb8;
	[tilespmem:$0x109A0] =	vst v63  }
0xf8: {  	_ = 	snop  }
0xf9: {  	[tilespmem:s14], [sflag:$0x1] =	stream.indirect.gather [hbm4b:s31+s17], $0x10, s25, s17, $0xb8;
	[tilespmem:$0x109A0] =	vst v63  }
0xfa: {  	_ =	swait.ge [sflag:s12], $0x3E80  }
0xfb: {  	[sflag:s12] =	ssyncset.done $0x0  }
0xfc: {  	[sflag:s12] =	ssyncadd.s32 $0xFFFFC180  }
0xfd: {  	_ =	swait.ge [sflag:s12], $0x3E80  }
0xfe: {  	[sflag:s12] =	ssyncset.done $0x0  }
0xff: {  	s1 =	rddreg [dreg:$0x1e];
	[sflag:s12] =	ssyncadd.s32 $0xFFFFC180  }
0x100: {  	[hbm4b:s1+s2] =	stream.linear.scatter [tilespmem:s9], [sflag:$0x2], $0x3E80, $0x38;
	[tilespmem:$0x109A0] =	vst v63  }
0x101: {  	_ = 	snop  }
0x102: {  	[hbm4b:s19+s2] =	stream.linear.scatter [tilespmem:s10], [sflag:$0x2], $0x3E80, $0x38;
	[tilespmem:$0x109A0] =	vst v63  }
0x103: {  	_ =	swait.ge [sflag:s6], $0x3E80  }
0x104: {  	[sflag:s6] =	ssyncset.done $0x0  }
0x105: {  	[sflag:s6] =	ssyncadd.s32 $0xFFFFC180  }
0x106: {  	_ =	swait.ge [sflag:s6], $0x3E80  }
0x107: {  	[sflag:s6] =	ssyncset.done $0x0  }
0x108: {  	s7 =	rddreg [dreg:$0x1d];
	[sflag:s6] =	ssyncadd.s32 $0xFFFFC180  }
0x109: {  	[tilespmem:s17], [sflag:$0x3] =	stream.linear.gather [hbm4b:s7+s2], $0x3E8, $0x38;
	[tilespmem:$0x109A0] =	vst v63  }
0x10a: {  	_ =	swait.ge [sflag:s16], $0x3E8  }
0x10b: {  	[sflag:s16] =	ssyncset.done $0x0  }
0x10c: {  	s13 =	rddreg [dreg:$0x1c];
	[sflag:s16] =	ssyncadd.s32 $0xFFFFFC18  }
0x10d: {  	[tilespmem:s20], [sflag:$0x3] =	stream.linear.gather [hbm4b:s13+s2], $0x3E8, $0x38;
	[tilespmem:$0x109A0] =	vst v63  }
0x10e: {  	_ =	swait.ge [sflag:s16], $0x3E8  }
0x10f: {  	[sflag:s16] =	ssyncset.done $0x0  }
0x110: {  	[sflag:s16] =	ssyncadd.s32 $0xFFFFFC18  }
0x111: {  	[tilespmem:s9], [sflag:$0x1] =	stream.indirect.gather [hbm4b:s31+s17], $0x10, s17, s17, $0xb8;
	[tilespmem:$0x109A0] =	vst v63  }
0x112: {  	_ = 	snop  }
0x113: {  	[tilespmem:s10], [sflag:$0x1] =	stream.indirect.gather [hbm4b:s31+s17], $0x10, s20, s17, $0xb8;
	[tilespmem:$0x109A0] =	vst v63  }
0x114: {  	_ =	swait.ge [sflag:s12], $0x3E80  }
0x115: {  	[sflag:s12] =	ssyncset.done $0x0  }
0x116: {  	[sflag:s12] =	ssyncadd.s32 $0xFFFFC180  }
0x117: {  	_ =	swait.ge [sflag:s12], $0x3E80  }
0x118: {  	[sflag:s12] =	ssyncset.done $0x0  }
0x119: {  	[sflag:s12] =	ssyncadd.s32 $0xFFFFC180  }
0x11a: {  	[hbm4b:s8+s2] =	stream.linear.scatter [tilespmem:s11], [sflag:$0x2], $0x3E80, $0x38;
	[tilespmem:$0x109A0] =	vst v63  }
0x11b: {  	_ = 	snop  }
0x11c: {  	[hbm4b:s15+s2] =	stream.linear.scatter [tilespmem:s14], [sflag:$0x2], $0x3E80, $0x38;
	[tilespmem:$0x109A0] =	vst v63  }
0x11d: {  	_ =	swait.ge [sflag:s12], $0x3E80  }
0x11e: {  	[sflag:s12] =	ssyncset.done $0x0  }
0x11f: {  	[sflag:s12] =	ssyncadd.s32 $0xFFFFC180  }
0x120: {  	_ =	swait.ge [sflag:s12], $0x3E80  }
0x121: {  	[sflag:s12] =	ssyncset.done $0x0  }
0x122: {  	[sflag:s12] =	ssyncadd.s32 $0xFFFFC180  }
0x123: {  	[hbm4b:s5+s2] =	stream.linear.scatter [tilespmem:s9], [sflag:$0x2], $0x3E80, $0x38;
	[tilespmem:$0x109A0] =	vst v63  }
0x124: {  	_ = 	snop  }
0x125: {  	[hbm4b:s18+s2] =	stream.linear.scatter [tilespmem:s10], [sflag:$0x2], $0x3E80, $0x38;
	[tilespmem:$0x109A0] =	vst v63  }
0x126: {  	_ =	swait.ge [sflag:s6], $0x3E80  }
0x127: {  	[sflag:s6] =	ssyncset.done $0x0  }
0x128: {  	[sflag:s6] =	ssyncadd.s32 $0xFFFFC180  }
0x129: {  	_ =	swait.ge [sflag:s6], $0x3E80  }
0x12a: {  	[sflag:s6] =	ssyncset.done $0x0  }
0x12b: {  	p1 =	sne.s32 s3, $0x1;
	[sflag:s6] =	ssyncadd.s32 $0xFFFFC180  }
.Ltmp1:
0x12c: {  	_ =	swait.ge [sflag:s6], $0x3E80;
	(pc) =	sbr.rel @!p1 .LBB2_3-.Ltmp1, $4  }
0x12d: {  	[sflag:s6] =	ssyncset.done $0x0  }
0x12e: {  	[sflag:s6] =	ssyncadd.s32 $0xFFFFC180  }
0x12f: {  	p0 =	por $0x1, $0x1;
	_ =	swait.ge [sflag:s6], $0x3E80;
	[dreg:$0x1b] =	wrdreg s4  }
0x130: {  	s1 =	sadd.s32 $0xFFFFFFFF, s3;
	s0 =	rddreg [dreg:$0x4];
	[sflag:s6] =	ssyncset.done $0x0  }
.LBB2_2:
0x131: {  	[sflag:s6] =	ssyncadd.s32 $0xFFFFC180  }
0x132: {  	[tilespmem:s2], [sflag:$0x3] =	stream.linear.gather [hbm4b:s0+s2], $0x3E8, $0x38;
	[tilespmem:$0x109A0] =	vst v63  }
0x133: {  	_ =	swait.ge [sflag:s16], $0x3E8  }
0x134: {  	[sflag:s16] =	ssyncset.done $0x0  }
0x135: {  	s4 =	rddreg [dreg:$0x5];
	[sflag:s16] =	ssyncadd.s32 $0xFFFFFC18  }
0x136: {  	[tilespmem:s25], [sflag:$0x3] =	stream.linear.gather [hbm4b:s4+s2], $0x3E8, $0x38;
	[tilespmem:$0x109A0] =	vst v63  }
0x137: {  	_ =	swait.ge [sflag:s16], $0x3E8  }
0x138: {  	[sflag:s16] =	ssyncset.done $0x0  }
0x139: {  	[sflag:s16] =	ssyncadd.s32 $0xFFFFFC18  }
0x13a: {  	[tilespmem:s11], [sflag:$0x1] =	stream.indirect.gather [hbm4b:s31+s17], $0x10, s2, s17, $0xb8;
	[tilespmem:$0x109A0] =	vst v63  }
0x13b: {  	_ = 	snop  }
0x13c: {  	[tilespmem:s14], [sflag:$0x1] =	stream.indirect.gather [hbm4b:s31+s17], $0x10, s25, s17, $0xb8;
	[tilespmem:$0x109A0] =	vst v63  }
0x13d: {  	s7 =	rddreg [dreg:$0x6]  }
0x13e: {  	[tilespmem:s17], [sflag:$0x3] =	stream.linear.gather [hbm4b:s7+s2], $0x3E8, $0x38;
	[tilespmem:$0x109A0] =	vst v63  }
0x13f: {  	_ =	swait.ge [sflag:s16], $0x3E8  }
0x140: {  	[sflag:s16] =	ssyncset.done $0x0  }
0x141: {  	s11 =	rddreg [dreg:$0x7];
	[sflag:s16] =	ssyncadd.s32 $0xFFFFFC18  }
0x142: {  	[tilespmem:s20], [sflag:$0x3] =	stream.linear.gather [hbm4b:s11+s2], $0x3E8, $0x38;
	[tilespmem:$0x109A0] =	vst v63  }
0x143: {  	_ =	swait.ge [sflag:s16], $0x3E8  }
0x144: {  	[sflag:s16] =	ssyncset.done $0x0  }
0x145: {  	[sflag:s16] =	ssyncadd.s32 $0xFFFFFC18  }
0x146: {  	[tilespmem:s9], [sflag:$0x1] =	stream.indirect.gather [hbm4b:s31+s17], $0x10, s17, s17, $0xb8;
	[tilespmem:$0x109A0] =	vst v63  }
0x147: {  	_ = 	snop  }
0x148: {  	[tilespmem:s10], [sflag:$0x1] =	stream.indirect.gather [hbm4b:s31+s17], $0x10, s20, s17, $0xb8;
	[tilespmem:$0x109A0] =	vst v63  }
0x149: {  	_ =	swait.ge [sflag:s12], $0x3E80  }
0x14a: {  	[sflag:s12] =	ssyncset.done $0x0  }
0x14b: {  	[sflag:s12] =	ssyncadd.s32 $0xFFFFC180  }
0x14c: {  	_ =	swait.ge [sflag:s12], $0x3E80  }
0x14d: {  	[sflag:s12] =	ssyncset.done $0x0  }
0x14e: {  	s14 =	simm.s32 $0xFA0;
	s13 =	rddreg [dreg:$0x8];
	[sflag:s12] =	ssyncadd.s32 $0xFFFFC180  }
0x14f: {  	[hbm4b:s13+s2] =	stream.linear.scatter [tilespmem:s14], [sflag:$0x2], $0x3E80, $0x38;
	[tilespmem:$0x109A0] =	vst v63  }
0x150: {  	s20 =	simm.s32 $0x8CA0;
	s4 =	rddreg [dreg:$0x9]  }
0x151: {  	[hbm4b:s4+s2] =	stream.linear.scatter [tilespmem:s20], [sflag:$0x2], $0x3E80, $0x38;
	[tilespmem:$0x109A0] =	vst v63  }
0x152: {  	_ =	swait.ge [sflag:s6], $0x3E80  }
0x153: {  	[sflag:s6] =	ssyncset.done $0x0  }
0x154: {  	[sflag:s6] =	ssyncadd.s32 $0xFFFFC180  }
0x155: {  	_ =	swait.ge [sflag:s6], $0x3E80  }
0x156: {  	[sflag:s6] =	ssyncset.done $0x0  }
0x157: {  	s7 =	rddreg [dreg:$0xa];
	[sflag:s6] =	ssyncadd.s32 $0xFFFFC180  }
0x158: {  	[tilespmem:s2], [sflag:$0x3] =	stream.linear.gather [hbm4b:s7+s2], $0x3E8, $0x38;
	[tilespmem:$0x109A0] =	vst v63  }
0x159: {  	_ =	swait.ge [sflag:s16], $0x3E8  }
0x15a: {  	[sflag:s16] =	ssyncset.done $0x0  }
0x15b: {  	s3 =	simm.s32 $0x7D0;
	s13 =	rddreg [dreg:$0xb];
	[sflag:s16] =	ssyncadd.s32 $0xFFFFFC18  }
0x15c: {  	[tilespmem:s3], [sflag:$0x3] =	stream.linear.gather [hbm4b:s13+s2], $0x3E8, $0x38;
	[tilespmem:$0x109A0] =	vst v63  }
0x15d: {  	_ =	swait.ge [sflag:s16], $0x3E8  }
0x15e: {  	[sflag:s16] =	ssyncset.done $0x0  }
0x15f: {  	[sflag:s16] =	ssyncadd.s32 $0xFFFFFC18  }
0x160: {  	[tilespmem:s14], [sflag:$0x1] =	stream.indirect.gather [hbm4b:s31+s17], $0x10, s2, s17, $0xb8;
	[tilespmem:$0x109A0] =	vst v63  }
0x161: {  	_ = 	snop  }
0x162: {  	[tilespmem:s20], [sflag:$0x1] =	stream.indirect.gather [hbm4b:s31+s17], $0x10, s3, s17, $0xb8;
	[tilespmem:$0x109A0] =	vst v63  }
0x163: {  	_ =	swait.ge [sflag:s12], $0x3E80  }
0x164: {  	s9 =	smov.u32 s30;
	[sflag:s12] =	ssyncset.done $0x0  }
0x165: {  	s30 =	smov.u32 s29;
	s29 =	smov.u32 s28;
	[sflag:s12] =	ssyncadd.s32 $0xFFFFC180  }
0x166: {  	s28 =	smov.u32 s26;
	s26 =	smov.u32 s24;
	_ =	swait.ge [sflag:s12], $0x3E80  }
0x167: {  	s24 =	smov.u32 s23;
	s23 =	smov.u32 s22;
	[sflag:s12] =	ssyncset.done $0x0  }
0x168: {  	s10 =	simm.s32 $0x4E20;
	s22 =	rddreg [dreg:$0xc];
	[sflag:s12] =	ssyncadd.s32 $0xFFFFC180  }
0x169: {  	[hbm4b:s22+s2] =	stream.linear.scatter [tilespmem:s10], [sflag:$0x2], $0x3E80, $0x38;
	[tilespmem:$0x109A0] =	vst v63  }
0x16a: {  	s11 =	simm.s32 $0xCB20;
	s3 =	rddreg [dreg:$0xd]  }
0x16b: {  	[hbm4b:s3+s2] =	stream.linear.scatter [tilespmem:s11], [sflag:$0x2], $0x3E80, $0x38;
	[tilespmem:$0x109A0] =	vst v63  }
0x16c: {  	_ =	swait.ge [sflag:s6], $0x3E80  }
0x16d: {  	[sflag:s6] =	ssyncset.done $0x0  }
0x16e: {  	[sflag:s6] =	ssyncadd.s32 $0xFFFFC180  }
0x16f: {  	_ =	swait.ge [sflag:s6], $0x3E80  }
0x170: {  	[sflag:s6] =	ssyncset.done $0x0  }
0x171: {  	s7 =	rddreg [dreg:$0xe];
	[sflag:s6] =	ssyncadd.s32 $0xFFFFC180  }
0x172: {  	[tilespmem:s17], [sflag:$0x3] =	stream.linear.gather [hbm4b:s7+s2], $0x3E8, $0x38;
	[tilespmem:$0x109A0] =	vst v63  }
0x173: {  	_ =	swait.ge [sflag:s16], $0x3E8  }
0x174: {  	[sflag:s16] =	ssyncset.done $0x0  }
0x175: {  	s25 =	simm.s32 $0xBB8;
	s13 =	rddreg [dreg:$0xf];
	[sflag:s16] =	ssyncadd.s32 $0xFFFFFC18  }
0x176: {  	[tilespmem:s25], [sflag:$0x3] =	stream.linear.gather [hbm4b:s13+s2], $0x3E8, $0x38;
	[tilespmem:$0x109A0] =	vst v63  }
0x177: {  	_ =	swait.ge [sflag:s16], $0x3E8  }
0x178: {  	[sflag:s16] =	ssyncset.done $0x0  }
0x179: {  	[sflag:s16] =	ssyncadd.s32 $0xFFFFFC18  }
0x17a: {  	[tilespmem:s10], [sflag:$0x1] =	stream.indirect.gather [hbm4b:s31+s17], $0x10, s17, s17, $0xb8;
	[tilespmem:$0x109A0] =	vst v63  }
0x17b: {  	_ = 	snop  }
0x17c: {  	[tilespmem:s11], [sflag:$0x1] =	stream.indirect.gather [hbm4b:s31+s17], $0x10, s25, s17, $0xb8;
	[tilespmem:$0x109A0] =	vst v63  }
0x17d: {  	_ =	swait.ge [sflag:s12], $0x3E80  }
0x17e: {  	[sflag:s12] =	ssyncset.done $0x0  }
0x17f: {  	[sflag:s12] =	ssyncadd.s32 $0xFFFFC180  }
0x180: {  	_ =	swait.ge [sflag:s12], $0x3E80  }
0x181: {  	[sflag:s12] =	ssyncset.done $0x0  }
0x182: {  	s22 =	rddreg [dreg:$0x10];
	[sflag:s12] =	ssyncadd.s32 $0xFFFFC180  }
0x183: {  	[hbm4b:s22+s2] =	stream.linear.scatter [tilespmem:s14], [sflag:$0x2], $0x3E80, $0x38;
	[tilespmem:$0x109A0] =	vst v63  }
0x184: {  	s3 =	rddreg [dreg:$0x11]  }
0x185: {  	[hbm4b:s3+s2] =	stream.linear.scatter [tilespmem:s20], [sflag:$0x2], $0x3E80, $0x38;
	[tilespmem:$0x109A0] =	vst v63  }
0x186: {  	_ =	swait.ge [sflag:s6], $0x3E80  }
0x187: {  	[sflag:s6] =	ssyncset.done $0x0  }
0x188: {  	[sflag:s6] =	ssyncadd.s32 $0xFFFFC180  }
0x189: {  	_ =	swait.ge [sflag:s6], $0x3E80  }
0x18a: {  	[sflag:s6] =	ssyncset.done $0x0  }
0x18b: {  	s7 =	rddreg [dreg:$0x12];
	[sflag:s6] =	ssyncadd.s32 $0xFFFFC180  }
0x18c: {  	[tilespmem:s2], [sflag:$0x3] =	stream.linear.gather [hbm4b:s7+s2], $0x3E8, $0x38;
	[tilespmem:$0x109A0] =	vst v63  }
0x18d: {  	_ =	swait.ge [sflag:s16], $0x3E8  }
0x18e: {  	[sflag:s16] =	ssyncset.done $0x0  }
0x18f: {  	s25 =	simm.s32 $0x7D0;
	s13 =	rddreg [dreg:$0x13];
	[sflag:s16] =	ssyncadd.s32 $0xFFFFFC18  }
0x190: {  	[tilespmem:s25], [sflag:$0x3] =	stream.linear.gather [hbm4b:s13+s2], $0x3E8, $0x38;
	[tilespmem:$0x109A0] =	vst v63  }
0x191: {  	_ =	swait.ge [sflag:s16], $0x3E8  }
0x192: {  	[sflag:s16] =	ssyncset.done $0x0  }
0x193: {  	[sflag:s16] =	ssyncadd.s32 $0xFFFFFC18  }
0x194: {  	[tilespmem:s14], [sflag:$0x1] =	stream.indirect.gather [hbm4b:s31+s17], $0x10, s2, s17, $0xb8;
	[tilespmem:$0x109A0] =	vst v63  }
0x195: {  	s14 =	simm.s32 $0x8CA0  }
0x196: {  	[tilespmem:s14], [sflag:$0x1] =	stream.indirect.gather [hbm4b:s31+s17], $0x10, s25, s17, $0xb8;
	[tilespmem:$0x109A0] =	vst v63  }
0x197: {  	_ =	swait.ge [sflag:s12], $0x3E80  }
0x198: {  	[sflag:s12] =	ssyncset.done $0x0  }
0x199: {  	[sflag:s12] =	ssyncadd.s32 $0xFFFFC180  }
0x19a: {  	_ =	swait.ge [sflag:s12], $0x3E80  }
0x19b: {  	[sflag:s12] =	ssyncset.done $0x0  }
0x19c: {  	s22 =	rddreg [dreg:$0x14];
	[sflag:s12] =	ssyncadd.s32 $0xFFFFC180  }
0x19d: {  	[hbm4b:s22+s2] =	stream.linear.scatter [tilespmem:s10], [sflag:$0x2], $0x3E80, $0x38;
	[tilespmem:$0x109A0] =	vst v63  }
0x19e: {  	s3 =	rddreg [dreg:$0x15]  }
0x19f: {  	[hbm4b:s3+s2] =	stream.linear.scatter [tilespmem:s11], [sflag:$0x2], $0x3E80, $0x38;
	[tilespmem:$0x109A0] =	vst v63  }
0x1a0: {  	_ =	swait.ge [sflag:s6], $0x3E80  }
0x1a1: {  	[sflag:s6] =	ssyncset.done $0x0  }
0x1a2: {  	[sflag:s6] =	ssyncadd.s32 $0xFFFFC180  }
0x1a3: {  	_ =	swait.ge [sflag:s6], $0x3E80  }
0x1a4: {  	[sflag:s6] =	ssyncset.done $0x0  }
0x1a5: {  	s4 =	rddreg [dreg:$0x16];
	[sflag:s6] =	ssyncadd.s32 $0xFFFFC180  }
0x1a6: {  	[tilespmem:s17], [sflag:$0x3] =	stream.linear.gather [hbm4b:s4+s2], $0x3E8, $0x38;
	[tilespmem:$0x109A0] =	vst v63  }
0x1a7: {  	_ =	swait.ge [sflag:s16], $0x3E8  }
0x1a8: {  	[sflag:s16] =	ssyncset.done $0x0  }
0x1a9: {  	s20 =	simm.s32 $0xBB8;
	s7 =	rddreg [dreg:$0x17];
	[sflag:s16] =	ssyncadd.s32 $0xFFFFFC18  }
0x1aa: {  	[tilespmem:s20], [sflag:$0x3] =	stream.linear.gather [hbm4b:s7+s2], $0x3E8, $0x38;
	[tilespmem:$0x109A0] =	vst v63  }
0x1ab: {  	_ =	swait.ge [sflag:s16], $0x3E8  }
0x1ac: {  	[sflag:s16] =	ssyncset.done $0x0  }
0x1ad: {  	[sflag:s16] =	ssyncadd.s32 $0xFFFFFC18  }
0x1ae: {  	[tilespmem:s10], [sflag:$0x1] =	stream.indirect.gather [hbm4b:s31+s17], $0x10, s17, s17, $0xb8;
	[tilespmem:$0x109A0] =	vst v63  }
0x1af: {  	s10 =	simm.s32 $0xCB20  }
0x1b0: {  	[tilespmem:s10], [sflag:$0x1] =	stream.indirect.gather [hbm4b:s31+s17], $0x10, s20, s17, $0xb8;
	[tilespmem:$0x109A0] =	vst v63  }
0x1b1: {  	_ =	swait.ge [sflag:s12], $0x3E80  }
0x1b2: {  	[sflag:s12] =	ssyncset.done $0x0  }
0x1b3: {  	[sflag:s12] =	ssyncadd.s32 $0xFFFFC180  }
0x1b4: {  	_ =	swait.ge [sflag:s12], $0x3E80  }
0x1b5: {  	s13 =	rddreg [dreg:$0x18]  }
0x1b6: {  	s11 =	simm.s32 $0xFA0;
	s3 =	smov.u32 s5;
	s22 =	rddreg [dreg:$0x19]  }
0x1b7: {  	s5 =	smov.u32 s8;
	[sflag:s12] =	ssyncset.done $0x0;
	s8 =	rddreg [dreg:$0x1c]  }
0x1b8: {  	s7 =	smov.u32 s18;
	s18 =	rddreg [dreg:$0x1e];
	[sflag:s12] =	ssyncadd.s32 $0xFFFFC180  }
0x1b9: {  	[hbm4b:s13+s2] =	stream.linear.scatter [tilespmem:s11], [sflag:$0x2], $0x3E80, $0x38;
	[tilespmem:$0x109A0] =	vst v63  }
0x1ba: {  	s4 =	rddreg [dreg:$0x1b]  }
0x1bb: {  	[hbm4b:s22+s2] =	stream.linear.scatter [tilespmem:s14], [sflag:$0x2], $0x3E80, $0x38;
	[tilespmem:$0x109A0] =	vst v63  }
0x1bc: {  	s13 =	smov.u32 s15;
	s15 =	rddreg [dreg:$0x1d];
	_ =	swait.ge [sflag:s6], $0x3E80  }
0x1bd: {  	[sflag:s6] =	ssyncset.done $0x0  }
0x1be: {  	[sflag:s6] =	ssyncadd.s32 $0xFFFFC180  }
0x1bf: {  	_ =	swait.ge [sflag:s6], $0x3E80  }
0x1c0: {  	[sflag:s6] =	ssyncset.done $0x0  }
0x1c1: {  	s0 =	rddreg [dreg:$0x1a];
	[sflag:s6] =	ssyncadd.s32 $0xFFFFC180  }
0x1c2: {  	[tilespmem:s2], [sflag:$0x3] =	stream.linear.gather [hbm4b:s0+s2], $0x3E8, $0x38;
	[tilespmem:$0x109A0] =	vst v63  }
0x1c3: {  	_ =	swait.ge [sflag:s16], $0x3E8  }
0x1c4: {  	[sflag:s16] =	ssyncset.done $0x0  }
0x1c5: {  	[sflag:s16] =	ssyncadd.s32 $0xFFFFFC18  }
0x1c6: {  	[tilespmem:s25], [sflag:$0x3] =	stream.linear.gather [hbm4b:s4+s2], $0x3E8, $0x38;
	[tilespmem:$0x109A0] =	vst v63  }
0x1c7: {  	_ =	swait.ge [sflag:s16], $0x3E8  }
0x1c8: {  	[sflag:s16] =	ssyncset.done $0x0  }
0x1c9: {  	[sflag:s16] =	ssyncadd.s32 $0xFFFFFC18  }
0x1ca: {  	[tilespmem:s11], [sflag:$0x1] =	stream.indirect.gather [hbm4b:s31+s17], $0x10, s2, s17, $0xb8;
	[tilespmem:$0x109A0] =	vst v63  }
0x1cb: {  	_ = 	snop  }
0x1cc: {  	[tilespmem:s14], [sflag:$0x1] =	stream.indirect.gather [hbm4b:s31+s17], $0x10, s25, s17, $0xb8;
	[tilespmem:$0x109A0] =	vst v63  }
0x1cd: {  	_ =	swait.ge [sflag:s12], $0x3E80  }
0x1ce: {  	[sflag:s12] =	ssyncset.done $0x0  }
0x1cf: {  	s22 =	smov.u32 s23;
	s23 =	smov.u32 s24;
	[sflag:s12] =	ssyncadd.s32 $0xFFFFC180  }
0x1d0: {  	s24 =	smov.u32 s26;
	s26 =	smov.u32 s28;
	_ =	swait.ge [sflag:s12], $0x3E80  }
0x1d1: {  	s28 =	smov.u32 s29;
	s29 =	smov.u32 s30;
	[sflag:s12] =	ssyncset.done $0x0  }
0x1d2: {  	s30 =	smov.u32 s9;
	s9 =	simm.s32 $0x4E20;
	[sflag:s12] =	ssyncadd.s32 $0xFFFFC180  }
0x1d3: {  	[hbm4b:s29+s2] =	stream.linear.scatter [tilespmem:s9], [sflag:$0x2], $0x3E80, $0x38;
	[tilespmem:$0x109A0] =	vst v63  }
0x1d4: {  	_ = 	snop  }
0x1d5: {  	[hbm4b:s30+s2] =	stream.linear.scatter [tilespmem:s10], [sflag:$0x2], $0x3E80, $0x38;
	[tilespmem:$0x109A0] =	vst v63  }
0x1d6: {  	_ =	swait.ge [sflag:s6], $0x3E80  }
0x1d7: {  	[sflag:s6] =	ssyncset.done $0x0  }
0x1d8: {  	[sflag:s6] =	ssyncadd.s32 $0xFFFFC180  }
0x1d9: {  	_ =	swait.ge [sflag:s6], $0x3E80  }
0x1da: {  	[sflag:s6] =	ssyncset.done $0x0  }
0x1db: {  	[sflag:s6] =	ssyncadd.s32 $0xFFFFC180  }
0x1dc: {  	[tilespmem:s17], [sflag:$0x3] =	stream.linear.gather [hbm4b:s28+s2], $0x3E8, $0x38;
	[tilespmem:$0x109A0] =	vst v63  }
0x1dd: {  	_ =	swait.ge [sflag:s16], $0x3E8  }
0x1de: {  	[sflag:s16] =	ssyncset.done $0x0  }
0x1df: {  	[sflag:s16] =	ssyncadd.s32 $0xFFFFFC18  }
0x1e0: {  	[tilespmem:s20], [sflag:$0x3] =	stream.linear.gather [hbm4b:s26+s2], $0x3E8, $0x38;
	[tilespmem:$0x109A0] =	vst v63  }
0x1e1: {  	_ =	swait.ge [sflag:s16], $0x3E8  }
0x1e2: {  	[sflag:s16] =	ssyncset.done $0x0  }
0x1e3: {  	[sflag:s16] =	ssyncadd.s32 $0xFFFFFC18  }
0x1e4: {  	[tilespmem:s9], [sflag:$0x1] =	stream.indirect.gather [hbm4b:s31+s17], $0x10, s17, s17, $0xb8;
	[tilespmem:$0x109A0] =	vst v63  }
0x1e5: {  	_ = 	snop  }
0x1e6: {  	[tilespmem:s10], [sflag:$0x1] =	stream.indirect.gather [hbm4b:s31+s17], $0x10, s20, s17, $0xb8;
	[tilespmem:$0x109A0] =	vst v63  }
0x1e7: {  	_ =	swait.ge [sflag:s12], $0x3E80  }
0x1e8: {  	[sflag:s12] =	ssyncset.done $0x0  }
0x1e9: {  	[sflag:s12] =	ssyncadd.s32 $0xFFFFC180  }
0x1ea: {  	_ =	swait.ge [sflag:s12], $0x3E80  }
0x1eb: {  	[sflag:s12] =	ssyncset.done $0x0  }
0x1ec: {  	[sflag:s12] =	ssyncadd.s32 $0xFFFFC180  }
0x1ed: {  	[hbm4b:s23+s2] =	stream.linear.scatter [tilespmem:s11], [sflag:$0x2], $0x3E80, $0x38;
	[tilespmem:$0x109A0] =	vst v63  }
0x1ee: {  	_ = 	snop  }
0x1ef: {  	[hbm4b:s24+s2] =	stream.linear.scatter [tilespmem:s14], [sflag:$0x2], $0x3E80, $0x38;
	[tilespmem:$0x109A0] =	vst v63  }
0x1f0: {  	_ =	swait.ge [sflag:s6], $0x3E80  }
0x1f1: {  	[sflag:s6] =	ssyncset.done $0x0  }
0x1f2: {  	[sflag:s6] =	ssyncadd.s32 $0xFFFFC180  }
0x1f3: {  	_ =	swait.ge [sflag:s6], $0x3E80  }
0x1f4: {  	[sflag:s6] =	ssyncset.done $0x0  }
0x1f5: {  	[sflag:s6] =	ssyncadd.s32 $0xFFFFC180  }
0x1f6: {  	[tilespmem:s2], [sflag:$0x3] =	stream.linear.gather [hbm4b:s22+s2], $0x3E8, $0x38;
	[tilespmem:$0x109A0] =	vst v63  }
0x1f7: {  	_ =	swait.ge [sflag:s16], $0x3E8  }
0x1f8: {  	[sflag:s16] =	ssyncset.done $0x0  }
0x1f9: {  	[sflag:s16] =	ssyncadd.s32 $0xFFFFFC18  }
0x1fa: {  	[tilespmem:s25], [sflag:$0x3] =	stream.linear.gather [hbm4b:s21+s2], $0x3E8, $0x38;
	[tilespmem:$0x109A0] =	vst v63  }
0x1fb: {  	_ =	swait.ge [sflag:s16], $0x3E8  }
0x1fc: {  	[sflag:s16] =	ssyncset.done $0x0  }
0x1fd: {  	[sflag:s16] =	ssyncadd.s32 $0xFFFFFC18  }
0x1fe: {  	[tilespmem:s11], [sflag:$0x1] =	stream.indirect.gather [hbm4b:s31+s17], $0x10, s2, s17, $0xb8;
	[tilespmem:$0x109A0] =	vst v63  }
0x1ff: {  	_ = 	snop  }
0x200: {  	[tilespmem:s14], [sflag:$0x1] =	stream.indirect.gather [hbm4b:s31+s17], $0x10, s25, s17, $0xb8;
	[tilespmem:$0x109A0] =	vst v63  }
0x201: {  	_ =	swait.ge [sflag:s12], $0x3E80  }
0x202: {  	[sflag:s12] =	ssyncset.done $0x0  }
0x203: {  	[sflag:s12] =	ssyncadd.s32 $0xFFFFC180  }
0x204: {  	_ =	swait.ge [sflag:s12], $0x3E80  }
0x205: {  	[sflag:s12] =	ssyncset.done $0x0  }
0x206: {  	[sflag:s12] =	ssyncadd.s32 $0xFFFFC180  }
0x207: {  	[hbm4b:s18+s2] =	stream.linear.scatter [tilespmem:s9], [sflag:$0x2], $0x3E80, $0x38;
	[tilespmem:$0x109A0] =	vst v63  }
0x208: {  	_ = 	snop  }
0x209: {  	[hbm4b:s19+s2] =	stream.linear.scatter [tilespmem:s10], [sflag:$0x2], $0x3E80, $0x38;
	[tilespmem:$0x109A0] =	vst v63  }
0x20a: {  	_ =	swait.ge [sflag:s6], $0x3E80  }
0x20b: {  	[sflag:s6] =	ssyncset.done $0x0  }
0x20c: {  	[sflag:s6] =	ssyncadd.s32 $0xFFFFC180  }
0x20d: {  	_ =	swait.ge [sflag:s6], $0x3E80  }
0x20e: {  	[sflag:s6] =	ssyncset.done $0x0  }
0x20f: {  	[sflag:s6] =	ssyncadd.s32 $0xFFFFC180  }
0x210: {  	[tilespmem:s17], [sflag:$0x3] =	stream.linear.gather [hbm4b:s15+s2], $0x3E8, $0x38;
	[tilespmem:$0x109A0] =	vst v63  }
0x211: {  	_ =	swait.ge [sflag:s16], $0x3E8  }
0x212: {  	[sflag:s16] =	ssyncset.done $0x0  }
0x213: {  	[sflag:s16] =	ssyncadd.s32 $0xFFFFFC18  }
0x214: {  	[tilespmem:s20], [sflag:$0x3] =	stream.linear.gather [hbm4b:s8+s2], $0x3E8, $0x38;
	[tilespmem:$0x109A0] =	vst v63  }
0x215: {  	_ =	swait.ge [sflag:s16], $0x3E8  }
0x216: {  	[sflag:s16] =	ssyncset.done $0x0  }
0x217: {  	[sflag:s16] =	ssyncadd.s32 $0xFFFFFC18  }
0x218: {  	[tilespmem:s9], [sflag:$0x1] =	stream.indirect.gather [hbm4b:s31+s17], $0x10, s17, s17, $0xb8;
	[tilespmem:$0x109A0] =	vst v63  }
0x219: {  	_ = 	snop  }
0x21a: {  	[tilespmem:s10], [sflag:$0x1] =	stream.indirect.gather [hbm4b:s31+s17], $0x10, s20, s17, $0xb8;
	[tilespmem:$0x109A0] =	vst v63  }
0x21b: {  	_ =	swait.ge [sflag:s12], $0x3E80  }
0x21c: {  	[sflag:s12] =	ssyncset.done $0x0  }
0x21d: {  	[sflag:s12] =	ssyncadd.s32 $0xFFFFC180  }
0x21e: {  	_ =	swait.ge [sflag:s12], $0x3E80  }
0x21f: {  	[sflag:s12] =	ssyncset.done $0x0  }
0x220: {  	[sflag:s12] =	ssyncadd.s32 $0xFFFFC180  }
0x221: {  	[hbm4b:s5+s2] =	stream.linear.scatter [tilespmem:s11], [sflag:$0x2], $0x3E80, $0x38;
	[tilespmem:$0x109A0] =	vst v63  }
0x222: {  	_ = 	snop  }
0x223: {  	[hbm4b:s13+s2] =	stream.linear.scatter [tilespmem:s14], [sflag:$0x2], $0x3E80, $0x38;
	[tilespmem:$0x109A0] =	vst v63  }
0x224: {  	_ =	swait.ge [sflag:s12], $0x3E80  }
0x225: {  	[sflag:s12] =	ssyncset.done $0x0  }
0x226: {  	[sflag:s12] =	ssyncadd.s32 $0xFFFFC180  }
0x227: {  	_ =	swait.ge [sflag:s12], $0x3E80  }
0x228: {  	[sflag:s12] =	ssyncset.done $0x0  }
0x229: {  	[sflag:s12] =	ssyncadd.s32 $0xFFFFC180  }
0x22a: {  	[hbm4b:s3+s2] =	stream.linear.scatter [tilespmem:s9], [sflag:$0x2], $0x3E80, $0x38;
	[tilespmem:$0x109A0] =	vst v63  }
0x22b: {  	_ = 	snop  }
0x22c: {  	[hbm4b:s7+s2] =	stream.linear.scatter [tilespmem:s10], [sflag:$0x2], $0x3E80, $0x38;
	[tilespmem:$0x109A0] =	vst v63  }
0x22d: {  	_ =	swait.ge [sflag:s6], $0x3E80  }
0x22e: {  	[sflag:s6] =	ssyncset.done $0x0  }
0x22f: {  	[sflag:s6] =	ssyncadd.s32 $0xFFFFC180  }
0x230: {  	_ =	swait.ge [sflag:s6], $0x3E80  }
0x231: {  	[sflag:s6] =	ssyncset.done $0x0  }
0x232: {  	p1 =	sne.s32 s1, $0x1;
	[sflag:s6] =	ssyncadd.s32 $0xFFFFC180  }
.Ltmp2:
0x233: {  	_ =	swait.ge [sflag:s6], $0x3E80;
	(pc) =	sbr.rel @p1 .LBB2_2-.Ltmp2, $4  }
0x234: {  	[sflag:s6] =	ssyncset.done $0x0  }
0x235: {  	s1 =	sadd.s32 $0xFFFFFFFF, s1;
	s18 =	smov.u32 s7;
	[sflag:s6] =	ssyncadd.s32 $0xFFFFC180  }
0x236: {  	s15 =	smov.u32 s13;
	s8 =	smov.u32 s5;
	_ =	swait.ge [sflag:s6], $0x3E80  }
0x237: {  	s5 =	smov.u32 s3;
	s0 =	rddreg [dreg:$0x4];
	[sflag:s6] =	ssyncset.done $0x0  }
.LBB2_3:
0x238: {  	[sflag:s6] =	ssyncadd.s32 @p0 $0xFFFFC180  }
0x239: {  	[tilespmem:s2], [sflag:$0x3] =	stream.linear.gather [hbm4b:s0+s2], $0x3E8, $0x38;
	[tilespmem:$0x109A0] =	vst v63  }
0x23a: {  	_ =	swait.ge [sflag:s16], $0x3E8  }
0x23b: {  	[sflag:s16] =	ssyncset.done $0x0  }
0x23c: {  	s13 =	rddreg [dreg:$0x5];
	[sflag:s16] =	ssyncadd.s32 $0xFFFFFC18  }
0x23d: {  	[tilespmem:s25], [sflag:$0x3] =	stream.linear.gather [hbm4b:s13+s2], $0x3E8, $0x38;
	[tilespmem:$0x109A0] =	vst v63  }
0x23e: {  	_ =	swait.ge [sflag:s16], $0x3E8  }
0x23f: {  	[sflag:s16] =	ssyncset.done $0x0  }
0x240: {  	[sflag:s16] =	ssyncadd.s32 $0xFFFFFC18  }
0x241: {  	[tilespmem:s11], [sflag:$0x1] =	stream.indirect.gather [hbm4b:s31+s17], $0x10, s2, s17, $0xb8;
	[tilespmem:$0x109A0] =	vst v63  }
0x242: {  	_ = 	snop  }
0x243: {  	[tilespmem:s14], [sflag:$0x1] =	stream.indirect.gather [hbm4b:s31+s17], $0x10, s25, s17, $0xb8;
	[tilespmem:$0x109A0] =	vst v63  }
0x244: {  	s1 =	rddreg [dreg:$0x6]  }
0x245: {  	[tilespmem:s17], [sflag:$0x3] =	stream.linear.gather [hbm4b:s1+s2], $0x3E8, $0x38;
	[tilespmem:$0x109A0] =	vst v63  }
0x246: {  	_ =	swait.ge [sflag:s16], $0x3E8  }
0x247: {  	[sflag:s16] =	ssyncset.done $0x0  }
0x248: {  	s3 =	rddreg [dreg:$0x7];
	[sflag:s16] =	ssyncadd.s32 $0xFFFFFC18  }
0x249: {  	[tilespmem:s20], [sflag:$0x3] =	stream.linear.gather [hbm4b:s3+s2], $0x3E8, $0x38;
	[tilespmem:$0x109A0] =	vst v63  }
0x24a: {  	_ =	swait.ge [sflag:s16], $0x3E8  }
0x24b: {  	[sflag:s16] =	ssyncset.done $0x0  }
0x24c: {  	[sflag:s16] =	ssyncadd.s32 $0xFFFFFC18  }
0x24d: {  	[tilespmem:s9], [sflag:$0x1] =	stream.indirect.gather [hbm4b:s31+s17], $0x10, s17, s17, $0xb8;
	[tilespmem:$0x109A0] =	vst v63  }
0x24e: {  	_ = 	snop  }
0x24f: {  	[tilespmem:s10], [sflag:$0x1] =	stream.indirect.gather [hbm4b:s31+s17], $0x10, s20, s17, $0xb8;
	[tilespmem:$0x109A0] =	vst v63  }
0x250: {  	_ =	swait.ge [sflag:s12], $0x3E80  }
0x251: {  	[sflag:s12] =	ssyncset.done $0x0  }
0x252: {  	[sflag:s12] =	ssyncadd.s32 $0xFFFFC180  }
0x253: {  	_ =	swait.ge [sflag:s12], $0x3E80  }
0x254: {  	[sflag:s12] =	ssyncset.done $0x0  }
0x255: {  	s7 =	rddreg [dreg:$0x8];
	[sflag:s12] =	ssyncadd.s32 $0xFFFFC180  }
0x256: {  	[hbm4b:s7+s2] =	stream.linear.scatter [tilespmem:s11], [sflag:$0x2], $0x3E80, $0x38;
	[tilespmem:$0x109A0] =	vst v63  }
0x257: {  	s1 =	rddreg [dreg:$0x9]  }
0x258: {  	[hbm4b:s1+s2] =	stream.linear.scatter [tilespmem:s14], [sflag:$0x2], $0x3E80, $0x38;
	[tilespmem:$0x109A0] =	vst v63  }
0x259: {  	_ =	swait.ge [sflag:s6], $0x3E80  }
0x25a: {  	[sflag:s6] =	ssyncset.done $0x0  }
0x25b: {  	[sflag:s6] =	ssyncadd.s32 $0xFFFFC180  }
0x25c: {  	_ =	swait.ge [sflag:s6], $0x3E80  }
0x25d: {  	[sflag:s6] =	ssyncset.done $0x0  }
0x25e: {  	s13 =	rddreg [dreg:$0xa];
	[sflag:s6] =	ssyncadd.s32 $0xFFFFC180  }
0x25f: {  	[tilespmem:s2], [sflag:$0x3] =	stream.linear.gather [hbm4b:s13+s2], $0x3E8, $0x38;
	[tilespmem:$0x109A0] =	vst v63  }
0x260: {  	_ =	swait.ge [sflag:s16], $0x3E8  }
0x261: {  	[sflag:s16] =	ssyncset.done $0x0  }
0x262: {  	s1 =	rddreg [dreg:$0xb];
	[sflag:s16] =	ssyncadd.s32 $0xFFFFFC18  }
0x263: {  	[tilespmem:s25], [sflag:$0x3] =	stream.linear.gather [hbm4b:s1+s2], $0x3E8, $0x38;
	[tilespmem:$0x109A0] =	vst v63  }
0x264: {  	_ =	swait.ge [sflag:s16], $0x3E8  }
0x265: {  	[sflag:s16] =	ssyncset.done $0x0  }
0x266: {  	[sflag:s16] =	ssyncadd.s32 $0xFFFFFC18  }
0x267: {  	[tilespmem:s11], [sflag:$0x1] =	stream.indirect.gather [hbm4b:s31+s17], $0x10, s2, s17, $0xb8;
	[tilespmem:$0x109A0] =	vst v63  }
0x268: {  	_ = 	snop  }
0x269: {  	[tilespmem:s14], [sflag:$0x1] =	stream.indirect.gather [hbm4b:s31+s17], $0x10, s25, s17, $0xb8;
	[tilespmem:$0x109A0] =	vst v63  }
0x26a: {  	_ =	swait.ge [sflag:s12], $0x3E80  }
0x26b: {  	[sflag:s12] =	ssyncset.done $0x0  }
0x26c: {  	[sflag:s12] =	ssyncadd.s32 $0xFFFFC180  }
0x26d: {  	_ =	swait.ge [sflag:s12], $0x3E80  }
0x26e: {  	[sflag:s12] =	ssyncset.done $0x0  }
0x26f: {  	s3 =	rddreg [dreg:$0xc];
	[sflag:s12] =	ssyncadd.s32 $0xFFFFC180  }
0x270: {  	[hbm4b:s3+s2] =	stream.linear.scatter [tilespmem:s9], [sflag:$0x2], $0x3E80, $0x38;
	[tilespmem:$0x109A0] =	vst v63  }
0x271: {  	s7 =	rddreg [dreg:$0xd]  }
0x272: {  	[hbm4b:s7+s2] =	stream.linear.scatter [tilespmem:s10], [sflag:$0x2], $0x3E80, $0x38;
	[tilespmem:$0x109A0] =	vst v63  }
0x273: {  	_ =	swait.ge [sflag:s6], $0x3E80  }
0x274: {  	[sflag:s6] =	ssyncset.done $0x0  }
0x275: {  	[sflag:s6] =	ssyncadd.s32 $0xFFFFC180  }
0x276: {  	_ =	swait.ge [sflag:s6], $0x3E80  }
0x277: {  	[sflag:s6] =	ssyncset.done $0x0  }
0x278: {  	s13 =	rddreg [dreg:$0xe];
	[sflag:s6] =	ssyncadd.s32 $0xFFFFC180  }
0x279: {  	[tilespmem:s17], [sflag:$0x3] =	stream.linear.gather [hbm4b:s13+s2], $0x3E8, $0x38;
	[tilespmem:$0x109A0] =	vst v63  }
0x27a: {  	_ =	swait.ge [sflag:s16], $0x3E8  }
0x27b: {  	[sflag:s16] =	ssyncset.done $0x0  }
0x27c: {  	s1 =	rddreg [dreg:$0xf];
	[sflag:s16] =	ssyncadd.s32 $0xFFFFFC18  }
0x27d: {  	[tilespmem:s20], [sflag:$0x3] =	stream.linear.gather [hbm4b:s1+s2], $0x3E8, $0x38;
	[tilespmem:$0x109A0] =	vst v63  }
0x27e: {  	_ =	swait.ge [sflag:s16], $0x3E8  }
0x27f: {  	[sflag:s16] =	ssyncset.done $0x0  }
0x280: {  	[sflag:s16] =	ssyncadd.s32 $0xFFFFFC18  }
0x281: {  	[tilespmem:s9], [sflag:$0x1] =	stream.indirect.gather [hbm4b:s31+s17], $0x10, s17, s17, $0xb8;
	[tilespmem:$0x109A0] =	vst v63  }
0x282: {  	_ = 	snop  }
0x283: {  	[tilespmem:s10], [sflag:$0x1] =	stream.indirect.gather [hbm4b:s31+s17], $0x10, s20, s17, $0xb8;
	[tilespmem:$0x109A0] =	vst v63  }
0x284: {  	_ =	swait.ge [sflag:s12], $0x3E80  }
0x285: {  	[sflag:s12] =	ssyncset.done $0x0  }
0x286: {  	[sflag:s12] =	ssyncadd.s32 $0xFFFFC180  }
0x287: {  	_ =	swait.ge [sflag:s12], $0x3E80  }
0x288: {  	[sflag:s12] =	ssyncset.done $0x0  }
0x289: {  	s3 =	rddreg [dreg:$0x10];
	[sflag:s12] =	ssyncadd.s32 $0xFFFFC180  }
0x28a: {  	[hbm4b:s3+s2] =	stream.linear.scatter [tilespmem:s11], [sflag:$0x2], $0x3E80, $0x38;
	[tilespmem:$0x109A0] =	vst v63  }
0x28b: {  	s7 =	rddreg [dreg:$0x11]  }
0x28c: {  	[hbm4b:s7+s2] =	stream.linear.scatter [tilespmem:s14], [sflag:$0x2], $0x3E80, $0x38;
	[tilespmem:$0x109A0] =	vst v63  }
0x28d: {  	_ =	swait.ge [sflag:s6], $0x3E80  }
0x28e: {  	[sflag:s6] =	ssyncset.done $0x0  }
0x28f: {  	[sflag:s6] =	ssyncadd.s32 $0xFFFFC180  }
0x290: {  	_ =	swait.ge [sflag:s6], $0x3E80  }
0x291: {  	[sflag:s6] =	ssyncset.done $0x0  }
0x292: {  	s13 =	rddreg [dreg:$0x12];
	[sflag:s6] =	ssyncadd.s32 $0xFFFFC180  }
0x293: {  	[tilespmem:s2], [sflag:$0x3] =	stream.linear.gather [hbm4b:s13+s2], $0x3E8, $0x38;
	[tilespmem:$0x109A0] =	vst v63  }
0x294: {  	_ =	swait.ge [sflag:s16], $0x3E8  }
0x295: {  	[sflag:s16] =	ssyncset.done $0x0  }
0x296: {  	s1 =	rddreg [dreg:$0x13];
	[sflag:s16] =	ssyncadd.s32 $0xFFFFFC18  }
0x297: {  	[tilespmem:s25], [sflag:$0x3] =	stream.linear.gather [hbm4b:s1+s2], $0x3E8, $0x38;
	[tilespmem:$0x109A0] =	vst v63  }
0x298: {  	_ =	swait.ge [sflag:s16], $0x3E8  }
0x299: {  	[sflag:s16] =	ssyncset.done $0x0  }
0x29a: {  	[sflag:s16] =	ssyncadd.s32 $0xFFFFFC18  }
0x29b: {  	[tilespmem:s11], [sflag:$0x1] =	stream.indirect.gather [hbm4b:s31+s17], $0x10, s2, s17, $0xb8;
	[tilespmem:$0x109A0] =	vst v63  }
0x29c: {  	_ = 	snop  }
0x29d: {  	[tilespmem:s14], [sflag:$0x1] =	stream.indirect.gather [hbm4b:s31+s17], $0x10, s25, s17, $0xb8;
	[tilespmem:$0x109A0] =	vst v63  }
0x29e: {  	_ =	swait.ge [sflag:s12], $0x3E80  }
0x29f: {  	[sflag:s12] =	ssyncset.done $0x0  }
0x2a0: {  	[sflag:s12] =	ssyncadd.s32 $0xFFFFC180  }
0x2a1: {  	_ =	swait.ge [sflag:s12], $0x3E80  }
0x2a2: {  	[sflag:s12] =	ssyncset.done $0x0  }
0x2a3: {  	s3 =	rddreg [dreg:$0x14];
	[sflag:s12] =	ssyncadd.s32 $0xFFFFC180  }
0x2a4: {  	[hbm4b:s3+s2] =	stream.linear.scatter [tilespmem:s9], [sflag:$0x2], $0x3E80, $0x38;
	[tilespmem:$0x109A0] =	vst v63  }
0x2a5: {  	s7 =	rddreg [dreg:$0x15]  }
0x2a6: {  	[hbm4b:s7+s2] =	stream.linear.scatter [tilespmem:s10], [sflag:$0x2], $0x3E80, $0x38;
	[tilespmem:$0x109A0] =	vst v63  }
0x2a7: {  	_ =	swait.ge [sflag:s6], $0x3E80  }
0x2a8: {  	[sflag:s6] =	ssyncset.done $0x0  }
0x2a9: {  	[sflag:s6] =	ssyncadd.s32 $0xFFFFC180  }
0x2aa: {  	_ =	swait.ge [sflag:s6], $0x3E80  }
0x2ab: {  	[sflag:s6] =	ssyncset.done $0x0  }
0x2ac: {  	s13 =	rddreg [dreg:$0x16];
	[sflag:s6] =	ssyncadd.s32 $0xFFFFC180  }
0x2ad: {  	[tilespmem:s17], [sflag:$0x3] =	stream.linear.gather [hbm4b:s13+s2], $0x3E8, $0x38;
	[tilespmem:$0x109A0] =	vst v63  }
0x2ae: {  	_ =	swait.ge [sflag:s16], $0x3E8  }
0x2af: {  	[sflag:s16] =	ssyncset.done $0x0  }
0x2b0: {  	s1 =	rddreg [dreg:$0x17];
	[sflag:s16] =	ssyncadd.s32 $0xFFFFFC18  }
0x2b1: {  	[tilespmem:s20], [sflag:$0x3] =	stream.linear.gather [hbm4b:s1+s2], $0x3E8, $0x38;
	[tilespmem:$0x109A0] =	vst v63  }
0x2b2: {  	_ =	swait.ge [sflag:s16], $0x3E8  }
0x2b3: {  	[sflag:s16] =	ssyncset.done $0x0  }
0x2b4: {  	[sflag:s16] =	ssyncadd.s32 $0xFFFFFC18  }
0x2b5: {  	[tilespmem:s9], [sflag:$0x1] =	stream.indirect.gather [hbm4b:s31+s17], $0x10, s17, s17, $0xb8;
	[tilespmem:$0x109A0] =	vst v63  }
0x2b6: {  	_ = 	snop  }
0x2b7: {  	[tilespmem:s10], [sflag:$0x1] =	stream.indirect.gather [hbm4b:s31+s17], $0x10, s20, s17, $0xb8;
	[tilespmem:$0x109A0] =	vst v63  }
0x2b8: {  	_ =	swait.ge [sflag:s12], $0x3E80  }
0x2b9: {  	[sflag:s12] =	ssyncset.done $0x0  }
0x2ba: {  	[sflag:s12] =	ssyncadd.s32 $0xFFFFC180  }
0x2bb: {  	_ =	swait.ge [sflag:s12], $0x3E80  }
0x2bc: {  	[sflag:s12] =	ssyncset.done $0x0  }
0x2bd: {  	s3 =	rddreg [dreg:$0x18];
	[sflag:s12] =	ssyncadd.s32 $0xFFFFC180  }
0x2be: {  	[hbm4b:s3+s2] =	stream.linear.scatter [tilespmem:s11], [sflag:$0x2], $0x3E80, $0x38;
	[tilespmem:$0x109A0] =	vst v63  }
0x2bf: {  	s7 =	rddreg [dreg:$0x19]  }
0x2c0: {  	[hbm4b:s7+s2] =	stream.linear.scatter [tilespmem:s14], [sflag:$0x2], $0x3E80, $0x38;
	[tilespmem:$0x109A0] =	vst v63  }
0x2c1: {  	_ =	swait.ge [sflag:s6], $0x3E80  }
0x2c2: {  	[sflag:s6] =	ssyncset.done $0x0  }
0x2c3: {  	[sflag:s6] =	ssyncadd.s32 $0xFFFFC180  }
0x2c4: {  	_ =	swait.ge [sflag:s6], $0x3E80  }
0x2c5: {  	[sflag:s6] =	ssyncset.done $0x0  }
0x2c6: {  	s13 =	rddreg [dreg:$0x1a];
	[sflag:s6] =	ssyncadd.s32 $0xFFFFC180  }
0x2c7: {  	[tilespmem:s2], [sflag:$0x3] =	stream.linear.gather [hbm4b:s13+s2], $0x3E8, $0x38;
	[tilespmem:$0x109A0] =	vst v63  }
0x2c8: {  	_ =	swait.ge [sflag:s16], $0x3E8  }
0x2c9: {  	[sflag:s16] =	ssyncset.done $0x0  }
0x2ca: {  	[sflag:s16] =	ssyncadd.s32 $0xFFFFFC18  }
0x2cb: {  	[tilespmem:s25], [sflag:$0x3] =	stream.linear.gather [hbm4b:s4+s2], $0x3E8, $0x38;
	[tilespmem:$0x109A0] =	vst v63  }
0x2cc: {  	_ =	swait.ge [sflag:s16], $0x3E8  }
0x2cd: {  	[sflag:s16] =	ssyncset.done $0x0  }
0x2ce: {  	[sflag:s16] =	ssyncadd.s32 $0xFFFFFC18  }
0x2cf: {  	[tilespmem:s11], [sflag:$0x1] =	stream.indirect.gather [hbm4b:s31+s17], $0x10, s2, s17, $0xb8;
	[tilespmem:$0x109A0] =	vst v63  }
0x2d0: {  	_ = 	snop  }
0x2d1: {  	[tilespmem:s14], [sflag:$0x1] =	stream.indirect.gather [hbm4b:s31+s17], $0x10, s25, s17, $0xb8;
	[tilespmem:$0x109A0] =	vst v63  }
0x2d2: {  	_ =	swait.ge [sflag:s12], $0x3E80  }
0x2d3: {  	[sflag:s12] =	ssyncset.done $0x0  }
0x2d4: {  	[sflag:s12] =	ssyncadd.s32 $0xFFFFC180  }
0x2d5: {  	_ =	swait.ge [sflag:s12], $0x3E80  }
0x2d6: {  	[sflag:s12] =	ssyncset.done $0x0  }
0x2d7: {  	[sflag:s12] =	ssyncadd.s32 $0xFFFFC180  }
0x2d8: {  	[hbm4b:s29+s2] =	stream.linear.scatter [tilespmem:s9], [sflag:$0x2], $0x3E80, $0x38;
	[tilespmem:$0x109A0] =	vst v63  }
0x2d9: {  	_ = 	snop  }
0x2da: {  	[hbm4b:s30+s2] =	stream.linear.scatter [tilespmem:s10], [sflag:$0x2], $0x3E80, $0x38;
	[tilespmem:$0x109A0] =	vst v63  }
0x2db: {  	_ =	swait.ge [sflag:s6], $0x3E80  }
0x2dc: {  	[sflag:s6] =	ssyncset.done $0x0  }
0x2dd: {  	[sflag:s6] =	ssyncadd.s32 $0xFFFFC180  }
0x2de: {  	_ =	swait.ge [sflag:s6], $0x3E80  }
0x2df: {  	[sflag:s6] =	ssyncset.done $0x0  }
0x2e0: {  	[sflag:s6] =	ssyncadd.s32 $0xFFFFC180  }
0x2e1: {  	[tilespmem:s17], [sflag:$0x3] =	stream.linear.gather [hbm4b:s28+s2], $0x3E8, $0x38;
	[tilespmem:$0x109A0] =	vst v63  }
0x2e2: {  	_ =	swait.ge [sflag:s16], $0x3E8  }
0x2e3: {  	[sflag:s16] =	ssyncset.done $0x0  }
0x2e4: {  	[sflag:s16] =	ssyncadd.s32 $0xFFFFFC18  }
0x2e5: {  	[tilespmem:s20], [sflag:$0x3] =	stream.linear.gather [hbm4b:s26+s2], $0x3E8, $0x38;
	[tilespmem:$0x109A0] =	vst v63  }
0x2e6: {  	_ =	swait.ge [sflag:s16], $0x3E8  }
0x2e7: {  	[sflag:s16] =	ssyncset.done $0x0  }
0x2e8: {  	[sflag:s16] =	ssyncadd.s32 $0xFFFFFC18  }
0x2e9: {  	[tilespmem:s9], [sflag:$0x1] =	stream.indirect.gather [hbm4b:s31+s17], $0x10, s17, s17, $0xb8;
	[tilespmem:$0x109A0] =	vst v63  }
0x2ea: {  	_ = 	snop  }
0x2eb: {  	[tilespmem:s10], [sflag:$0x1] =	stream.indirect.gather [hbm4b:s31+s17], $0x10, s20, s17, $0xb8;
	[tilespmem:$0x109A0] =	vst v63  }
0x2ec: {  	_ =	swait.ge [sflag:s12], $0x3E80  }
0x2ed: {  	[sflag:s12] =	ssyncset.done $0x0  }
0x2ee: {  	[sflag:s12] =	ssyncadd.s32 $0xFFFFC180  }
0x2ef: {  	_ =	swait.ge [sflag:s12], $0x3E80  }
0x2f0: {  	[sflag:s12] =	ssyncset.done $0x0  }
0x2f1: {  	[sflag:s12] =	ssyncadd.s32 $0xFFFFC180  }
0x2f2: {  	[hbm4b:s23+s2] =	stream.linear.scatter [tilespmem:s11], [sflag:$0x2], $0x3E80, $0x38;
	[tilespmem:$0x109A0] =	vst v63  }
0x2f3: {  	_ = 	snop  }
0x2f4: {  	[hbm4b:s24+s2] =	stream.linear.scatter [tilespmem:s14], [sflag:$0x2], $0x3E80, $0x38;
	[tilespmem:$0x109A0] =	vst v63  }
0x2f5: {  	_ =	swait.ge [sflag:s6], $0x3E80  }
0x2f6: {  	[sflag:s6] =	ssyncset.done $0x0  }
0x2f7: {  	[sflag:s6] =	ssyncadd.s32 $0xFFFFC180  }
0x2f8: {  	_ =	swait.ge [sflag:s6], $0x3E80  }
0x2f9: {  	[sflag:s6] =	ssyncset.done $0x0  }
0x2fa: {  	[sflag:s6] =	ssyncadd.s32 $0xFFFFC180  }
0x2fb: {  	[tilespmem:s2], [sflag:$0x3] =	stream.linear.gather [hbm4b:s22+s2], $0x3E8, $0x38;
	[tilespmem:$0x109A0] =	vst v63  }
0x2fc: {  	_ =	swait.ge [sflag:s16], $0x3E8  }
0x2fd: {  	[sflag:s16] =	ssyncset.done $0x0  }
0x2fe: {  	[sflag:s16] =	ssyncadd.s32 $0xFFFFFC18  }
0x2ff: {  	[tilespmem:s25], [sflag:$0x3] =	stream.linear.gather [hbm4b:s21+s2], $0x3E8, $0x38;
	[tilespmem:$0x109A0] =	vst v63  }
0x300: {  	_ =	swait.ge [sflag:s16], $0x3E8  }
0x301: {  	[sflag:s16] =	ssyncset.done $0x0  }
0x302: {  	[sflag:s16] =	ssyncadd.s32 $0xFFFFFC18  }
0x303: {  	[tilespmem:s11], [sflag:$0x1] =	stream.indirect.gather [hbm4b:s31+s17], $0x10, s2, s17, $0xb8;
	[tilespmem:$0x109A0] =	vst v63  }
0x304: {  	_ = 	snop  }
0x305: {  	[tilespmem:s14], [sflag:$0x1] =	stream.indirect.gather [hbm4b:s31+s17], $0x10, s25, s17, $0xb8;
	[tilespmem:$0x109A0] =	vst v63  }
0x306: {  	_ =	swait.ge [sflag:s12], $0x3E80  }
0x307: {  	[sflag:s12] =	ssyncset.done $0x0  }
0x308: {  	[sflag:s12] =	ssyncadd.s32 $0xFFFFC180  }
0x309: {  	_ =	swait.ge [sflag:s12], $0x3E80  }
0x30a: {  	[sflag:s12] =	ssyncset.done $0x0  }
0x30b: {  	s28 =	rddreg [dreg:$0x1e];
	[sflag:s12] =	ssyncadd.s32 $0xFFFFC180  }
0x30c: {  	[hbm4b:s28+s2] =	stream.linear.scatter [tilespmem:s9], [sflag:$0x2], $0x3E80, $0x38;
	[tilespmem:$0x109A0] =	vst v63  }
0x30d: {  	_ = 	snop  }
0x30e: {  	[hbm4b:s19+s2] =	stream.linear.scatter [tilespmem:s10], [sflag:$0x2], $0x3E80, $0x38;
	[tilespmem:$0x109A0] =	vst v63  }
0x30f: {  	_ =	swait.ge [sflag:s6], $0x3E80  }
0x310: {  	[sflag:s6] =	ssyncset.done $0x0  }
0x311: {  	[sflag:s6] =	ssyncadd.s32 $0xFFFFC180  }
0x312: {  	_ =	swait.ge [sflag:s6], $0x3E80  }
0x313: {  	[sflag:s6] =	ssyncset.done $0x0  }
0x314: {  	s29 =	rddreg [dreg:$0x1d];
	[sflag:s6] =	ssyncadd.s32 $0xFFFFC180  }
0x315: {  	[tilespmem:s17], [sflag:$0x3] =	stream.linear.gather [hbm4b:s29+s2], $0x3E8, $0x38;
	[tilespmem:$0x109A0] =	vst v63  }
0x316: {  	_ =	swait.ge [sflag:s16], $0x3E8  }
0x317: {  	[sflag:s16] =	ssyncset.done $0x0  }
0x318: {  	s30 =	rddreg [dreg:$0x1c];
	[sflag:s16] =	ssyncadd.s32 $0xFFFFFC18  }
0x319: {  	[tilespmem:s20], [sflag:$0x3] =	stream.linear.gather [hbm4b:s30+s2], $0x3E8, $0x38;
	[tilespmem:$0x109A0] =	vst v63  }
0x31a: {  	_ =	swait.ge [sflag:s16], $0x3E8  }
0x31b: {  	[sflag:s16] =	ssyncset.done $0x0  }
0x31c: {  	[sflag:s16] =	ssyncadd.s32 $0xFFFFFC18  }
0x31d: {  	[tilespmem:s9], [sflag:$0x1] =	stream.indirect.gather [hbm4b:s31+s17], $0x10, s17, s17, $0xb8;
	[tilespmem:$0x109A0] =	vst v63  }
0x31e: {  	_ = 	snop  }
0x31f: {  	[tilespmem:s10], [sflag:$0x1] =	stream.indirect.gather [hbm4b:s31+s17], $0x10, s20, s17, $0xb8;
	[tilespmem:$0x109A0] =	vst v63  }
0x320: {  	_ =	swait.ge [sflag:s12], $0x3E80  }
0x321: {  	[sflag:s12] =	ssyncset.done $0x0  }
0x322: {  	[sflag:s12] =	ssyncadd.s32 $0xFFFFC180  }
0x323: {  	_ =	swait.ge [sflag:s12], $0x3E80  }
0x324: {  	[sflag:s12] =	ssyncset.done $0x0  }
0x325: {  	[sflag:s12] =	ssyncadd.s32 $0xFFFFC180  }
0x326: {  	[hbm4b:s8+s2] =	stream.linear.scatter [tilespmem:s11], [sflag:$0x2], $0x3E80, $0x38;
	[tilespmem:$0x109A0] =	vst v63  }
0x327: {  	_ = 	snop  }
0x328: {  	[hbm4b:s15+s2] =	stream.linear.scatter [tilespmem:s14], [sflag:$0x2], $0x3E80, $0x38;
	[tilespmem:$0x109A0] =	vst v63  }
0x329: {  	_ =	swait.ge [sflag:s12], $0x3E80  }
0x32a: {  	[sflag:s12] =	ssyncset.done $0x0  }
0x32b: {  	[sflag:s12] =	ssyncadd.s32 $0xFFFFC180  }
0x32c: {  	_ =	swait.ge [sflag:s12], $0x3E80  }
0x32d: {  	[sflag:s12] =	ssyncset.done $0x0  }
0x32e: {  	[sflag:s12] =	ssyncadd.s32 $0xFFFFC180  }
0x32f: {  	[hbm4b:s5+s2] =	stream.linear.scatter [tilespmem:s9], [sflag:$0x2], $0x3E80, $0x38;
	[tilespmem:$0x109A0] =	vst v63  }
0x330: {  	_ = 	snop  }
0x331: {  	[hbm4b:s18+s2] =	stream.linear.scatter [tilespmem:s10], [sflag:$0x2], $0x3E80, $0x38;
	[tilespmem:$0x109A0] =	vst v63  }
0x332: {  	_ =	swait.ge [sflag:s6], $0x3E80  }
0x333: {  	[sflag:s6] =	ssyncset.done $0x0  }
0x334: {  	[sflag:s6] =	ssyncadd.s32 $0xFFFFC180  }
0x335: {  	_ =	swait.ge [sflag:s6], $0x3E80  }
0x336: {  	[sflag:s6] =	ssyncset.done $0x0  }
0x337: {  	[sflag:s6] =	ssyncadd.s32 $0xFFFFC180  }
0x338: {  	_ =	swait.ge [sflag:s6], $0x3E80  }
0x339: {  	[sflag:s6] =	ssyncset.done $0x0  }
0x33a: {  	[sflag:s6] =	ssyncadd.s32 $0xFFFFC180  }
0x33b: {  	_ =	swait.ge [sflag:s6], $0x3E80  }
0x33c: {  	[sflag:s6] =	ssyncset.done $0x0  }
0x33d: {  	[sflag:s6] =	ssyncadd.s32 $0xFFFFC180  }
0x33e: {  	_ =	sfence.sel $0x180000  }
0x33f: {  	[bflag:$0x0] =	sbarrier.arrive $0xFFFF  }
0x340: {  	_ =	strace $0x90000047  }
0x341: {  	s31 =	stileid.u32;
	[bflag:$0x2] =	sbarrier.arrive $0xFFFF  }
0x342: {  	p0 =	sne.s32 s31, $0x0;
	s0 =	rddreg [dreg:$0x3]  }
0x343: {  	s0 =	sadd.s32 @!p0 $0x100000, s0  }
0x344: {  	[sflag:s0] =	ssyncadd.tile.s32 @!p0 $0x1;
	_ =	shalt  }
.Lfunc_end2:
_tile_overlayer_lowered:
.L_overlay_start_2:
0x345: {  	(tag) =	ssettag $0x2  }
0x346: {  	s0 =	rddreg [dreg:$0x0];
	s2 =	stileid.u32  }
0x347: {  	s1 =	rddreg [dreg:$0x1];
	p0 =	sne.s32 s2, $0x0  }
0x348: {  	s3 =	rddreg [dreg:$0x2];
	[bflag:$0x3] =	sbarrier.arrive $0xFFFF;
	s2 =	simm.s32 @!p0 $0x1C03  }
0x349: {  	[timem:s3], [sflag:s2] =	dma.local @!p0 [hbm:s0], s1  }
0x34a: {  	s0 =	simm.s32 @!p0 $0x3  }
0x34b: {  	_ =	swait.ge @!p0 [sflag:s0], s1  }
0x34c: {  	s1 =	ssub.s32 @!p0 $0x0, s1;
	[sflag:s0] =	ssyncset.done @!p0 $0x0  }
0x34d: {  	[sflag:s0] =	ssyncadd.s32 @!p0 s1  }
0x34e: {  	[bflag:$0x3] =	sbarrier.arrive $0xFFFF  }
0x34f: {  	_ =	shalt  }

</sc_bundles>
